<compile_context>
chip_gen: v7x
topology: tpu7x:2x2x1
jax: 0.10.2.dev20260603
libtpu: 0.0.44.dev20260713+nightly
codegen_flags: <defaults>
</compile_context>

<pallas_src>
import functools

import jax
import jax.numpy as jnp
from jax import lax
from jax.experimental import pallas as pl
from jax.experimental.pallas import tpu as pltpu
from jax.experimental.pallas import tpu_sc as plsc

D = 64
SEQ = 200
SCALE = 8.0
LANES = 16

_info = plsc.get_sparse_core_info()
_NC = _info.num_cores
_NS = _info.num_subcores
_NW = _NC * _NS

S = 4
G = 40
GPS = SEQ // G


def _emb_kernel(B: int, V: int):
    sent_per_w = B // _NW
    n_chunks = sent_per_w // S
    n_pairs = n_chunks // 2
    mesh = plsc.VectorSubcoreMesh(core_axis_name="c", subcore_axis_name="s")

    @functools.partial(
        pl.kernel,
        mesh=mesh,
        out_type=jax.ShapeDtypeStruct((B, SEQ, D), jnp.float32),
        scratch_types=[
            pltpu.VMEM((S, SEQ), jnp.int32),
            pltpu.VMEM((S, SEQ, D), jnp.float32),
            pltpu.VMEM((S, SEQ, D), jnp.float32),
            pltpu.SemaphoreType.DMA,
            pltpu.SemaphoreType.DMA,
            pltpu.SemaphoreType.DMA,
        ],
        compiler_params=pltpu.CompilerParams(use_tc_tiling_on_sc=False),
    )
    def k(idx_hbm, table_hbm, out_hbm, idx_v, rows0, rows1, gsem, osem0, osem1):
        wid = lax.axis_index("s") * _NC + lax.axis_index("c")
        base = wid * sent_per_w
        rows = (rows0, rows1)
        osem = (osem0, osem1)

        def chunk_step(c, b):
            s0 = base + c * S
            @pl.when(c >= 2)
            def _():
                pltpu.make_async_copy(
                    rows[b], out_hbm.at[pl.ds(s0 - 2 * S, S)], osem[b]
                ).wait()

            pltpu.sync_copy(idx_hbm.at[pl.ds(s0, S)], idx_v)
            copies = []
            for s in range(S):
                for h in range(GPS):
                    copies.append(pltpu.async_copy(
                        table_hbm.at[idx_v.at[s, pl.ds(h * G, G)]],
                        rows[b].at[s, pl.ds(h * G, G)],
                        gsem,
                    ))
            for cp in copies:
                cp.wait()

            for s in range(S):
                @plsc.parallel_loop(0, SEQ, unroll=4)
                def _(r):
                    for cc in range(D // LANES):
                        sl = pl.ds(cc * LANES, LANES)
                        rows[b][s, r, sl] = rows[b][s, r, sl] * SCALE

            pltpu.make_async_copy(
                rows[b], out_hbm.at[pl.ds(s0, S)], osem[b]
            ).start()

        def pair_body(p, _):
            chunk_step(2 * p, 0)
            chunk_step(2 * p + 1, 1)
            return 0

        lax.fori_loop(0, n_pairs, pair_body, 0)

        last0 = base + (n_chunks - 2) * S
        pltpu.make_async_copy(rows[0], out_hbm.at[pl.ds(last0, S)], osem[0]).wait()
        pltpu.make_async_copy(
            rows[1], out_hbm.at[pl.ds(last0 + S, S)], osem[1]
        ).wait()

    return k


def kernel(x, lut):
    B, seq = x.shape
    assert seq == SEQ and lut.shape[1] == D
    return _emb_kernel(B, lut.shape[0])(x.astype(jnp.int32), lut)

# --- scband reference (transcript-rebuilt; emitter-appended) ---
"""Pipeline reference for scband-embeddings-2740189135226 (READ-ONLY COPY).

The authoritative reference and input builder live on the scoring server;
editing this copy changes nothing except your own understanding.
"""

import jax, jax.numpy as jnp
import numpy as np
import math

D_MODEL = 64
VOCAB = 1000000

def setup_inputs(seed: int = 0) -> dict:
    key = jax.random.key(seed)
    k1, k2 = jax.random.split(key)
    x = jax.random.randint(k1, (4096, 200), 0, VOCAB, dtype=jnp.int64 if jax.config.jax_enable_x64 else jnp.int32)
    lut = jax.random.normal(k2, (VOCAB, D_MODEL), dtype=jnp.float32)
    return {"x": x, "lut": lut}

def reference(x, lut):
    # nn.Embedding lookup followed by scale by sqrt(d_model)
    emb = jnp.take(lut, x, axis=0)
    return emb * math.sqrt(D_MODEL)

if __name__ == "__main__":
    import jax
    _d = setup_inputs()
    print(jax.jit(kernel)(*tuple(_d.values())))

</pallas_src>

<mosaic_0001>
#map = affine_map<(d0, d1) -> (0, 0)>
#map1 = affine_map<(d0, d1) -> (0, 0, 0)>
module attributes {stable_mosaic.version = 14 : i64} {
  func.func @k(%arg0: i32, %arg1: i32, %arg2: memref<4096x200xi32, #tpu.memory_space<hbm>>, %arg3: memref<1000000x64xf32, #tpu.memory_space<hbm>>, %arg4: memref<4096x200x64xf32, #tpu.memory_space<hbm>>, %arg5: memref<4x200xi32, #tpu.memory_space<vmem>>, %arg6: memref<4x200x64xf32, #tpu.memory_space<vmem>>, %arg7: memref<4x200x64xf32, #tpu.memory_space<vmem>>, %arg8: memref<!tpu.dma_semaphore, #tpu.memory_space<semaphore_mem>>, %arg9: memref<!tpu.dma_semaphore, #tpu.memory_space<semaphore_mem>>, %arg10: memref<!tpu.dma_semaphore, #tpu.memory_space<semaphore_mem>>) attributes {dimension_semantics = [#tpu.dimension_semantics<core_parallel>, #tpu.dimension_semantics<subcore_parallel>], iteration_bounds = array<i64: 2, 16>, scalar_prefetch = 0 : i64, scratch_operands = 6 : i64, tpu.core_type = #tpu.core_type<sc_vector_subcore>, window_params = [{transform_indices = #map}, {transform_indices = #map}, {transform_indices = #map1}]} {
    %mul3A = arith.constant 2 : i32
    %mul3A_0 = arith.muli %arg1, %mul3A : i32
    %add3A = arith.addi %mul3A_0, %arg0 : i32
    %mul3A_1 = arith.constant 128 : i32
    %mul3A_2 = arith.muli %add3A, %mul3A_1 : i32
    %scan3A = arith.constant 0 : i32
    %scan3A_3 = arith.constant 0 : i32
    %scan3A_4 = arith.constant 16 : i32
    %scan3A_5 = arith.addi %scan3A_3, %scan3A_4 : i32
    %scan3A_6 = arith.constant 1 : i32
    %scan3A_7 = scf.for %scan3A_24 = %scan3A_3 to %scan3A_5 step %scan3A_6 iter_args(%scan3A_25 = %scan3A) -> (i32)  : i32 {
      %mul3A_26 = arith.constant 2 : i32
      %mul3A_27 = arith.muli %mul3A_26, %scan3A_24 : i32
      %mul3A_28 = arith.constant 4 : i32
      %mul3A_29 = arith.muli %mul3A_27, %mul3A_28 : i32
      %add3A_30 = arith.addi %mul3A_2, %mul3A_29 : i32
      %ge3A = arith.constant 2 : i32
      %ge3A_31 = arith.cmpi sge, %mul3A_27, %ge3A : i32
      %convert_element_type3A = arith.extui %ge3A_31 : i1 to i32
      %cond3A = arith.constant 0 : i32
      %cond3A_32 = arith.cmpi ne, %convert_element_type3A, %cond3A : i32
      scf.if %cond3A_32 {
        %sub3A = arith.constant 8 : i32
        %sub3A_1040 = arith.subi %add3A_30, %sub3A : i32
        %dma_wait3A_1041 = arith.constant 0 : i32
        %dma_wait3A_1042 = arith.constant 0 : i32
        %dma_wait3A_1043 = tpu.memref_slice %arg4[%sub3A_1040, %dma_wait3A_1041, %dma_wait3A_1042] : memref<4096x200x64xf32, #tpu.memory_space<hbm>> -> memref<4x200x64xf32, #tpu.memory_space<hbm>>
        %dma_wait3A_1044 = arith.constant 0 : i32
        %dma_wait3A_1045 = arith.constant 0 : i32
        %dma_wait3A_1046 = tpu.memref_slice %arg4[%sub3A_1040, %dma_wait3A_1044, %dma_wait3A_1045] : memref<4096x200x64xf32, #tpu.memory_space<hbm>> -> memref<4x200x64xf32, #tpu.memory_space<hbm>>
        tpu.wait_dma2 semaphore(%arg9 : memref<!tpu.dma_semaphore, #tpu.memory_space<semaphore_mem>>) src(%arg6 : memref<4x200x64xf32, #tpu.memory_space<vmem>>) dst(%dma_wait3A_1046 : memref<4x200x64xf32, #tpu.memory_space<hbm>>)
      } else {
      }
      "tpu.region"() ({
        %run_scoped3A = tpu.sem_alloc : memref<!tpu.dma_semaphore, #tpu.memory_space<semaphore_mem>>
        %dma_start3A_1040 = arith.constant 0 : i32
        %dma_start3A_1041 = tpu.memref_slice %arg2[%add3A_30, %dma_start3A_1040] : memref<4096x200xi32, #tpu.memory_space<hbm>> -> memref<4x200xi32, #tpu.memory_space<hbm>>
        %dma_start3A_1042 = arith.constant 0 : i32
        %dma_start3A_1043 = tpu.memref_slice %arg2[%add3A_30, %dma_start3A_1042] : memref<4096x200xi32, #tpu.memory_space<hbm>> -> memref<4x200xi32, #tpu.memory_space<hbm>>
        tpu.enqueue_dma source(%dma_start3A_1043 : memref<4x200xi32, #tpu.memory_space<hbm>>) target(%arg5 : memref<4x200xi32, #tpu.memory_space<vmem>>) target_semaphore(%run_scoped3A : memref<!tpu.dma_semaphore, #tpu.memory_space<semaphore_mem>>)
        %dma_wait3A_1044 = arith.constant 0 : i32
        %dma_wait3A_1045 = tpu.memref_slice %arg2[%add3A_30, %dma_wait3A_1044] : memref<4096x200xi32, #tpu.memory_space<hbm>> -> memref<4x200xi32, #tpu.memory_space<hbm>>
        %dma_wait3A_1046 = arith.constant 0 : i32
        %dma_wait3A_1047 = tpu.memref_slice %arg2[%add3A_30, %dma_wait3A_1046] : memref<4096x200xi32, #tpu.memory_space<hbm>> -> memref<4x200xi32, #tpu.memory_space<hbm>>
        tpu.wait_dma2 semaphore(%run_scoped3A : memref<!tpu.dma_semaphore, #tpu.memory_space<semaphore_mem>>) src(%dma_wait3A_1047 : memref<4x200xi32, #tpu.memory_space<hbm>>) dst(%arg5 : memref<4x200xi32, #tpu.memory_space<vmem>>)
        tpu.yield
      }) : () -> ()
      %dma_start3A = arith.constant 0 : i32
      %dma_start3A_33 = arith.constant 0 : i32
      %dma_start3A_34 = arith.constant 0 : i32
      %dma_start3A_35 = arith.constant 0 : i32
      %dma_start3A_36 = tpu.memref_slice %arg6[%dma_start3A_33, %dma_start3A_34, %dma_start3A_35] : memref<4x200x64xf32, #tpu.memory_space<vmem>> -> memref<1x40x64xf32, #tpu.memory_space<vmem>>
      %dma_start3A_37 = tpu.memref_squeeze %dma_start3A_36 : memref<1x40x64xf32, #tpu.memory_space<vmem>> -> memref<40x64xf32, #tpu.memory_space<vmem>>
      %dma_start3A_38 = arith.constant 0 : i32
      %dma_start3A_39 = tpu.memref_slice %arg5[%dma_start3A, %dma_start3A_38] : memref<4x200xi32, #tpu.memory_space<vmem>> -> memref<1x40xi32, #tpu.memory_space<vmem>>
      %dma_start3A_40 = tpu.memref_squeeze %dma_start3A_39 : memref<1x40xi32, #tpu.memory_space<vmem>> -> memref<40xi32, #tpu.memory_space<vmem>>
      %dma_start3A_41 = arith.constant 0 : i32
      %dma_start3A_42 = arith.constant 0 : i32
      %dma_start3A_43 = tpu.memref_slice %arg3[%dma_start3A_41, %dma_start3A_42] : memref<1000000x64xf32, #tpu.memory_space<hbm>> -> memref<1000000x64xf32, #tpu.memory_space<hbm>>
      tpu.enqueue_indirect_dma source(%dma_start3A_43 : memref<1000000x64xf32, #tpu.memory_space<hbm>>) target(%dma_start3A_37 : memref<40x64xf32, #tpu.memory_space<vmem>>) offsets(%dma_start3A_40 : memref<40xi32, #tpu.memory_space<vmem>>) semaphore(%arg8 : memref<!tpu.dma_semaphore, #tpu.memory_space<semaphore_mem>>)
      %dma_start3A_44 = arith.constant 0 : i32
      %dma_start3A_45 = arith.constant 0 : i32
      %dma_start3A_46 = arith.constant 40 : i32
      %dma_start3A_47 = arith.constant 0 : i32
      %dma_start3A_48 = tpu.memref_slice %arg6[%dma_start3A_45, %dma_start3A_46, %dma_start3A_47] : memref<4x200x64xf32, #tpu.memory_space<vmem>> -> memref<1x40x64xf32, #tpu.memory_space<vmem>>
      %dma_start3A_49 = tpu.memref_squeeze %dma_start3A_48 : memref<1x40x64xf32, #tpu.memory_space<vmem>> -> memref<40x64xf32, #tpu.memory_space<vmem>>
      %dma_start3A_50 = arith.constant 40 : i32
      %dma_start3A_51 = tpu.memref_slice %arg5[%dma_start3A_44, %dma_start3A_50] : memref<4x200xi32, #tpu.memory_space<vmem>> -> memref<1x40xi32, #tpu.memory_space<vmem>>
      %dma_start3A_52 = tpu.memref_squeeze %dma_start3A_51 : memref<1x40xi32, #tpu.memory_space<vmem>> -> memref<40xi32, #tpu.memory_space<vmem>>
      %dma_start3A_53 = arith.constant 0 : i32
      %dma_start3A_54 = arith.constant 0 : i32
      %dma_start3A_55 = tpu.memref_slice %arg3[%dma_start3A_53, %dma_start3A_54] : memref<1000000x64xf32, #tpu.memory_space<hbm>> -> memref<1000000x64xf32, #tpu.memory_space<hbm>>
      tpu.enqueue_indirect_dma source(%dma_start3A_55 : memref<1000000x64xf32, #tpu.memory_space<hbm>>) target(%dma_start3A_49 : memref<40x64xf32, #tpu.memory_space<vmem>>) offsets(%dma_start3A_52 : memref<40xi32, #tpu.memory_space<vmem>>) semaphore(%arg8 : memref<!tpu.dma_semaphore, #tpu.memory_space<semaphore_mem>>)
      %dma_start3A_56 = arith.constant 0 : i32
      %dma_start3A_57 = arith.constant 0 : i32
      %dma_start3A_58 = arith.constant 80 : i32
      %dma_start3A_59 = arith.constant 0 : i32
      %dma_start3A_60 = tpu.memref_slice %arg6[%dma_start3A_57, %dma_start3A_58, %dma_start3A_59] : memref<4x200x64xf32, #tpu.memory_space<vmem>> -> memref<1x40x64xf32, #tpu.memory_space<vmem>>
      %dma_start3A_61 = tpu.memref_squeeze %dma_start3A_60 : memref<1x40x64xf32, #tpu.memory_space<vmem>> -> memref<40x64xf32, #tpu.memory_space<vmem>>
      %dma_start3A_62 = arith.constant 80 : i32
      %dma_start3A_63 = tpu.memref_slice %arg5[%dma_start3A_56, %dma_start3A_62] : memref<4x200xi32, #tpu.memory_space<vmem>> -> memref<1x40xi32, #tpu.memory_space<vmem>>
      %dma_start3A_64 = tpu.memref_squeeze %dma_start3A_63 : memref<1x40xi32, #tpu.memory_space<vmem>> -> memref<40xi32, #tpu.memory_space<vmem>>
      %dma_start3A_65 = arith.constant 0 : i32
      %dma_start3A_66 = arith.constant 0 : i32
      %dma_start3A_67 = tpu.memref_slice %arg3[%dma_start3A_65, %dma_start3A_66] : memref<1000000x64xf32, #tpu.memory_space<hbm>> -> memref<1000000x64xf32, #tpu.memory_space<hbm>>
      tpu.enqueue_indirect_dma source(%dma_start3A_67 : memref<1000000x64xf32, #tpu.memory_space<hbm>>) target(%dma_start3A_61 : memref<40x64xf32, #tpu.memory_space<vmem>>) offsets(%dma_start3A_64 : memref<40xi32, #tpu.memory_space<vmem>>) semaphore(%arg8 : memref<!tpu.dma_semaphore, #tpu.memory_space<semaphore_mem>>)
      %dma_start3A_68 = arith.constant 0 : i32
      %dma_start3A_69 = arith.constant 0 : i32
      %dma_start3A_70 = arith.constant 120 : i32
      %dma_start3A_71 = arith.constant 0 : i32
      %dma_start3A_72 = tpu.memref_slice %arg6[%dma_start3A_69, %dma_start3A_70, %dma_start3A_71] : memref<4x200x64xf32, #tpu.memory_space<vmem>> -> memref<1x40x64xf32, #tpu.memory_space<vmem>>
      %dma_start3A_73 = tpu.memref_squeeze %dma_start3A_72 : memref<1x40x64xf32, #tpu.memory_space<vmem>> -> memref<40x64xf32, #tpu.memory_space<vmem>>
      %dma_start3A_74 = arith.constant 120 : i32
      %dma_start3A_75 = tpu.memref_slice %arg5[%dma_start3A_68, %dma_start3A_74] : memref<4x200xi32, #tpu.memory_space<vmem>> -> memref<1x40xi32, #tpu.memory_space<vmem>>
      %dma_start3A_76 = tpu.memref_squeeze %dma_start3A_75 : memref<1x40xi32, #tpu.memory_space<vmem>> -> memref<40xi32, #tpu.memory_space<vmem>>
      %dma_start3A_77 = arith.constant 0 : i32
      %dma_start3A_78 = arith.constant 0 : i32
      %dma_start3A_79 = tpu.memref_slice %arg3[%dma_start3A_77, %dma_start3A_78] : memref<1000000x64xf32, #tpu.memory_space<hbm>> -> memref<1000000x64xf32, #tpu.memory_space<hbm>>
      tpu.enqueue_indirect_dma source(%dma_start3A_79 : memref<1000000x64xf32, #tpu.memory_space<hbm>>) target(%dma_start3A_73 : memref<40x64xf32, #tpu.memory_space<vmem>>) offsets(%dma_start3A_76 : memref<40xi32, #tpu.memory_space<vmem>>) semaphore(%arg8 : memref<!tpu.dma_semaphore, #tpu.memory_space<semaphore_mem>>)
      %dma_start3A_80 = arith.constant 0 : i32
      %dma_start3A_81 = arith.constant 0 : i32
      %dma_start3A_82 = arith.constant 160 : i32
      %dma_start3A_83 = arith.constant 0 : i32
      %dma_start3A_84 = tpu.memref_slice %arg6[%dma_start3A_81, %dma_start3A_82, %dma_start3A_83] : memref<4x200x64xf32, #tpu.memory_space<vmem>> -> memref<1x40x64xf32, #tpu.memory_space<vmem>>
      %dma_start3A_85 = tpu.memref_squeeze %dma_start3A_84 : memref<1x40x64xf32, #tpu.memory_space<vmem>> -> memref<40x64xf32, #tpu.memory_space<vmem>>
      %dma_start3A_86 = arith.constant 160 : i32
      %dma_start3A_87 = tpu.memref_slice %arg5[%dma_start3A_80, %dma_start3A_86] : memref<4x200xi32, #tpu.memory_space<vmem>> -> memref<1x40xi32, #tpu.memory_space<vmem>>
      %dma_start3A_88 = tpu.memref_squeeze %dma_start3A_87 : memref<1x40xi32, #tpu.memory_space<vmem>> -> memref<40xi32, #tpu.memory_space<vmem>>
      %dma_start3A_89 = arith.constant 0 : i32
      %dma_start3A_90 = arith.constant 0 : i32
      %dma_start3A_91 = tpu.memref_slice %arg3[%dma_start3A_89, %dma_start3A_90] : memref<1000000x64xf32, #tpu.memory_space<hbm>> -> memref<1000000x64xf32, #tpu.memory_space<hbm>>
      tpu.enqueue_indirect_dma source(%dma_start3A_91 : memref<1000000x64xf32, #tpu.memory_space<hbm>>) target(%dma_start3A_85 : memref<40x64xf32, #tpu.memory_space<vmem>>) offsets(%dma_start3A_88 : memref<40xi32, #tpu.memory_space<vmem>>) semaphore(%arg8 : memref<!tpu.dma_semaphore, #tpu.memory_space<semaphore_mem>>)
      %dma_start3A_92 = arith.constant 1 : i32
      %dma_start3A_93 = arith.constant 1 : i32
      %dma_start3A_94 = arith.constant 0 : i32
      %dma_start3A_95 = arith.constant 0 : i32
      %dma_start3A_96 = tpu.memref_slice %arg6[%dma_start3A_93, %dma_start3A_94, %dma_start3A_95] : memref<4x200x64xf32, #tpu.memory_space<vmem>> -> memref<1x40x64xf32, #tpu.memory_space<vmem>>
      %dma_start3A_97 = tpu.memref_squeeze %dma_start3A_96 : memref<1x40x64xf32, #tpu.memory_space<vmem>> -> memref<40x64xf32, #tpu.memory_space<vmem>>
      %dma_start3A_98 = arith.constant 0 : i32
      %dma_start3A_99 = tpu.memref_slice %arg5[%dma_start3A_92, %dma_start3A_98] : memref<4x200xi32, #tpu.memory_space<vmem>> -> memref<1x40xi32, #tpu.memory_space<vmem>>
      %dma_start3A_100 = tpu.memref_squeeze %dma_start3A_99 : memref<1x40xi32, #tpu.memory_space<vmem>> -> memref<40xi32, #tpu.memory_space<vmem>>
      %dma_start3A_101 = arith.constant 0 : i32
      %dma_start3A_102 = arith.constant 0 : i32
      %dma_start3A_103 = tpu.memref_slice %arg3[%dma_start3A_101, %dma_start3A_102] : memref<1000000x64xf32, #tpu.memory_space<hbm>> -> memref<1000000x64xf32, #tpu.memory_space<hbm>>
      tpu.enqueue_indirect_dma source(%dma_start3A_103 : memref<1000000x64xf32, #tpu.memory_space<hbm>>) target(%dma_start3A_97 : memref<40x64xf32, #tpu.memory_space<vmem>>) offsets(%dma_start3A_100 : memref<40xi32, #tpu.memory_space<vmem>>) semaphore(%arg8 : memref<!tpu.dma_semaphore, #tpu.memory_space<semaphore_mem>>)
      %dma_start3A_104 = arith.constant 1 : i32
      %dma_start3A_105 = arith.constant 1 : i32
      %dma_start3A_106 = arith.constant 40 : i32
      %dma_start3A_107 = arith.constant 0 : i32
      %dma_start3A_108 = tpu.memref_slice %arg6[%dma_start3A_105, %dma_start3A_106, %dma_start3A_107] : memref<4x200x64xf32, #tpu.memory_space<vmem>> -> memref<1x40x64xf32, #tpu.memory_space<vmem>>
      %dma_start3A_109 = tpu.memref_squeeze %dma_start3A_108 : memref<1x40x64xf32, #tpu.memory_space<vmem>> -> memref<40x64xf32, #tpu.memory_space<vmem>>
      %dma_start3A_110 = arith.constant 40 : i32
      %dma_start3A_111 = tpu.memref_slice %arg5[%dma_start3A_104, %dma_start3A_110] : memref<4x200xi32, #tpu.memory_space<vmem>> -> memref<1x40xi32, #tpu.memory_space<vmem>>
      %dma_start3A_112 = tpu.memref_squeeze %dma_start3A_111 : memref<1x40xi32, #tpu.memory_space<vmem>> -> memref<40xi32, #tpu.memory_space<vmem>>
      %dma_start3A_113 = arith.constant 0 : i32
      %dma_start3A_114 = arith.constant 0 : i32
      %dma_start3A_115 = tpu.memref_slice %arg3[%dma_start3A_113, %dma_start3A_114] : memref<1000000x64xf32, #tpu.memory_space<hbm>> -> memref<1000000x64xf32, #tpu.memory_space<hbm>>
      tpu.enqueue_indirect_dma source(%dma_start3A_115 : memref<1000000x64xf32, #tpu.memory_space<hbm>>) target(%dma_start3A_109 : memref<40x64xf32, #tpu.memory_space<vmem>>) offsets(%dma_start3A_112 : memref<40xi32, #tpu.memory_space<vmem>>) semaphore(%arg8 : memref<!tpu.dma_semaphore, #tpu.memory_space<semaphore_mem>>)
      %dma_start3A_116 = arith.constant 1 : i32
      %dma_start3A_117 = arith.constant 1 : i32
      %dma_start3A_118 = arith.constant 80 : i32
      %dma_start3A_119 = arith.constant 0 : i32
      %dma_start3A_120 = tpu.memref_slice %arg6[%dma_start3A_117, %dma_start3A_118, %dma_start3A_119] : memref<4x200x64xf32, #tpu.memory_space<vmem>> -> memref<1x40x64xf32, #tpu.memory_space<vmem>>
      %dma_start3A_121 = tpu.memref_squeeze %dma_start3A_120 : memref<1x40x64xf32, #tpu.memory_space<vmem>> -> memref<40x64xf32, #tpu.memory_space<vmem>>
      %dma_start3A_122 = arith.constant 80 : i32
      %dma_start3A_123 = tpu.memref_slice %arg5[%dma_start3A_116, %dma_start3A_122] : memref<4x200xi32, #tpu.memory_space<vmem>> -> memref<1x40xi32, #tpu.memory_space<vmem>>
      %dma_start3A_124 = tpu.memref_squeeze %dma_start3A_123 : memref<1x40xi32, #tpu.memory_space<vmem>> -> memref<40xi32, #tpu.memory_space<vmem>>
      %dma_start3A_125 = arith.constant 0 : i32
      %dma_start3A_126 = arith.constant 0 : i32
      %dma_start3A_127 = tpu.memref_slice %arg3[%dma_start3A_125, %dma_start3A_126] : memref<1000000x64xf32, #tpu.memory_space<hbm>> -> memref<1000000x64xf32, #tpu.memory_space<hbm>>
      tpu.enqueue_indirect_dma source(%dma_start3A_127 : memref<1000000x64xf32, #tpu.memory_space<hbm>>) target(%dma_start3A_121 : memref<40x64xf32, #tpu.memory_space<vmem>>) offsets(%dma_start3A_124 : memref<40xi32, #tpu.memory_space<vmem>>) semaphore(%arg8 : memref<!tpu.dma_semaphore, #tpu.memory_space<semaphore_mem>>)
      %dma_start3A_128 = arith.constant 1 : i32
      %dma_start3A_129 = arith.constant 1 : i32
      %dma_start3A_130 = arith.constant 120 : i32
      %dma_start3A_131 = arith.constant 0 : i32
      %dma_start3A_132 = tpu.memref_slice %arg6[%dma_start3A_129, %dma_start3A_130, %dma_start3A_131] : memref<4x200x64xf32, #tpu.memory_space<vmem>> -> memref<1x40x64xf32, #tpu.memory_space<vmem>>
      %dma_start3A_133 = tpu.memref_squeeze %dma_start3A_132 : memref<1x40x64xf32, #tpu.memory_space<vmem>> -> memref<40x64xf32, #tpu.memory_space<vmem>>
      %dma_start3A_134 = arith.constant 120 : i32
      %dma_start3A_135 = tpu.memref_slice %arg5[%dma_start3A_128, %dma_start3A_134] : memref<4x200xi32, #tpu.memory_space<vmem>> -> memref<1x40xi32, #tpu.memory_space<vmem>>
      %dma_start3A_136 = tpu.memref_squeeze %dma_start3A_135 : memref<1x40xi32, #tpu.memory_space<vmem>> -> memref<40xi32, #tpu.memory_space<vmem>>
      %dma_start3A_137 = arith.constant 0 : i32
      %dma_start3A_138 = arith.constant 0 : i32
      %dma_start3A_139 = tpu.memref_slice %arg3[%dma_start3A_137, %dma_start3A_138] : memref<1000000x64xf32, #tpu.memory_space<hbm>> -> memref<1000000x64xf32, #tpu.memory_space<hbm>>
      tpu.enqueue_indirect_dma source(%dma_start3A_139 : memref<1000000x64xf32, #tpu.memory_space<hbm>>) target(%dma_start3A_133 : memref<40x64xf32, #tpu.memory_space<vmem>>) offsets(%dma_start3A_136 : memref<40xi32, #tpu.memory_space<vmem>>) semaphore(%arg8 : memref<!tpu.dma_semaphore, #tpu.memory_space<semaphore_mem>>)
      %dma_start3A_140 = arith.constant 1 : i32
      %dma_start3A_141 = arith.constant 1 : i32
      %dma_start3A_142 = arith.constant 160 : i32
      %dma_start3A_143 = arith.constant 0 : i32
      %dma_start3A_144 = tpu.memref_slice %arg6[%dma_start3A_141, %dma_start3A_142, %dma_start3A_143] : memref<4x200x64xf32, #tpu.memory_space<vmem>> -> memref<1x40x64xf32, #tpu.memory_space<vmem>>
      %dma_start3A_145 = tpu.memref_squeeze %dma_start3A_144 : memref<1x40x64xf32, #tpu.memory_space<vmem>> -> memref<40x64xf32, #tpu.memory_space<vmem>>
      %dma_start3A_146 = arith.constant 160 : i32
      %dma_start3A_147 = tpu.memref_slice %arg5[%dma_start3A_140, %dma_start3A_146] : memref<4x200xi32, #tpu.memory_space<vmem>> -> memref<1x40xi32, #tpu.memory_space<vmem>>
      %dma_start3A_148 = tpu.memref_squeeze %dma_start3A_147 : memref<1x40xi32, #tpu.memory_space<vmem>> -> memref<40xi32, #tpu.memory_space<vmem>>
      %dma_start3A_149 = arith.constant 0 : i32
      %dma_start3A_150 = arith.constant 0 : i32
      %dma_start3A_151 = tpu.memref_slice %arg3[%dma_start3A_149, %dma_start3A_150] : memref<1000000x64xf32, #tpu.memory_space<hbm>> -> memref<1000000x64xf32, #tpu.memory_space<hbm>>
      tpu.enqueue_indirect_dma source(%dma_start3A_151 : memref<1000000x64xf32, #tpu.memory_space<hbm>>) target(%dma_start3A_145 : memref<40x64xf32, #tpu.memory_space<vmem>>) offsets(%dma_start3A_148 : memref<40xi32, #tpu.memory_space<vmem>>) semaphore(%arg8 : memref<!tpu.dma_semaphore, #tpu.memory_space<semaphore_mem>>)
      %dma_start3A_152 = arith.constant 2 : i32
      %dma_start3A_153 = arith.constant 2 : i32
      %dma_start3A_154 = arith.constant 0 : i32
      %dma_start3A_155 = arith.constant 0 : i32
      %dma_start3A_156 = tpu.memref_slice %arg6[%dma_start3A_153, %dma_start3A_154, %dma_start3A_155] : memref<4x200x64xf32, #tpu.memory_space<vmem>> -> memref<1x40x64xf32, #tpu.memory_space<vmem>>
      %dma_start3A_157 = tpu.memref_squeeze %dma_start3A_156 : memref<1x40x64xf32, #tpu.memory_space<vmem>> -> memref<40x64xf32, #tpu.memory_space<vmem>>
      %dma_start3A_158 = arith.constant 0 : i32
      %dma_start3A_159 = tpu.memref_slice %arg5[%dma_start3A_152, %dma_start3A_158] : memref<4x200xi32, #tpu.memory_space<vmem>> -> memref<1x40xi32, #tpu.memory_space<vmem>>
      %dma_start3A_160 = tpu.memref_squeeze %dma_start3A_159 : memref<1x40xi32, #tpu.memory_space<vmem>> -> memref<40xi32, #tpu.memory_space<vmem>>
      %dma_start3A_161 = arith.constant 0 : i32
      %dma_start3A_162 = arith.constant 0 : i32
      %dma_start3A_163 = tpu.memref_slice %arg3[%dma_start3A_161, %dma_start3A_162] : memref<1000000x64xf32, #tpu.memory_space<hbm>> -> memref<1000000x64xf32, #tpu.memory_space<hbm>>
      tpu.enqueue_indirect_dma source(%dma_start3A_163 : memref<1000000x64xf32, #tpu.memory_space<hbm>>) target(%dma_start3A_157 : memref<40x64xf32, #tpu.memory_space<vmem>>) offsets(%dma_start3A_160 : memref<40xi32, #tpu.memory_space<vmem>>) semaphore(%arg8 : memref<!tpu.dma_semaphore, #tpu.memory_space<semaphore_mem>>)
      %dma_start3A_164 = arith.constant 2 : i32
      %dma_start3A_165 = arith.constant 2 : i32
      %dma_start3A_166 = arith.constant 40 : i32
      %dma_start3A_167 = arith.constant 0 : i32
      %dma_start3A_168 = tpu.memref_slice %arg6[%dma_start3A_165, %dma_start3A_166, %dma_start3A_167] : memref<4x200x64xf32, #tpu.memory_space<vmem>> -> memref<1x40x64xf32, #tpu.memory_space<vmem>>
      %dma_start3A_169 = tpu.memref_squeeze %dma_start3A_168 : memref<1x40x64xf32, #tpu.memory_space<vmem>> -> memref<40x64xf32, #tpu.memory_space<vmem>>
      %dma_start3A_170 = arith.constant 40 : i32
      %dma_start3A_171 = tpu.memref_slice %arg5[%dma_start3A_164, %dma_start3A_170] : memref<4x200xi32, #tpu.memory_space<vmem>> -> memref<1x40xi32, #tpu.memory_space<vmem>>
      %dma_start3A_172 = tpu.memref_squeeze %dma_start3A_171 : memref<1x40xi32, #tpu.memory_space<vmem>> -> memref<40xi32, #tpu.memory_space<vmem>>
      %dma_start3A_173 = arith.constant 0 : i32
      %dma_start3A_174 = arith.constant 0 : i32
      %dma_start3A_175 = tpu.memref_slice %arg3[%dma_start3A_173, %dma_start3A_174] : memref<1000000x64xf32, #tpu.memory_space<hbm>> -> memref<1000000x64xf32, #tpu.memory_space<hbm>>
      tpu.enqueue_indirect_dma source(%dma_start3A_175 : memref<1000000x64xf32, #tpu.memory_space<hbm>>) target(%dma_start3A_169 : memref<40x64xf32, #tpu.memory_space<vmem>>) offsets(%dma_start3A_172 : memref<40xi32, #tpu.memory_space<vmem>>) semaphore(%arg8 : memref<!tpu.dma_semaphore, #tpu.memory_space<semaphore_mem>>)
      %dma_start3A_176 = arith.constant 2 : i32
      %dma_start3A_177 = arith.constant 2 : i32
      %dma_start3A_178 = arith.constant 80 : i32
      %dma_start3A_179 = arith.constant 0 : i32
      %dma_start3A_180 = tpu.memref_slice %arg6[%dma_start3A_177, %dma_start3A_178, %dma_start3A_179] : memref<4x200x64xf32, #tpu.memory_space<vmem>> -> memref<1x40x64xf32, #tpu.memory_space<vmem>>
      %dma_start3A_181 = tpu.memref_squeeze %dma_start3A_180 : memref<1x40x64xf32, #tpu.memory_space<vmem>> -> memref<40x64xf32, #tpu.memory_space<vmem>>
      %dma_start3A_182 = arith.constant 80 : i32
      %dma_start3A_183 = tpu.memref_slice %arg5[%dma_start3A_176, %dma_start3A_182] : memref<4x200xi32, #tpu.memory_space<vmem>> -> memref<1x40xi32, #tpu.memory_space<vmem>>
      %dma_start3A_184 = tpu.memref_squeeze %dma_start3A_183 : memref<1x40xi32, #tpu.memory_space<vmem>> -> memref<40xi32, #tpu.memory_space<vmem>>
      %dma_start3A_185 = arith.constant 0 : i32
      %dma_start3A_186 = arith.constant 0 : i32
      %dma_start3A_187 = tpu.memref_slice %arg3[%dma_start3A_185, %dma_start3A_186] : memref<1000000x64xf32, #tpu.memory_space<hbm>> -> memref<1000000x64xf32, #tpu.memory_space<hbm>>
      tpu.enqueue_indirect_dma source(%dma_start3A_187 : memref<1000000x64xf32, #tpu.memory_space<hbm>>) target(%dma_start3A_181 : memref<40x64xf32, #tpu.memory_space<vmem>>) offsets(%dma_start3A_184 : memref<40xi32, #tpu.memory_space<vmem>>) semaphore(%arg8 : memref<!tpu.dma_semaphore, #tpu.memory_space<semaphore_mem>>)
      %dma_start3A_188 = arith.constant 2 : i32
      %dma_start3A_189 = arith.constant 2 : i32
      %dma_start3A_190 = arith.constant 120 : i32
      %dma_start3A_191 = arith.constant 0 : i32
      %dma_start3A_192 = tpu.memref_slice %arg6[%dma_start3A_189, %dma_start3A_190, %dma_start3A_191] : memref<4x200x64xf32, #tpu.memory_space<vmem>> -> memref<1x40x64xf32, #tpu.memory_space<vmem>>
      %dma_start3A_193 = tpu.memref_squeeze %dma_start3A_192 : memref<1x40x64xf32, #tpu.memory_space<vmem>> -> memref<40x64xf32, #tpu.memory_space<vmem>>
      %dma_start3A_194 = arith.constant 120 : i32
      %dma_start3A_195 = tpu.memref_slice %arg5[%dma_start3A_188, %dma_start3A_194] : memref<4x200xi32, #tpu.memory_space<vmem>> -> memref<1x40xi32, #tpu.memory_space<vmem>>
      %dma_start3A_196 = tpu.memref_squeeze %dma_start3A_195 : memref<1x40xi32, #tpu.memory_space<vmem>> -> memref<40xi32, #tpu.memory_space<vmem>>
      %dma_start3A_197 = arith.constant 0 : i32
      %dma_start3A_198 = arith.constant 0 : i32
      %dma_start3A_199 = tpu.memref_slice %arg3[%dma_start3A_197, %dma_start3A_198] : memref<1000000x64xf32, #tpu.memory_space<hbm>> -> memref<1000000x64xf32, #tpu.memory_space<hbm>>
      tpu.enqueue_indirect_dma source(%dma_start3A_199 : memref<1000000x64xf32, #tpu.memory_space<hbm>>) target(%dma_start3A_193 : memref<40x64xf32, #tpu.memory_space<vmem>>) offsets(%dma_start3A_196 : memref<40xi32, #tpu.memory_space<vmem>>) semaphore(%arg8 : memref<!tpu.dma_semaphore, #tpu.memory_space<semaphore_mem>>)
      %dma_start3A_200 = arith.constant 2 : i32
      %dma_start3A_201 = arith.constant 2 : i32
      %dma_start3A_202 = arith.constant 160 : i32
      %dma_start3A_203 = arith.constant 0 : i32
      %dma_start3A_204 = tpu.memref_slice %arg6[%dma_start3A_201, %dma_start3A_202, %dma_start3A_203] : memref<4x200x64xf32, #tpu.memory_space<vmem>> -> memref<1x40x64xf32, #tpu.memory_space<vmem>>
      %dma_start3A_205 = tpu.memref_squeeze %dma_start3A_204 : memref<1x40x64xf32, #tpu.memory_space<vmem>> -> memref<40x64xf32, #tpu.memory_space<vmem>>
      %dma_start3A_206 = arith.constant 160 : i32
      %dma_start3A_207 = tpu.memref_slice %arg5[%dma_start3A_200, %dma_start3A_206] : memref<4x200xi32, #tpu.memory_space<vmem>> -> memref<1x40xi32, #tpu.memory_space<vmem>>
      %dma_start3A_208 = tpu.memref_squeeze %dma_start3A_207 : memref<1x40xi32, #tpu.memory_space<vmem>> -> memref<40xi32, #tpu.memory_space<vmem>>
      %dma_start3A_209 = arith.constant 0 : i32
      %dma_start3A_210 = arith.constant 0 : i32
      %dma_start3A_211 = tpu.memref_slice %arg3[%dma_start3A_209, %dma_start3A_210] : memref<1000000x64xf32, #tpu.memory_space<hbm>> -> memref<1000000x64xf32, #tpu.memory_space<hbm>>
      tpu.enqueue_indirect_dma source(%dma_start3A_211 : memref<1000000x64xf32, #tpu.memory_space<hbm>>) target(%dma_start3A_205 : memref<40x64xf32, #tpu.memory_space<vmem>>) offsets(%dma_start3A_208 : memref<40xi32, #tpu.memory_space<vmem>>) semaphore(%arg8 : memref<!tpu.dma_semaphore, #tpu.memory_space<semaphore_mem>>)
      %dma_start3A_212 = arith.constant 3 : i32
      %dma_start3A_213 = arith.constant 3 : i32
      %dma_start3A_214 = arith.constant 0 : i32
      %dma_start3A_215 = arith.constant 0 : i32
      %dma_start3A_216 = tpu.memref_slice %arg6[%dma_start3A_213, %dma_start3A_214, %dma_start3A_215] : memref<4x200x64xf32, #tpu.memory_space<vmem>> -> memref<1x40x64xf32, #tpu.memory_space<vmem>>
      %dma_start3A_217 = tpu.memref_squeeze %dma_start3A_216 : memref<1x40x64xf32, #tpu.memory_space<vmem>> -> memref<40x64xf32, #tpu.memory_space<vmem>>
      %dma_start3A_218 = arith.constant 0 : i32
      %dma_start3A_219 = tpu.memref_slice %arg5[%dma_start3A_212, %dma_start3A_218] : memref<4x200xi32, #tpu.memory_space<vmem>> -> memref<1x40xi32, #tpu.memory_space<vmem>>
      %dma_start3A_220 = tpu.memref_squeeze %dma_start3A_219 : memref<1x40xi32, #tpu.memory_space<vmem>> -> memref<40xi32, #tpu.memory_space<vmem>>
      %dma_start3A_221 = arith.constant 0 : i32
      %dma_start3A_222 = arith.constant 0 : i32
      %dma_start3A_223 = tpu.memref_slice %arg3[%dma_start3A_221, %dma_start3A_222] : memref<1000000x64xf32, #tpu.memory_space<hbm>> -> memref<1000000x64xf32, #tpu.memory_space<hbm>>
      tpu.enqueue_indirect_dma source(%dma_start3A_223 : memref<1000000x64xf32, #tpu.memory_space<hbm>>) target(%dma_start3A_217 : memref<40x64xf32, #tpu.memory_space<vmem>>) offsets(%dma_start3A_220 : memref<40xi32, #tpu.memory_space<vmem>>) semaphore(%arg8 : memref<!tpu.dma_semaphore, #tpu.memory_space<semaphore_mem>>)
      %dma_start3A_224 = arith.constant 3 : i32
      %dma_start3A_225 = arith.constant 3 : i32
      %dma_start3A_226 = arith.constant 40 : i32
      %dma_start3A_227 = arith.constant 0 : i32
      %dma_start3A_228 = tpu.memref_slice %arg6[%dma_start3A_225, %dma_start3A_226, %dma_start3A_227] : memref<4x200x64xf32, #tpu.memory_space<vmem>> -> memref<1x40x64xf32, #tpu.memory_space<vmem>>
      %dma_start3A_229 = tpu.memref_squeeze %dma_start3A_228 : memref<1x40x64xf32, #tpu.memory_space<vmem>> -> memref<40x64xf32, #tpu.memory_space<vmem>>
      %dma_start3A_230 = arith.constant 40 : i32
      %dma_start3A_231 = tpu.memref_slice %arg5[%dma_start3A_224, %dma_start3A_230] : memref<4x200xi32, #tpu.memory_space<vmem>> -> memref<1x40xi32, #tpu.memory_space<vmem>>
      %dma_start3A_232 = tpu.memref_squeeze %dma_start3A_231 : memref<1x40xi32, #tpu.memory_space<vmem>> -> memref<40xi32, #tpu.memory_space<vmem>>
      %dma_start3A_233 = arith.constant 0 : i32
      %dma_start3A_234 = arith.constant 0 : i32
      %dma_start3A_235 = tpu.memref_slice %arg3[%dma_start3A_233, %dma_start3A_234] : memref<1000000x64xf32, #tpu.memory_space<hbm>> -> memref<1000000x64xf32, #tpu.memory_space<hbm>>
      tpu.enqueue_indirect_dma source(%dma_start3A_235 : memref<1000000x64xf32, #tpu.memory_space<hbm>>) target(%dma_start3A_229 : memref<40x64xf32, #tpu.memory_space<vmem>>) offsets(%dma_start3A_232 : memref<40xi32, #tpu.memory_space<vmem>>) semaphore(%arg8 : memref<!tpu.dma_semaphore, #tpu.memory_space<semaphore_mem>>)
      %dma_start3A_236 = arith.constant 3 : i32
      %dma_start3A_237 = arith.constant 3 : i32
      %dma_start3A_238 = arith.constant 80 : i32
      %dma_start3A_239 = arith.constant 0 : i32
      %dma_start3A_240 = tpu.memref_slice %arg6[%dma_start3A_237, %dma_start3A_238, %dma_start3A_239] : memref<4x200x64xf32, #tpu.memory_space<vmem>> -> memref<1x40x64xf32, #tpu.memory_space<vmem>>
      %dma_start3A_241 = tpu.memref_squeeze %dma_start3A_240 : memref<1x40x64xf32, #tpu.memory_space<vmem>> -> memref<40x64xf32, #tpu.memory_space<vmem>>
      %dma_start3A_242 = arith.constant 80 : i32
      %dma_start3A_243 = tpu.memref_slice %arg5[%dma_start3A_236, %dma_start3A_242] : memref<4x200xi32, #tpu.memory_space<vmem>> -> memref<1x40xi32, #tpu.memory_space<vmem>>
      %dma_start3A_244 = tpu.memref_squeeze %dma_start3A_243 : memref<1x40xi32, #tpu.memory_space<vmem>> -> memref<40xi32, #tpu.memory_space<vmem>>
      %dma_start3A_245 = arith.constant 0 : i32
      %dma_start3A_246 = arith.constant 0 : i32
      %dma_start3A_247 = tpu.memref_slice %arg3[%dma_start3A_245, %dma_start3A_246] : memref<1000000x64xf32, #tpu.memory_space<hbm>> -> memref<1000000x64xf32, #tpu.memory_space<hbm>>
      tpu.enqueue_indirect_dma source(%dma_start3A_247 : memref<1000000x64xf32, #tpu.memory_space<hbm>>) target(%dma_start3A_241 : memref<40x64xf32, #tpu.memory_space<vmem>>) offsets(%dma_start3A_244 : memref<40xi32, #tpu.memory_space<vmem>>) semaphore(%arg8 : memref<!tpu.dma_semaphore, #tpu.memory_space<semaphore_mem>>)
      %dma_start3A_248 = arith.constant 3 : i32
      %dma_start3A_249 = arith.constant 3 : i32
      %dma_start3A_250 = arith.constant 120 : i32
      %dma_start3A_251 = arith.constant 0 : i32
      %dma_start3A_252 = tpu.memref_slice %arg6[%dma_start3A_249, %dma_start3A_250, %dma_start3A_251] : memref<4x200x64xf32, #tpu.memory_space<vmem>> -> memref<1x40x64xf32, #tpu.memory_space<vmem>>
      %dma_start3A_253 = tpu.memref_squeeze %dma_start3A_252 : memref<1x40x64xf32, #tpu.memory_space<vmem>> -> memref<40x64xf32, #tpu.memory_space<vmem>>
      %dma_start3A_254 = arith.constant 120 : i32
      %dma_start3A_255 = tpu.memref_slice %arg5[%dma_start3A_248, %dma_start3A_254] : memref<4x200xi32, #tpu.memory_space<vmem>> -> memref<1x40xi32, #tpu.memory_space<vmem>>
      %dma_start3A_256 = tpu.memref_squeeze %dma_start3A_255 : memref<1x40xi32, #tpu.memory_space<vmem>> -> memref<40xi32, #tpu.memory_space<vmem>>
      %dma_start3A_257 = arith.constant 0 : i32
      %dma_start3A_258 = arith.constant 0 : i32
      %dma_start3A_259 = tpu.memref_slice %arg3[%dma_start3A_257, %dma_start3A_258] : memref<1000000x64xf32, #tpu.memory_space<hbm>> -> memref<1000000x64xf32, #tpu.memory_space<hbm>>
      tpu.enqueue_indirect_dma source(%dma_start3A_259 : memref<1000000x64xf32, #tpu.memory_space<hbm>>) target(%dma_start3A_253 : memref<40x64xf32, #tpu.memory_space<vmem>>) offsets(%dma_start3A_256 : memref<40xi32, #tpu.memory_space<vmem>>) semaphore(%arg8 : memref<!tpu.dma_semaphore, #tpu.memory_space<semaphore_mem>>)
      %dma_start3A_260 = arith.constant 3 : i32
      %dma_start3A_261 = arith.constant 3 : i32
      %dma_start3A_262 = arith.constant 160 : i32
      %dma_start3A_263 = arith.constant 0 : i32
      %dma_start3A_264 = tpu.memref_slice %arg6[%dma_start3A_261, %dma_start3A_262, %dma_start3A_263] : memref<4x200x64xf32, #tpu.memory_space<vmem>> -> memref<1x40x64xf32, #tpu.memory_space<vmem>>
      %dma_start3A_265 = tpu.memref_squeeze %dma_start3A_264 : memref<1x40x64xf32, #tpu.memory_space<vmem>> -> memref<40x64xf32, #tpu.memory_space<vmem>>
      %dma_start3A_266 = arith.constant 160 : i32
      %dma_start3A_267 = tpu.memref_slice %arg5[%dma_start3A_260, %dma_start3A_266] : memref<4x200xi32, #tpu.memory_space<vmem>> -> memref<1x40xi32, #tpu.memory_space<vmem>>
      %dma_start3A_268 = tpu.memref_squeeze %dma_start3A_267 : memref<1x40xi32, #tpu.memory_space<vmem>> -> memref<40xi32, #tpu.memory_space<vmem>>
      %dma_start3A_269 = arith.constant 0 : i32
      %dma_start3A_270 = arith.constant 0 : i32
      %dma_start3A_271 = tpu.memref_slice %arg3[%dma_start3A_269, %dma_start3A_270] : memref<1000000x64xf32, #tpu.memory_space<hbm>> -> memref<1000000x64xf32, #tpu.memory_space<hbm>>
      tpu.enqueue_indirect_dma source(%dma_start3A_271 : memref<1000000x64xf32, #tpu.memory_space<hbm>>) target(%dma_start3A_265 : memref<40x64xf32, #tpu.memory_space<vmem>>) offsets(%dma_start3A_268 : memref<40xi32, #tpu.memory_space<vmem>>) semaphore(%arg8 : memref<!tpu.dma_semaphore, #tpu.memory_space<semaphore_mem>>)
      %dma_wait3A_272 = arith.constant 0 : i32
      %dma_wait3A_273 = arith.constant 0 : i32
      %dma_wait3A_274 = arith.constant 0 : i32
      %dma_wait3A_275 = arith.constant 0 : i32
      %dma_wait3A_276 = tpu.memref_slice %arg6[%dma_wait3A_273, %dma_wait3A_274, %dma_wait3A_275] : memref<4x200x64xf32, #tpu.memory_space<vmem>> -> memref<1x40x64xf32, #tpu.memory_space<vmem>>
      %dma_wait3A_277 = tpu.memref_squeeze %dma_wait3A_276 : memref<1x40x64xf32, #tpu.memory_space<vmem>> -> memref<40x64xf32, #tpu.memory_space<vmem>>
      %dma_wait3A_278 = arith.constant 0 : i32
      %dma_wait3A_279 = tpu.memref_slice %arg5[%dma_wait3A_272, %dma_wait3A_278] : memref<4x200xi32, #tpu.memory_space<vmem>> -> memref<1x40xi32, #tpu.memory_space<vmem>>
      %dma_wait3A_280 = tpu.memref_squeeze %dma_wait3A_279 : memref<1x40xi32, #tpu.memory_space<vmem>> -> memref<40xi32, #tpu.memory_space<vmem>>
      %dma_wait3A_281 = arith.constant 0 : i32
      %dma_wait3A_282 = arith.constant 0 : i32
      %dma_wait3A_283 = tpu.memref_slice %arg3[%dma_wait3A_281, %dma_wait3A_282] : memref<1000000x64xf32, #tpu.memory_space<hbm>> -> memref<1000000x64xf32, #tpu.memory_space<hbm>>
      tpu.wait_indirect_dma semaphore(%arg8 : memref<!tpu.dma_semaphore, #tpu.memory_space<semaphore_mem>>) src(%dma_wait3A_283 : memref<1000000x64xf32, #tpu.memory_space<hbm>>) dst(%dma_wait3A_277 : memref<40x64xf32, #tpu.memory_space<vmem>>)
      %dma_wait3A_284 = arith.constant 0 : i32
      %dma_wait3A_285 = arith.constant 0 : i32
      %dma_wait3A_286 = arith.constant 40 : i32
      %dma_wait3A_287 = arith.constant 0 : i32
      %dma_wait3A_288 = tpu.memref_slice %arg6[%dma_wait3A_285, %dma_wait3A_286, %dma_wait3A_287] : memref<4x200x64xf32, #tpu.memory_space<vmem>> -> memref<1x40x64xf32, #tpu.memory_space<vmem>>
      %dma_wait3A_289 = tpu.memref_squeeze %dma_wait3A_288 : memref<1x40x64xf32, #tpu.memory_space<vmem>> -> memref<40x64xf32, #tpu.memory_space<vmem>>
      %dma_wait3A_290 = arith.constant 40 : i32
      %dma_wait3A_291 = tpu.memref_slice %arg5[%dma_wait3A_284, %dma_wait3A_290] : memref<4x200xi32, #tpu.memory_space<vmem>> -> memref<1x40xi32, #tpu.memory_space<vmem>>
      %dma_wait3A_292 = tpu.memref_squeeze %dma_wait3A_291 : memref<1x40xi32, #tpu.memory_space<vmem>> -> memref<40xi32, #tpu.memory_space<vmem>>
      %dma_wait3A_293 = arith.constant 0 : i32
      %dma_wait3A_294 = arith.constant 0 : i32
      %dma_wait3A_295 = tpu.memref_slice %arg3[%dma_wait3A_293, %dma_wait3A_294] : memref<1000000x64xf32, #tpu.memory_space<hbm>> -> memref<1000000x64xf32, #tpu.memory_space<hbm>>
      tpu.wait_indirect_dma semaphore(%arg8 : memref<!tpu.dma_semaphore, #tpu.memory_space<semaphore_mem>>) src(%dma_wait3A_295 : memref<1000000x64xf32, #tpu.memory_space<hbm>>) dst(%dma_wait3A_289 : memref<40x64xf32, #tpu.memory_space<vmem>>)
      %dma_wait3A_296 = arith.constant 0 : i32
      %dma_wait3A_297 = arith.constant 0 : i32
      %dma_wait3A_298 = arith.constant 80 : i32
      %dma_wait3A_299 = arith.constant 0 : i32
      %dma_wait3A_300 = tpu.memref_slice %arg6[%dma_wait3A_297, %dma_wait3A_298, %dma_wait3A_299] : memref<4x200x64xf32, #tpu.memory_space<vmem>> -> memref<1x40x64xf32, #tpu.memory_space<vmem>>
      %dma_wait3A_301 = tpu.memref_squeeze %dma_wait3A_300 : memref<1x40x64xf32, #tpu.memory_space<vmem>> -> memref<40x64xf32, #tpu.memory_space<vmem>>
      %dma_wait3A_302 = arith.constant 80 : i32
      %dma_wait3A_303 = tpu.memref_slice %arg5[%dma_wait3A_296, %dma_wait3A_302] : memref<4x200xi32, #tpu.memory_space<vmem>> -> memref<1x40xi32, #tpu.memory_space<vmem>>
      %dma_wait3A_304 = tpu.memref_squeeze %dma_wait3A_303 : memref<1x40xi32, #tpu.memory_space<vmem>> -> memref<40xi32, #tpu.memory_space<vmem>>
      %dma_wait3A_305 = arith.constant 0 : i32
      %dma_wait3A_306 = arith.constant 0 : i32
      %dma_wait3A_307 = tpu.memref_slice %arg3[%dma_wait3A_305, %dma_wait3A_306] : memref<1000000x64xf32, #tpu.memory_space<hbm>> -> memref<1000000x64xf32, #tpu.memory_space<hbm>>
      tpu.wait_indirect_dma semaphore(%arg8 : memref<!tpu.dma_semaphore, #tpu.memory_space<semaphore_mem>>) src(%dma_wait3A_307 : memref<1000000x64xf32, #tpu.memory_space<hbm>>) dst(%dma_wait3A_301 : memref<40x64xf32, #tpu.memory_space<vmem>>)
      %dma_wait3A_308 = arith.constant 0 : i32
      %dma_wait3A_309 = arith.constant 0 : i32
      %dma_wait3A_310 = arith.constant 120 : i32
      %dma_wait3A_311 = arith.constant 0 : i32
      %dma_wait3A_312 = tpu.memref_slice %arg6[%dma_wait3A_309, %dma_wait3A_310, %dma_wait3A_311] : memref<4x200x64xf32, #tpu.memory_space<vmem>> -> memref<1x40x64xf32, #tpu.memory_space<vmem>>
      %dma_wait3A_313 = tpu.memref_squeeze %dma_wait3A_312 : memref<1x40x64xf32, #tpu.memory_space<vmem>> -> memref<40x64xf32, #tpu.memory_space<vmem>>
      %dma_wait3A_314 = arith.constant 120 : i32
      %dma_wait3A_315 = tpu.memref_slice %arg5[%dma_wait3A_308, %dma_wait3A_314] : memref<4x200xi32, #tpu.memory_space<vmem>> -> memref<1x40xi32, #tpu.memory_space<vmem>>
      %dma_wait3A_316 = tpu.memref_squeeze %dma_wait3A_315 : memref<1x40xi32, #tpu.memory_space<vmem>> -> memref<40xi32, #tpu.memory_space<vmem>>
      %dma_wait3A_317 = arith.constant 0 : i32
      %dma_wait3A_318 = arith.constant 0 : i32
      %dma_wait3A_319 = tpu.memref_slice %arg3[%dma_wait3A_317, %dma_wait3A_318] : memref<1000000x64xf32, #tpu.memory_space<hbm>> -> memref<1000000x64xf32, #tpu.memory_space<hbm>>
      tpu.wait_indirect_dma semaphore(%arg8 : memref<!tpu.dma_semaphore, #tpu.memory_space<semaphore_mem>>) src(%dma_wait3A_319 : memref<1000000x64xf32, #tpu.memory_space<hbm>>) dst(%dma_wait3A_313 : memref<40x64xf32, #tpu.memory_space<vmem>>)
      %dma_wait3A_320 = arith.constant 0 : i32
      %dma_wait3A_321 = arith.constant 0 : i32
      %dma_wait3A_322 = arith.constant 160 : i32
      %dma_wait3A_323 = arith.constant 0 : i32
      %dma_wait3A_324 = tpu.memref_slice %arg6[%dma_wait3A_321, %dma_wait3A_322, %dma_wait3A_323] : memref<4x200x64xf32, #tpu.memory_space<vmem>> -> memref<1x40x64xf32, #tpu.memory_space<vmem>>
      %dma_wait3A_325 = tpu.memref_squeeze %dma_wait3A_324 : memref<1x40x64xf32, #tpu.memory_space<vmem>> -> memref<40x64xf32, #tpu.memory_space<vmem>>
      %dma_wait3A_326 = arith.constant 160 : i32
      %dma_wait3A_327 = tpu.memref_slice %arg5[%dma_wait3A_320, %dma_wait3A_326] : memref<4x200xi32, #tpu.memory_space<vmem>> -> memref<1x40xi32, #tpu.memory_space<vmem>>
      %dma_wait3A_328 = tpu.memref_squeeze %dma_wait3A_327 : memref<1x40xi32, #tpu.memory_space<vmem>> -> memref<40xi32, #tpu.memory_space<vmem>>
      %dma_wait3A_329 = arith.constant 0 : i32
      %dma_wait3A_330 = arith.constant 0 : i32
      %dma_wait3A_331 = tpu.memref_slice %arg3[%dma_wait3A_329, %dma_wait3A_330] : memref<1000000x64xf32, #tpu.memory_space<hbm>> -> memref<1000000x64xf32, #tpu.memory_space<hbm>>
      tpu.wait_indirect_dma semaphore(%arg8 : memref<!tpu.dma_semaphore, #tpu.memory_space<semaphore_mem>>) src(%dma_wait3A_331 : memref<1000000x64xf32, #tpu.memory_space<hbm>>) dst(%dma_wait3A_325 : memref<40x64xf32, #tpu.memory_space<vmem>>)
      %dma_wait3A_332 = arith.constant 1 : i32
      %dma_wait3A_333 = arith.constant 1 : i32
      %dma_wait3A_334 = arith.constant 0 : i32
      %dma_wait3A_335 = arith.constant 0 : i32
      %dma_wait3A_336 = tpu.memref_slice %arg6[%dma_wait3A_333, %dma_wait3A_334, %dma_wait3A_335] : memref<4x200x64xf32, #tpu.memory_space<vmem>> -> memref<1x40x64xf32, #tpu.memory_space<vmem>>
      %dma_wait3A_337 = tpu.memref_squeeze %dma_wait3A_336 : memref<1x40x64xf32, #tpu.memory_space<vmem>> -> memref<40x64xf32, #tpu.memory_space<vmem>>
      %dma_wait3A_338 = arith.constant 0 : i32
      %dma_wait3A_339 = tpu.memref_slice %arg5[%dma_wait3A_332, %dma_wait3A_338] : memref<4x200xi32, #tpu.memory_space<vmem>> -> memref<1x40xi32, #tpu.memory_space<vmem>>
      %dma_wait3A_340 = tpu.memref_squeeze %dma_wait3A_339 : memref<1x40xi32, #tpu.memory_space<vmem>> -> memref<40xi32, #tpu.memory_space<vmem>>
      %dma_wait3A_341 = arith.constant 0 : i32
      %dma_wait3A_342 = arith.constant 0 : i32
      %dma_wait3A_343 = tpu.memref_slice %arg3[%dma_wait3A_341, %dma_wait3A_342] : memref<1000000x64xf32, #tpu.memory_space<hbm>> -> memref<1000000x64xf32, #tpu.memory_space<hbm>>
      tpu.wait_indirect_dma semaphore(%arg8 : memref<!tpu.dma_semaphore, #tpu.memory_space<semaphore_mem>>) src(%dma_wait3A_343 : memref<1000000x64xf32, #tpu.memory_space<hbm>>) dst(%dma_wait3A_337 : memref<40x64xf32, #tpu.memory_space<vmem>>)
      %dma_wait3A_344 = arith.constant 1 : i32
      %dma_wait3A_345 = arith.constant 1 : i32
      %dma_wait3A_346 = arith.constant 40 : i32
      %dma_wait3A_347 = arith.constant 0 : i32
      %dma_wait3A_348 = tpu.memref_slice %arg6[%dma_wait3A_345, %dma_wait3A_346, %dma_wait3A_347] : memref<4x200x64xf32, #tpu.memory_space<vmem>> -> memref<1x40x64xf32, #tpu.memory_space<vmem>>
      %dma_wait3A_349 = tpu.memref_squeeze %dma_wait3A_348 : memref<1x40x64xf32, #tpu.memory_space<vmem>> -> memref<40x64xf32, #tpu.memory_space<vmem>>
      %dma_wait3A_350 = arith.constant 40 : i32
      %dma_wait3A_351 = tpu.memref_slice %arg5[%dma_wait3A_344, %dma_wait3A_350] : memref<4x200xi32, #tpu.memory_space<vmem>> -> memref<1x40xi32, #tpu.memory_space<vmem>>
      %dma_wait3A_352 = tpu.memref_squeeze %dma_wait3A_351 : memref<1x40xi32, #tpu.memory_space<vmem>> -> memref<40xi32, #tpu.memory_space<vmem>>
      %dma_wait3A_353 = arith.constant 0 : i32
      %dma_wait3A_354 = arith.constant 0 : i32
      %dma_wait3A_355 = tpu.memref_slice %arg3[%dma_wait3A_353, %dma_wait3A_354] : memref<1000000x64xf32, #tpu.memory_space<hbm>> -> memref<1000000x64xf32, #tpu.memory_space<hbm>>
      tpu.wait_indirect_dma semaphore(%arg8 : memref<!tpu.dma_semaphore, #tpu.memory_space<semaphore_mem>>) src(%dma_wait3A_355 : memref<1000000x64xf32, #tpu.memory_space<hbm>>) dst(%dma_wait3A_349 : memref<40x64xf32, #tpu.memory_space<vmem>>)
      %dma_wait3A_356 = arith.constant 1 : i32
      %dma_wait3A_357 = arith.constant 1 : i32
      %dma_wait3A_358 = arith.constant 80 : i32
      %dma_wait3A_359 = arith.constant 0 : i32
      %dma_wait3A_360 = tpu.memref_slice %arg6[%dma_wait3A_357, %dma_wait3A_358, %dma_wait3A_359] : memref<4x200x64xf32, #tpu.memory_space<vmem>> -> memref<1x40x64xf32, #tpu.memory_space<vmem>>
      %dma_wait3A_361 = tpu.memref_squeeze %dma_wait3A_360 : memref<1x40x64xf32, #tpu.memory_space<vmem>> -> memref<40x64xf32, #tpu.memory_space<vmem>>
      %dma_wait3A_362 = arith.constant 80 : i32
      %dma_wait3A_363 = tpu.memref_slice %arg5[%dma_wait3A_356, %dma_wait3A_362] : memref<4x200xi32, #tpu.memory_space<vmem>> -> memref<1x40xi32, #tpu.memory_space<vmem>>
      %dma_wait3A_364 = tpu.memref_squeeze %dma_wait3A_363 : memref<1x40xi32, #tpu.memory_space<vmem>> -> memref<40xi32, #tpu.memory_space<vmem>>
      %dma_wait3A_365 = arith.constant 0 : i32
      %dma_wait3A_366 = arith.constant 0 : i32
      %dma_wait3A_367 = tpu.memref_slice %arg3[%dma_wait3A_365, %dma_wait3A_366] : memref<1000000x64xf32, #tpu.memory_space<hbm>> -> memref<1000000x64xf32, #tpu.memory_space<hbm>>
      tpu.wait_indirect_dma semaphore(%arg8 : memref<!tpu.dma_semaphore, #tpu.memory_space<semaphore_mem>>) src(%dma_wait3A_367 : memref<1000000x64xf32, #tpu.memory_space<hbm>>) dst(%dma_wait3A_361 : memref<40x64xf32, #tpu.memory_space<vmem>>)
      %dma_wait3A_368 = arith.constant 1 : i32
      %dma_wait3A_369 = arith.constant 1 : i32
      %dma_wait3A_370 = arith.constant 120 : i32
      %dma_wait3A_371 = arith.constant 0 : i32
      %dma_wait3A_372 = tpu.memref_slice %arg6[%dma_wait3A_369, %dma_wait3A_370, %dma_wait3A_371] : memref<4x200x64xf32, #tpu.memory_space<vmem>> -> memref<1x40x64xf32, #tpu.memory_space<vmem>>
      %dma_wait3A_373 = tpu.memref_squeeze %dma_wait3A_372 : memref<1x40x64xf32, #tpu.memory_space<vmem>> -> memref<40x64xf32, #tpu.memory_space<vmem>>
      %dma_wait3A_374 = arith.constant 120 : i32
      %dma_wait3A_375 = tpu.memref_slice %arg5[%dma_wait3A_368, %dma_wait3A_374] : memref<4x200xi32, #tpu.memory_space<vmem>> -> memref<1x40xi32, #tpu.memory_space<vmem>>
      %dma_wait3A_376 = tpu.memref_squeeze %dma_wait3A_375 : memref<1x40xi32, #tpu.memory_space<vmem>> -> memref<40xi32, #tpu.memory_space<vmem>>
      %dma_wait3A_377 = arith.constant 0 : i32
      %dma_wait3A_378 = arith.constant 0 : i32
      %dma_wait3A_379 = tpu.memref_slice %arg3[%dma_wait3A_377, %dma_wait3A_378] : memref<1000000x64xf32, #tpu.memory_space<hbm>> -> memref<1000000x64xf32, #tpu.memory_space<hbm>>
      tpu.wait_indirect_dma semaphore(%arg8 : memref<!tpu.dma_semaphore, #tpu.memory_space<semaphore_mem>>) src(%dma_wait3A_379 : memref<1000000x64xf32, #tpu.memory_space<hbm>>) dst(%dma_wait3A_373 : memref<40x64xf32, #tpu.memory_space<vmem>>)
      %dma_wait3A_380 = arith.constant 1 : i32
      %dma_wait3A_381 = arith.constant 1 : i32
      %dma_wait3A_382 = arith.constant 160 : i32
      %dma_wait3A_383 = arith.constant 0 : i32
      %dma_wait3A_384 = tpu.memref_slice %arg6[%dma_wait3A_381, %dma_wait3A_382, %dma_wait3A_383] : memref<4x200x64xf32, #tpu.memory_space<vmem>> -> memref<1x40x64xf32, #tpu.memory_space<vmem>>
      %dma_wait3A_385 = tpu.memref_squeeze %dma_wait3A_384 : memref<1x40x64xf32, #tpu.memory_space<vmem>> -> memref<40x64xf32, #tpu.memory_space<vmem>>
      %dma_wait3A_386 = arith.constant 160 : i32
      %dma_wait3A_387 = tpu.memref_slice %arg5[%dma_wait3A_380, %dma_wait3A_386] : memref<4x200xi32, #tpu.memory_space<vmem>> -> memref<1x40xi32, #tpu.memory_space<vmem>>
      %dma_wait3A_388 = tpu.memref_squeeze %dma_wait3A_387 : memref<1x40xi32, #tpu.memory_space<vmem>> -> memref<40xi32, #tpu.memory_space<vmem>>
      %dma_wait3A_389 = arith.constant 0 : i32
      %dma_wait3A_390 = arith.constant 0 : i32
      %dma_wait3A_391 = tpu.memref_slice %arg3[%dma_wait3A_389, %dma_wait3A_390] : memref<1000000x64xf32, #tpu.memory_space<hbm>> -> memref<1000000x64xf32, #tpu.memory_space<hbm>>
      tpu.wait_indirect_dma semaphore(%arg8 : memref<!tpu.dma_semaphore, #tpu.memory_space<semaphore_mem>>) src(%dma_wait3A_391 : memref<1000000x64xf32, #tpu.memory_space<hbm>>) dst(%dma_wait3A_385 : memref<40x64xf32, #tpu.memory_space<vmem>>)
      %dma_wait3A_392 = arith.constant 2 : i32
      %dma_wait3A_393 = arith.constant 2 : i32
      %dma_wait3A_394 = arith.constant 0 : i32
      %dma_wait3A_395 = arith.constant 0 : i32
      %dma_wait3A_396 = tpu.memref_slice %arg6[%dma_wait3A_393, %dma_wait3A_394, %dma_wait3A_395] : memref<4x200x64xf32, #tpu.memory_space<vmem>> -> memref<1x40x64xf32, #tpu.memory_space<vmem>>
      %dma_wait3A_397 = tpu.memref_squeeze %dma_wait3A_396 : memref<1x40x64xf32, #tpu.memory_space<vmem>> -> memref<40x64xf32, #tpu.memory_space<vmem>>
      %dma_wait3A_398 = arith.constant 0 : i32
      %dma_wait3A_399 = tpu.memref_slice %arg5[%dma_wait3A_392, %dma_wait3A_398] : memref<4x200xi32, #tpu.memory_space<vmem>> -> memref<1x40xi32, #tpu.memory_space<vmem>>
      %dma_wait3A_400 = tpu.memref_squeeze %dma_wait3A_399 : memref<1x40xi32, #tpu.memory_space<vmem>> -> memref<40xi32, #tpu.memory_space<vmem>>
      %dma_wait3A_401 = arith.constant 0 : i32
      %dma_wait3A_402 = arith.constant 0 : i32
      %dma_wait3A_403 = tpu.memref_slice %arg3[%dma_wait3A_401, %dma_wait3A_402] : memref<1000000x64xf32, #tpu.memory_space<hbm>> -> memref<1000000x64xf32, #tpu.memory_space<hbm>>
      tpu.wait_indirect_dma semaphore(%arg8 : memref<!tpu.dma_semaphore, #tpu.memory_space<semaphore_mem>>) src(%dma_wait3A_403 : memref<1000000x64xf32, #tpu.memory_space<hbm>>) dst(%dma_wait3A_397 : memref<40x64xf32, #tpu.memory_space<vmem>>)
      %dma_wait3A_404 = arith.constant 2 : i32
      %dma_wait3A_405 = arith.constant 2 : i32
      %dma_wait3A_406 = arith.constant 40 : i32
      %dma_wait3A_407 = arith.constant 0 : i32
      %dma_wait3A_408 = tpu.memref_slice %arg6[%dma_wait3A_405, %dma_wait3A_406, %dma_wait3A_407] : memref<4x200x64xf32, #tpu.memory_space<vmem>> -> memref<1x40x64xf32, #tpu.memory_space<vmem>>
      %dma_wait3A_409 = tpu.memref_squeeze %dma_wait3A_408 : memref<1x40x64xf32, #tpu.memory_space<vmem>> -> memref<40x64xf32, #tpu.memory_space<vmem>>
      %dma_wait3A_410 = arith.constant 40 : i32
      %dma_wait3A_411 = tpu.memref_slice %arg5[%dma_wait3A_404, %dma_wait3A_410] : memref<4x200xi32, #tpu.memory_space<vmem>> -> memref<1x40xi32, #tpu.memory_space<vmem>>
      %dma_wait3A_412 = tpu.memref_squeeze %dma_wait3A_411 : memref<1x40xi32, #tpu.memory_space<vmem>> -> memref<40xi32, #tpu.memory_space<vmem>>
      %dma_wait3A_413 = arith.constant 0 : i32
      %dma_wait3A_414 = arith.constant 0 : i32
      %dma_wait3A_415 = tpu.memref_slice %arg3[%dma_wait3A_413, %dma_wait3A_414] : memref<1000000x64xf32, #tpu.memory_space<hbm>> -> memref<1000000x64xf32, #tpu.memory_space<hbm>>
      tpu.wait_indirect_dma semaphore(%arg8 : memref<!tpu.dma_semaphore, #tpu.memory_space<semaphore_mem>>) src(%dma_wait3A_415 : memref<1000000x64xf32, #tpu.memory_space<hbm>>) dst(%dma_wait3A_409 : memref<40x64xf32, #tpu.memory_space<vmem>>)
      %dma_wait3A_416 = arith.constant 2 : i32
      %dma_wait3A_417 = arith.constant 2 : i32
      %dma_wait3A_418 = arith.constant 80 : i32
      %dma_wait3A_419 = arith.constant 0 : i32
      %dma_wait3A_420 = tpu.memref_slice %arg6[%dma_wait3A_417, %dma_wait3A_418, %dma_wait3A_419] : memref<4x200x64xf32, #tpu.memory_space<vmem>> -> memref<1x40x64xf32, #tpu.memory_space<vmem>>
      %dma_wait3A_421 = tpu.memref_squeeze %dma_wait3A_420 : memref<1x40x64xf32, #tpu.memory_space<vmem>> -> memref<40x64xf32, #tpu.memory_space<vmem>>
      %dma_wait3A_422 = arith.constant 80 : i32
      %dma_wait3A_423 = tpu.memref_slice %arg5[%dma_wait3A_416, %dma_wait3A_422] : memref<4x200xi32, #tpu.memory_space<vmem>> -> memref<1x40xi32, #tpu.memory_space<vmem>>
      %dma_wait3A_424 = tpu.memref_squeeze %dma_wait3A_423 : memref<1x40xi32, #tpu.memory_space<vmem>> -> memref<40xi32, #tpu.memory_space<vmem>>
      %dma_wait3A_425 = arith.constant 0 : i32
      %dma_wait3A_426 = arith.constant 0 : i32
      %dma_wait3A_427 = tpu.memref_slice %arg3[%dma_wait3A_425, %dma_wait3A_426] : memref<1000000x64xf32, #tpu.memory_space<hbm>> -> memref<1000000x64xf32, #tpu.memory_space<hbm>>
      tpu.wait_indirect_dma semaphore(%arg8 : memref<!tpu.dma_semaphore, #tpu.memory_space<semaphore_mem>>) src(%dma_wait3A_427 : memref<1000000x64xf32, #tpu.memory_space<hbm>>) dst(%dma_wait3A_421 : memref<40x64xf32, #tpu.memory_space<vmem>>)
      %dma_wait3A_428 = arith.constant 2 : i32
      %dma_wait3A_429 = arith.constant 2 : i32
      %dma_wait3A_430 = arith.constant 120 : i32
      %dma_wait3A_431 = arith.constant 0 : i32
      %dma_wait3A_432 = tpu.memref_slice %arg6[%dma_wait3A_429, %dma_wait3A_430, %dma_wait3A_431] : memref<4x200x64xf32, #tpu.memory_space<vmem>> -> memref<1x40x64xf32, #tpu.memory_space<vmem>>
      %dma_wait3A_433 = tpu.memref_squeeze %dma_wait3A_432 : memref<1x40x64xf32, #tpu.memory_space<vmem>> -> memref<40x64xf32, #tpu.memory_space<vmem>>
      %dma_wait3A_434 = arith.constant 120 : i32
      %dma_wait3A_435 = tpu.memref_slice %arg5[%dma_wait3A_428, %dma_wait3A_434] : memref<4x200xi32, #tpu.memory_space<vmem>> -> memref<1x40xi32, #tpu.memory_space<vmem>>
      %dma_wait3A_436 = tpu.memref_squeeze %dma_wait3A_435 : memref<1x40xi32, #tpu.memory_space<vmem>> -> memref<40xi32, #tpu.memory_space<vmem>>
      %dma_wait3A_437 = arith.constant 0 : i32
      %dma_wait3A_438 = arith.constant 0 : i32
      %dma_wait3A_439 = tpu.memref_slice %arg3[%dma_wait3A_437, %dma_wait3A_438] : memref<1000000x64xf32, #tpu.memory_space<hbm>> -> memref<1000000x64xf32, #tpu.memory_space<hbm>>
      tpu.wait_indirect_dma semaphore(%arg8 : memref<!tpu.dma_semaphore, #tpu.memory_space<semaphore_mem>>) src(%dma_wait3A_439 : memref<1000000x64xf32, #tpu.memory_space<hbm>>) dst(%dma_wait3A_433 : memref<40x64xf32, #tpu.memory_space<vmem>>)
      %dma_wait3A_440 = arith.constant 2 : i32
      %dma_wait3A_441 = arith.constant 2 : i32
      %dma_wait3A_442 = arith.constant 160 : i32
      %dma_wait3A_443 = arith.constant 0 : i32
      %dma_wait3A_444 = tpu.memref_slice %arg6[%dma_wait3A_441, %dma_wait3A_442, %dma_wait3A_443] : memref<4x200x64xf32, #tpu.memory_space<vmem>> -> memref<1x40x64xf32, #tpu.memory_space<vmem>>
      %dma_wait3A_445 = tpu.memref_squeeze %dma_wait3A_444 : memref<1x40x64xf32, #tpu.memory_space<vmem>> -> memref<40x64xf32, #tpu.memory_space<vmem>>
      %dma_wait3A_446 = arith.constant 160 : i32
      %dma_wait3A_447 = tpu.memref_slice %arg5[%dma_wait3A_440, %dma_wait3A_446] : memref<4x200xi32, #tpu.memory_space<vmem>> -> memref<1x40xi32, #tpu.memory_space<vmem>>
      %dma_wait3A_448 = tpu.memref_squeeze %dma_wait3A_447 : memref<1x40xi32, #tpu.memory_space<vmem>> -> memref<40xi32, #tpu.memory_space<vmem>>
      %dma_wait3A_449 = arith.constant 0 : i32
      %dma_wait3A_450 = arith.constant 0 : i32
      %dma_wait3A_451 = tpu.memref_slice %arg3[%dma_wait3A_449, %dma_wait3A_450] : memref<1000000x64xf32, #tpu.memory_space<hbm>> -> memref<1000000x64xf32, #tpu.memory_space<hbm>>
      tpu.wait_indirect_dma semaphore(%arg8 : memref<!tpu.dma_semaphore, #tpu.memory_space<semaphore_mem>>) src(%dma_wait3A_451 : memref<1000000x64xf32, #tpu.memory_space<hbm>>) dst(%dma_wait3A_445 : memref<40x64xf32, #tpu.memory_space<vmem>>)
      %dma_wait3A_452 = arith.constant 3 : i32
      %dma_wait3A_453 = arith.constant 3 : i32
      %dma_wait3A_454 = arith.constant 0 : i32
      %dma_wait3A_455 = arith.constant 0 : i32
      %dma_wait3A_456 = tpu.memref_slice %arg6[%dma_wait3A_453, %dma_wait3A_454, %dma_wait3A_455] : memref<4x200x64xf32, #tpu.memory_space<vmem>> -> memref<1x40x64xf32, #tpu.memory_space<vmem>>
      %dma_wait3A_457 = tpu.memref_squeeze %dma_wait3A_456 : memref<1x40x64xf32, #tpu.memory_space<vmem>> -> memref<40x64xf32, #tpu.memory_space<vmem>>
      %dma_wait3A_458 = arith.constant 0 : i32
      %dma_wait3A_459 = tpu.memref_slice %arg5[%dma_wait3A_452, %dma_wait3A_458] : memref<4x200xi32, #tpu.memory_space<vmem>> -> memref<1x40xi32, #tpu.memory_space<vmem>>
      %dma_wait3A_460 = tpu.memref_squeeze %dma_wait3A_459 : memref<1x40xi32, #tpu.memory_space<vmem>> -> memref<40xi32, #tpu.memory_space<vmem>>
      %dma_wait3A_461 = arith.constant 0 : i32
      %dma_wait3A_462 = arith.constant 0 : i32
      %dma_wait3A_463 = tpu.memref_slice %arg3[%dma_wait3A_461, %dma_wait3A_462] : memref<1000000x64xf32, #tpu.memory_space<hbm>> -> memref<1000000x64xf32, #tpu.memory_space<hbm>>
      tpu.wait_indirect_dma semaphore(%arg8 : memref<!tpu.dma_semaphore, #tpu.memory_space<semaphore_mem>>) src(%dma_wait3A_463 : memref<1000000x64xf32, #tpu.memory_space<hbm>>) dst(%dma_wait3A_457 : memref<40x64xf32, #tpu.memory_space<vmem>>)
      %dma_wait3A_464 = arith.constant 3 : i32
      %dma_wait3A_465 = arith.constant 3 : i32
      %dma_wait3A_466 = arith.constant 40 : i32
      %dma_wait3A_467 = arith.constant 0 : i32
      %dma_wait3A_468 = tpu.memref_slice %arg6[%dma_wait3A_465, %dma_wait3A_466, %dma_wait3A_467] : memref<4x200x64xf32, #tpu.memory_space<vmem>> -> memref<1x40x64xf32, #tpu.memory_space<vmem>>
      %dma_wait3A_469 = tpu.memref_squeeze %dma_wait3A_468 : memref<1x40x64xf32, #tpu.memory_space<vmem>> -> memref<40x64xf32, #tpu.memory_space<vmem>>
      %dma_wait3A_470 = arith.constant 40 : i32
      %dma_wait3A_471 = tpu.memref_slice %arg5[%dma_wait3A_464, %dma_wait3A_470] : memref<4x200xi32, #tpu.memory_space<vmem>> -> memref<1x40xi32, #tpu.memory_space<vmem>>
      %dma_wait3A_472 = tpu.memref_squeeze %dma_wait3A_471 : memref<1x40xi32, #tpu.memory_space<vmem>> -> memref<40xi32, #tpu.memory_space<vmem>>
      %dma_wait3A_473 = arith.constant 0 : i32
      %dma_wait3A_474 = arith.constant 0 : i32
      %dma_wait3A_475 = tpu.memref_slice %arg3[%dma_wait3A_473, %dma_wait3A_474] : memref<1000000x64xf32, #tpu.memory_space<hbm>> -> memref<1000000x64xf32, #tpu.memory_space<hbm>>
      tpu.wait_indirect_dma semaphore(%arg8 : memref<!tpu.dma_semaphore, #tpu.memory_space<semaphore_mem>>) src(%dma_wait3A_475 : memref<1000000x64xf32, #tpu.memory_space<hbm>>) dst(%dma_wait3A_469 : memref<40x64xf32, #tpu.memory_space<vmem>>)
      %dma_wait3A_476 = arith.constant 3 : i32
      %dma_wait3A_477 = arith.constant 3 : i32
      %dma_wait3A_478 = arith.constant 80 : i32
      %dma_wait3A_479 = arith.constant 0 : i32
      %dma_wait3A_480 = tpu.memref_slice %arg6[%dma_wait3A_477, %dma_wait3A_478, %dma_wait3A_479] : memref<4x200x64xf32, #tpu.memory_space<vmem>> -> memref<1x40x64xf32, #tpu.memory_space<vmem>>
      %dma_wait3A_481 = tpu.memref_squeeze %dma_wait3A_480 : memref<1x40x64xf32, #tpu.memory_space<vmem>> -> memref<40x64xf32, #tpu.memory_space<vmem>>
      %dma_wait3A_482 = arith.constant 80 : i32
      %dma_wait3A_483 = tpu.memref_slice %arg5[%dma_wait3A_476, %dma_wait3A_482] : memref<4x200xi32, #tpu.memory_space<vmem>> -> memref<1x40xi32, #tpu.memory_space<vmem>>
      %dma_wait3A_484 = tpu.memref_squeeze %dma_wait3A_483 : memref<1x40xi32, #tpu.memory_space<vmem>> -> memref<40xi32, #tpu.memory_space<vmem>>
      %dma_wait3A_485 = arith.constant 0 : i32
      %dma_wait3A_486 = arith.constant 0 : i32
      %dma_wait3A_487 = tpu.memref_slice %arg3[%dma_wait3A_485, %dma_wait3A_486] : memref<1000000x64xf32, #tpu.memory_space<hbm>> -> memref<1000000x64xf32, #tpu.memory_space<hbm>>
      tpu.wait_indirect_dma semaphore(%arg8 : memref<!tpu.dma_semaphore, #tpu.memory_space<semaphore_mem>>) src(%dma_wait3A_487 : memref<1000000x64xf32, #tpu.memory_space<hbm>>) dst(%dma_wait3A_481 : memref<40x64xf32, #tpu.memory_space<vmem>>)
      %dma_wait3A_488 = arith.constant 3 : i32
      %dma_wait3A_489 = arith.constant 3 : i32
      %dma_wait3A_490 = arith.constant 120 : i32
      %dma_wait3A_491 = arith.constant 0 : i32
      %dma_wait3A_492 = tpu.memref_slice %arg6[%dma_wait3A_489, %dma_wait3A_490, %dma_wait3A_491] : memref<4x200x64xf32, #tpu.memory_space<vmem>> -> memref<1x40x64xf32, #tpu.memory_space<vmem>>
      %dma_wait3A_493 = tpu.memref_squeeze %dma_wait3A_492 : memref<1x40x64xf32, #tpu.memory_space<vmem>> -> memref<40x64xf32, #tpu.memory_space<vmem>>
      %dma_wait3A_494 = arith.constant 120 : i32
      %dma_wait3A_495 = tpu.memref_slice %arg5[%dma_wait3A_488, %dma_wait3A_494] : memref<4x200xi32, #tpu.memory_space<vmem>> -> memref<1x40xi32, #tpu.memory_space<vmem>>
      %dma_wait3A_496 = tpu.memref_squeeze %dma_wait3A_495 : memref<1x40xi32, #tpu.memory_space<vmem>> -> memref<40xi32, #tpu.memory_space<vmem>>
      %dma_wait3A_497 = arith.constant 0 : i32
      %dma_wait3A_498 = arith.constant 0 : i32
      %dma_wait3A_499 = tpu.memref_slice %arg3[%dma_wait3A_497, %dma_wait3A_498] : memref<1000000x64xf32, #tpu.memory_space<hbm>> -> memref<1000000x64xf32, #tpu.memory_space<hbm>>
      tpu.wait_indirect_dma semaphore(%arg8 : memref<!tpu.dma_semaphore, #tpu.memory_space<semaphore_mem>>) src(%dma_wait3A_499 : memref<1000000x64xf32, #tpu.memory_space<hbm>>) dst(%dma_wait3A_493 : memref<40x64xf32, #tpu.memory_space<vmem>>)
      %dma_wait3A_500 = arith.constant 3 : i32
      %dma_wait3A_501 = arith.constant 3 : i32
      %dma_wait3A_502 = arith.constant 160 : i32
      %dma_wait3A_503 = arith.constant 0 : i32
      %dma_wait3A_504 = tpu.memref_slice %arg6[%dma_wait3A_501, %dma_wait3A_502, %dma_wait3A_503] : memref<4x200x64xf32, #tpu.memory_space<vmem>> -> memref<1x40x64xf32, #tpu.memory_space<vmem>>
      %dma_wait3A_505 = tpu.memref_squeeze %dma_wait3A_504 : memref<1x40x64xf32, #tpu.memory_space<vmem>> -> memref<40x64xf32, #tpu.memory_space<vmem>>
      %dma_wait3A_506 = arith.constant 160 : i32
      %dma_wait3A_507 = tpu.memref_slice %arg5[%dma_wait3A_500, %dma_wait3A_506] : memref<4x200xi32, #tpu.memory_space<vmem>> -> memref<1x40xi32, #tpu.memory_space<vmem>>
      %dma_wait3A_508 = tpu.memref_squeeze %dma_wait3A_507 : memref<1x40xi32, #tpu.memory_space<vmem>> -> memref<40xi32, #tpu.memory_space<vmem>>
      %dma_wait3A_509 = arith.constant 0 : i32
      %dma_wait3A_510 = arith.constant 0 : i32
      %dma_wait3A_511 = tpu.memref_slice %arg3[%dma_wait3A_509, %dma_wait3A_510] : memref<1000000x64xf32, #tpu.memory_space<hbm>> -> memref<1000000x64xf32, #tpu.memory_space<hbm>>
      tpu.wait_indirect_dma semaphore(%arg8 : memref<!tpu.dma_semaphore, #tpu.memory_space<semaphore_mem>>) src(%dma_wait3A_511 : memref<1000000x64xf32, #tpu.memory_space<hbm>>) dst(%dma_wait3A_505 : memref<40x64xf32, #tpu.memory_space<vmem>>)
      %parallel_loop3A = arith.constant 0 : i32
      %parallel_loop3A_512 = arith.constant 200 : i32
      %parallel_loop3A_513 = arith.constant 1 : i32
      scf.for %parallel_loop3A_1040 = %parallel_loop3A to %parallel_loop3A_512 step %parallel_loop3A_513  : i32 {
        %parallel_loop3A_1041 = arith.constant 0 : i32
        %parallel_loop3A_1042 = arith.index_cast %parallel_loop3A_1041 : i32 to index
        %parallel_loop3A_1043 = arith.index_cast %parallel_loop3A_1040 : i32 to index
        %parallel_loop3A_1044 = arith.constant 0 : index
        %parallel_loop3A_1045 = tpu.vector_load %arg6[%parallel_loop3A_1042, %parallel_loop3A_1043, %parallel_loop3A_1044] {strides = array<i32>} : memref<4x200x64xf32, #tpu.memory_space<vmem>>, vector<1x1x16xf32>,
        %parallel_loop3A_1046 = vector.shape_cast %parallel_loop3A_1045 : vector<1x1x16xf32> to vector<16xf32>
        %parallel_loop3A_1047 = arith.constant 8.000000e+00 : f32
        %parallel_loop3A_1048 = vector.broadcast %parallel_loop3A_1047 : f32 to vector<16xf32>
        %parallel_loop3A_1049 = arith.mulf %parallel_loop3A_1046, %parallel_loop3A_1048 : vector<16xf32>
        %parallel_loop3A_1050 = arith.constant 0 : i32
        %parallel_loop3A_1051 = arith.index_cast %parallel_loop3A_1050 : i32 to index
        %parallel_loop3A_1052 = arith.index_cast %parallel_loop3A_1040 : i32 to index
        %parallel_loop3A_1053 = arith.constant 0 : index
        %parallel_loop3A_1054 = tpu.vector_load %arg6[%parallel_loop3A_1051, %parallel_loop3A_1052, %parallel_loop3A_1053] {strides = array<i32>} : memref<4x200x64xf32, #tpu.memory_space<vmem>>, vector<1x1x16xf32>,
        %parallel_loop3A_1055 = vector.shape_cast %parallel_loop3A_1054 : vector<1x1x16xf32> to vector<16xf32>
        %parallel_loop3A_1056 = vector.shape_cast %parallel_loop3A_1049 : vector<16xf32> to vector<1x1x16xf32>
        tpu.vector_store %arg6[%parallel_loop3A_1051, %parallel_loop3A_1052, %parallel_loop3A_1053], %parallel_loop3A_1056 {strides = array<i32>} : memref<4x200x64xf32, #tpu.memory_space<vmem>>, vector<1x1x16xf32>,
        %parallel_loop3A_1057 = arith.constant 0 : i32
        %parallel_loop3A_1058 = arith.index_cast %parallel_loop3A_1057 : i32 to index
        %parallel_loop3A_1059 = arith.index_cast %parallel_loop3A_1040 : i32 to index
        %parallel_loop3A_1060 = arith.constant 16 : index
        %parallel_loop3A_1061 = tpu.vector_load %arg6[%parallel_loop3A_1058, %parallel_loop3A_1059, %parallel_loop3A_1060] {strides = array<i32>} : memref<4x200x64xf32, #tpu.memory_space<vmem>>, vector<1x1x16xf32>,
        %parallel_loop3A_1062 = vector.shape_cast %parallel_loop3A_1061 : vector<1x1x16xf32> to vector<16xf32>
        %parallel_loop3A_1063 = arith.constant 8.000000e+00 : f32
        %parallel_loop3A_1064 = vector.broadcast %parallel_loop3A_1063 : f32 to vector<16xf32>
        %parallel_loop3A_1065 = arith.mulf %parallel_loop3A_1062, %parallel_loop3A_1064 : vector<16xf32>
        %parallel_loop3A_1066 = arith.constant 0 : i32
        %parallel_loop3A_1067 = arith.index_cast %parallel_loop3A_1066 : i32 to index
        %parallel_loop3A_1068 = arith.index_cast %parallel_loop3A_1040 : i32 to index
        %parallel_loop3A_1069 = arith.constant 16 : index
        %parallel_loop3A_1070 = tpu.vector_load %arg6[%parallel_loop3A_1067, %parallel_loop3A_1068, %parallel_loop3A_1069] {strides = array<i32>} : memref<4x200x64xf32, #tpu.memory_space<vmem>>, vector<1x1x16xf32>,
        %parallel_loop3A_1071 = vector.shape_cast %parallel_loop3A_1070 : vector<1x1x16xf32> to vector<16xf32>
        %parallel_loop3A_1072 = vector.shape_cast %parallel_loop3A_1065 : vector<16xf32> to vector<1x1x16xf32>
        tpu.vector_store %arg6[%parallel_loop3A_1067, %parallel_loop3A_1068, %parallel_loop3A_1069], %parallel_loop3A_1072 {strides = array<i32>} : memref<4x200x64xf32, #tpu.memory_space<vmem>>, vector<1x1x16xf32>,
        %parallel_loop3A_1073 = arith.constant 0 : i32
        %parallel_loop3A_1074 = arith.index_cast %parallel_loop3A_1073 : i32 to index
        %parallel_loop3A_1075 = arith.index_cast %parallel_loop3A_1040 : i32 to index
        %parallel_loop3A_1076 = arith.constant 32 : index
        %parallel_loop3A_1077 = tpu.vector_load %arg6[%parallel_loop3A_1074, %parallel_loop3A_1075, %parallel_loop3A_1076] {strides = array<i32>} : memref<4x200x64xf32, #tpu.memory_space<vmem>>, vector<1x1x16xf32>,
        %parallel_loop3A_1078 = vector.shape_cast %parallel_loop3A_1077 : vector<1x1x16xf32> to vector<16xf32>
        %parallel_loop3A_1079 = arith.constant 8.000000e+00 : f32
        %parallel_loop3A_1080 = vector.broadcast %parallel_loop3A_1079 : f32 to vector<16xf32>
        %parallel_loop3A_1081 = arith.mulf %parallel_loop3A_1078, %parallel_loop3A_1080 : vector<16xf32>
        %parallel_loop3A_1082 = arith.constant 0 : i32
        %parallel_loop3A_1083 = arith.index_cast %parallel_loop3A_1082 : i32 to index
        %parallel_loop3A_1084 = arith.index_cast %parallel_loop3A_1040 : i32 to index
        %parallel_loop3A_1085 = arith.constant 32 : index
        %parallel_loop3A_1086 = tpu.vector_load %arg6[%parallel_loop3A_1083, %parallel_loop3A_1084, %parallel_loop3A_1085] {strides = array<i32>} : memref<4x200x64xf32, #tpu.memory_space<vmem>>, vector<1x1x16xf32>,
        %parallel_loop3A_1087 = vector.shape_cast %parallel_loop3A_1086 : vector<1x1x16xf32> to vector<16xf32>
        %parallel_loop3A_1088 = vector.shape_cast %parallel_loop3A_1081 : vector<16xf32> to vector<1x1x16xf32>
        tpu.vector_store %arg6[%parallel_loop3A_1083, %parallel_loop3A_1084, %parallel_loop3A_1085], %parallel_loop3A_1088 {strides = array<i32>} : memref<4x200x64xf32, #tpu.memory_space<vmem>>, vector<1x1x16xf32>,
        %parallel_loop3A_1089 = arith.constant 0 : i32
        %parallel_loop3A_1090 = arith.index_cast %parallel_loop3A_1089 : i32 to index
        %parallel_loop3A_1091 = arith.index_cast %parallel_loop3A_1040 : i32 to index
        %parallel_loop3A_1092 = arith.constant 48 : index
        %parallel_loop3A_1093 = tpu.vector_load %arg6[%parallel_loop3A_1090, %parallel_loop3A_1091, %parallel_loop3A_1092] {strides = array<i32>} : memref<4x200x64xf32, #tpu.memory_space<vmem>>, vector<1x1x16xf32>,
        %parallel_loop3A_1094 = vector.shape_cast %parallel_loop3A_1093 : vector<1x1x16xf32> to vector<16xf32>
        %parallel_loop3A_1095 = arith.constant 8.000000e+00 : f32
        %parallel_loop3A_1096 = vector.broadcast %parallel_loop3A_1095 : f32 to vector<16xf32>
        %parallel_loop3A_1097 = arith.mulf %parallel_loop3A_1094, %parallel_loop3A_1096 : vector<16xf32>
        %parallel_loop3A_1098 = arith.constant 0 : i32
        %parallel_loop3A_1099 = arith.index_cast %parallel_loop3A_1098 : i32 to index
        %parallel_loop3A_1100 = arith.index_cast %parallel_loop3A_1040 : i32 to index
        %parallel_loop3A_1101 = arith.constant 48 : index
        %parallel_loop3A_1102 = tpu.vector_load %arg6[%parallel_loop3A_1099, %parallel_loop3A_1100, %parallel_loop3A_1101] {strides = array<i32>} : memref<4x200x64xf32, #tpu.memory_space<vmem>>, vector<1x1x16xf32>,
        %parallel_loop3A_1103 = vector.shape_cast %parallel_loop3A_1102 : vector<1x1x16xf32> to vector<16xf32>
        %parallel_loop3A_1104 = vector.shape_cast %parallel_loop3A_1097 : vector<16xf32> to vector<1x1x16xf32>
        tpu.vector_store %arg6[%parallel_loop3A_1099, %parallel_loop3A_1100, %parallel_loop3A_1101], %parallel_loop3A_1104 {strides = array<i32>} : memref<4x200x64xf32, #tpu.memory_space<vmem>>, vector<1x1x16xf32>,
      } {sc.loop_unroll_factor = 4 : i64, sc.parallel_access}
      %parallel_loop3A_514 = arith.constant 0 : i32
      %parallel_loop3A_515 = arith.constant 200 : i32
      %parallel_loop3A_516 = arith.constant 1 : i32
      scf.for %parallel_loop3A_1040 = %parallel_loop3A_514 to %parallel_loop3A_515 step %parallel_loop3A_516  : i32 {
        %parallel_loop3A_1041 = arith.constant 1 : i32
        %parallel_loop3A_1042 = arith.index_cast %parallel_loop3A_1041 : i32 to index
        %parallel_loop3A_1043 = arith.index_cast %parallel_loop3A_1040 : i32 to index
        %parallel_loop3A_1044 = arith.constant 0 : index
        %parallel_loop3A_1045 = tpu.vector_load %arg6[%parallel_loop3A_1042, %parallel_loop3A_1043, %parallel_loop3A_1044] {strides = array<i32>} : memref<4x200x64xf32, #tpu.memory_space<vmem>>, vector<1x1x16xf32>,
        %parallel_loop3A_1046 = vector.shape_cast %parallel_loop3A_1045 : vector<1x1x16xf32> to vector<16xf32>
        %parallel_loop3A_1047 = arith.constant 8.000000e+00 : f32
        %parallel_loop3A_1048 = vector.broadcast %parallel_loop3A_1047 : f32 to vector<16xf32>
        %parallel_loop3A_1049 = arith.mulf %parallel_loop3A_1046, %parallel_loop3A_1048 : vector<16xf32>
        %parallel_loop3A_1050 = arith.constant 1 : i32
        %parallel_loop3A_1051 = arith.index_cast %parallel_loop3A_1050 : i32 to index
        %parallel_loop3A_1052 = arith.index_cast %parallel_loop3A_1040 : i32 to index
        %parallel_loop3A_1053 = arith.constant 0 : index
        %parallel_loop3A_1054 = tpu.vector_load %arg6[%parallel_loop3A_1051, %parallel_loop3A_1052, %parallel_loop3A_1053] {strides = array<i32>} : memref<4x200x64xf32, #tpu.memory_space<vmem>>, vector<1x1x16xf32>,
        %parallel_loop3A_1055 = vector.shape_cast %parallel_loop3A_1054 : vector<1x1x16xf32> to vector<16xf32>
        %parallel_loop3A_1056 = vector.shape_cast %parallel_loop3A_1049 : vector<16xf32> to vector<1x1x16xf32>
        tpu.vector_store %arg6[%parallel_loop3A_1051, %parallel_loop3A_1052, %parallel_loop3A_1053], %parallel_loop3A_1056 {strides = array<i32>} : memref<4x200x64xf32, #tpu.memory_space<vmem>>, vector<1x1x16xf32>,
        %parallel_loop3A_1057 = arith.constant 1 : i32
        %parallel_loop3A_1058 = arith.index_cast %parallel_loop3A_1057 : i32 to index
        %parallel_loop3A_1059 = arith.index_cast %parallel_loop3A_1040 : i32 to index
        %parallel_loop3A_1060 = arith.constant 16 : index
        %parallel_loop3A_1061 = tpu.vector_load %arg6[%parallel_loop3A_1058, %parallel_loop3A_1059, %parallel_loop3A_1060] {strides = array<i32>} : memref<4x200x64xf32, #tpu.memory_space<vmem>>, vector<1x1x16xf32>,
        %parallel_loop3A_1062 = vector.shape_cast %parallel_loop3A_1061 : vector<1x1x16xf32> to vector<16xf32>
        %parallel_loop3A_1063 = arith.constant 8.000000e+00 : f32
        %parallel_loop3A_1064 = vector.broadcast %parallel_loop3A_1063 : f32 to vector<16xf32>
        %parallel_loop3A_1065 = arith.mulf %parallel_loop3A_1062, %parallel_loop3A_1064 : vector<16xf32>
        %parallel_loop3A_1066 = arith.constant 1 : i32
        %parallel_loop3A_1067 = arith.index_cast %parallel_loop3A_1066 : i32 to index
        %parallel_loop3A_1068 = arith.index_cast %parallel_loop3A_1040 : i32 to index
        %parallel_loop3A_1069 = arith.constant 16 : index
        %parallel_loop3A_1070 = tpu.vector_load %arg6[%parallel_loop3A_1067, %parallel_loop3A_1068, %parallel_loop3A_1069] {strides = array<i32>} : memref<4x200x64xf32, #tpu.memory_space<vmem>>, vector<1x1x16xf32>,
        %parallel_loop3A_1071 = vector.shape_cast %parallel_loop3A_1070 : vector<1x1x16xf32> to vector<16xf32>
        %parallel_loop3A_1072 = vector.shape_cast %parallel_loop3A_1065 : vector<16xf32> to vector<1x1x16xf32>
        tpu.vector_store %arg6[%parallel_loop3A_1067, %parallel_loop3A_1068, %parallel_loop3A_1069], %parallel_loop3A_1072 {strides = array<i32>} : memref<4x200x64xf32, #tpu.memory_space<vmem>>, vector<1x1x16xf32>,
        %parallel_loop3A_1073 = arith.constant 1 : i32
        %parallel_loop3A_1074 = arith.index_cast %parallel_loop3A_1073 : i32 to index
        %parallel_loop3A_1075 = arith.index_cast %parallel_loop3A_1040 : i32 to index
        %parallel_loop3A_1076 = arith.constant 32 : index
        %parallel_loop3A_1077 = tpu.vector_load %arg6[%parallel_loop3A_1074, %parallel_loop3A_1075, %parallel_loop3A_1076] {strides = array<i32>} : memref<4x200x64xf32, #tpu.memory_space<vmem>>, vector<1x1x16xf32>,
        %parallel_loop3A_1078 = vector.shape_cast %parallel_loop3A_1077 : vector<1x1x16xf32> to vector<16xf32>
        %parallel_loop3A_1079 = arith.constant 8.000000e+00 : f32
        %parallel_loop3A_1080 = vector.broadcast %parallel_loop3A_1079 : f32 to vector<16xf32>
        %parallel_loop3A_1081 = arith.mulf %parallel_loop3A_1078, %parallel_loop3A_1080 : vector<16xf32>
        %parallel_loop3A_1082 = arith.constant 1 : i32
        %parallel_loop3A_1083 = arith.index_cast %parallel_loop3A_1082 : i32 to index
        %parallel_loop3A_1084 = arith.index_cast %parallel_loop3A_1040 : i32 to index
        %parallel_loop3A_1085 = arith.constant 32 : index
        %parallel_loop3A_1086 = tpu.vector_load %arg6[%parallel_loop3A_1083, %parallel_loop3A_1084, %parallel_loop3A_1085] {strides = array<i32>} : memref<4x200x64xf32, #tpu.memory_space<vmem>>, vector<1x1x16xf32>,
        %parallel_loop3A_1087 = vector.shape_cast %parallel_loop3A_1086 : vector<1x1x16xf32> to vector<16xf32>
        %parallel_loop3A_1088 = vector.shape_cast %parallel_loop3A_1081 : vector<16xf32> to vector<1x1x16xf32>
        tpu.vector_store %arg6[%parallel_loop3A_1083, %parallel_loop3A_1084, %parallel_loop3A_1085], %parallel_loop3A_1088 {strides = array<i32>} : memref<4x200x64xf32, #tpu.memory_space<vmem>>, vector<1x1x16xf32>,
        %parallel_loop3A_1089 = arith.constant 1 : i32
        %parallel_loop3A_1090 = arith.index_cast %parallel_loop3A_1089 : i32 to index
        %parallel_loop3A_1091 = arith.index_cast %parallel_loop3A_1040 : i32 to index
        %parallel_loop3A_1092 = arith.constant 48 : index
        %parallel_loop3A_1093 = tpu.vector_load %arg6[%parallel_loop3A_1090, %parallel_loop3A_1091, %parallel_loop3A_1092] {strides = array<i32>} : memref<4x200x64xf32, #tpu.memory_space<vmem>>, vector<1x1x16xf32>,
        %parallel_loop3A_1094 = vector.shape_cast %parallel_loop3A_1093 : vector<1x1x16xf32> to vector<16xf32>
        %parallel_loop3A_1095 = arith.constant 8.000000e+00 : f32
        %parallel_loop3A_1096 = vector.broadcast %parallel_loop3A_1095 : f32 to vector<16xf32>
        %parallel_loop3A_1097 = arith.mulf %parallel_loop3A_1094, %parallel_loop3A_1096 : vector<16xf32>
        %parallel_loop3A_1098 = arith.constant 1 : i32
        %parallel_loop3A_1099 = arith.index_cast %parallel_loop3A_1098 : i32 to index
        %parallel_loop3A_1100 = arith.index_cast %parallel_loop3A_1040 : i32 to index
        %parallel_loop3A_1101 = arith.constant 48 : index
        %parallel_loop3A_1102 = tpu.vector_load %arg6[%parallel_loop3A_1099, %parallel_loop3A_1100, %parallel_loop3A_1101] {strides = array<i32>} : memref<4x200x64xf32, #tpu.memory_space<vmem>>, vector<1x1x16xf32>,
        %parallel_loop3A_1103 = vector.shape_cast %parallel_loop3A_1102 : vector<1x1x16xf32> to vector<16xf32>
        %parallel_loop3A_1104 = vector.shape_cast %parallel_loop3A_1097 : vector<16xf32> to vector<1x1x16xf32>
        tpu.vector_store %arg6[%parallel_loop3A_1099, %parallel_loop3A_1100, %parallel_loop3A_1101], %parallel_loop3A_1104 {strides = array<i32>} : memref<4x200x64xf32, #tpu.memory_space<vmem>>, vector<1x1x16xf32>,
      } {sc.loop_unroll_factor = 4 : i64, sc.parallel_access}
      %parallel_loop3A_517 = arith.constant 0 : i32
      %parallel_loop3A_518 = arith.constant 200 : i32
      %parallel_loop3A_519 = arith.constant 1 : i32
      scf.for %parallel_loop3A_1040 = %parallel_loop3A_517 to %parallel_loop3A_518 step %parallel_loop3A_519  : i32 {
        %parallel_loop3A_1041 = arith.constant 2 : i32
        %parallel_loop3A_1042 = arith.index_cast %parallel_loop3A_1041 : i32 to index
        %parallel_loop3A_1043 = arith.index_cast %parallel_loop3A_1040 : i32 to index
        %parallel_loop3A_1044 = arith.constant 0 : index
        %parallel_loop3A_1045 = tpu.vector_load %arg6[%parallel_loop3A_1042, %parallel_loop3A_1043, %parallel_loop3A_1044] {strides = array<i32>} : memref<4x200x64xf32, #tpu.memory_space<vmem>>, vector<1x1x16xf32>,
        %parallel_loop3A_1046 = vector.shape_cast %parallel_loop3A_1045 : vector<1x1x16xf32> to vector<16xf32>
        %parallel_loop3A_1047 = arith.constant 8.000000e+00 : f32
        %parallel_loop3A_1048 = vector.broadcast %parallel_loop3A_1047 : f32 to vector<16xf32>
        %parallel_loop3A_1049 = arith.mulf %parallel_loop3A_1046, %parallel_loop3A_1048 : vector<16xf32>
        %parallel_loop3A_1050 = arith.constant 2 : i32
        %parallel_loop3A_1051 = arith.index_cast %parallel_loop3A_1050 : i32 to index
        %parallel_loop3A_1052 = arith.index_cast %parallel_loop3A_1040 : i32 to index
        %parallel_loop3A_1053 = arith.constant 0 : index
        %parallel_loop3A_1054 = tpu.vector_load %arg6[%parallel_loop3A_1051, %parallel_loop3A_1052, %parallel_loop3A_1053] {strides = array<i32>} : memref<4x200x64xf32, #tpu.memory_space<vmem>>, vector<1x1x16xf32>,
        %parallel_loop3A_1055 = vector.shape_cast %parallel_loop3A_1054 : vector<1x1x16xf32> to vector<16xf32>
        %parallel_loop3A_1056 = vector.shape_cast %parallel_loop3A_1049 : vector<16xf32> to vector<1x1x16xf32>
        tpu.vector_store %arg6[%parallel_loop3A_1051, %parallel_loop3A_1052, %parallel_loop3A_1053], %parallel_loop3A_1056 {strides = array<i32>} : memref<4x200x64xf32, #tpu.memory_space<vmem>>, vector<1x1x16xf32>,
        %parallel_loop3A_1057 = arith.constant 2 : i32
        %parallel_loop3A_1058 = arith.index_cast %parallel_loop3A_1057 : i32 to index
        %parallel_loop3A_1059 = arith.index_cast %parallel_loop3A_1040 : i32 to index
        %parallel_loop3A_1060 = arith.constant 16 : index
        %parallel_loop3A_1061 = tpu.vector_load %arg6[%parallel_loop3A_1058, %parallel_loop3A_1059, %parallel_loop3A_1060] {strides = array<i32>} : memref<4x200x64xf32, #tpu.memory_space<vmem>>, vector<1x1x16xf32>,
        %parallel_loop3A_1062 = vector.shape_cast %parallel_loop3A_1061 : vector<1x1x16xf32> to vector<16xf32>
        %parallel_loop3A_1063 = arith.constant 8.000000e+00 : f32
        %parallel_loop3A_1064 = vector.broadcast %parallel_loop3A_1063 : f32 to vector<16xf32>
        %parallel_loop3A_1065 = arith.mulf %parallel_loop3A_1062, %parallel_loop3A_1064 : vector<16xf32>
        %parallel_loop3A_1066 = arith.constant 2 : i32
        %parallel_loop3A_1067 = arith.index_cast %parallel_loop3A_1066 : i32 to index
        %parallel_loop3A_1068 = arith.index_cast %parallel_loop3A_1040 : i32 to index
        %parallel_loop3A_1069 = arith.constant 16 : index
        %parallel_loop3A_1070 = tpu.vector_load %arg6[%parallel_loop3A_1067, %parallel_loop3A_1068, %parallel_loop3A_1069] {strides = array<i32>} : memref<4x200x64xf32, #tpu.memory_space<vmem>>, vector<1x1x16xf32>,
        %parallel_loop3A_1071 = vector.shape_cast %parallel_loop3A_1070 : vector<1x1x16xf32> to vector<16xf32>
        %parallel_loop3A_1072 = vector.shape_cast %parallel_loop3A_1065 : vector<16xf32> to vector<1x1x16xf32>
        tpu.vector_store %arg6[%parallel_loop3A_1067, %parallel_loop3A_1068, %parallel_loop3A_1069], %parallel_loop3A_1072 {strides = array<i32>} : memref<4x200x64xf32, #tpu.memory_space<vmem>>, vector<1x1x16xf32>,
        %parallel_loop3A_1073 = arith.constant 2 : i32
        %parallel_loop3A_1074 = arith.index_cast %parallel_loop3A_1073 : i32 to index
        %parallel_loop3A_1075 = arith.index_cast %parallel_loop3A_1040 : i32 to index
        %parallel_loop3A_1076 = arith.constant 32 : index
        %parallel_loop3A_1077 = tpu.vector_load %arg6[%parallel_loop3A_1074, %parallel_loop3A_1075, %parallel_loop3A_1076] {strides = array<i32>} : memref<4x200x64xf32, #tpu.memory_space<vmem>>, vector<1x1x16xf32>,
        %parallel_loop3A_1078 = vector.shape_cast %parallel_loop3A_1077 : vector<1x1x16xf32> to vector<16xf32>
        %parallel_loop3A_1079 = arith.constant 8.000000e+00 : f32
        %parallel_loop3A_1080 = vector.broadcast %parallel_loop3A_1079 : f32 to vector<16xf32>
        %parallel_loop3A_1081 = arith.mulf %parallel_loop3A_1078, %parallel_loop3A_1080 : vector<16xf32>
        %parallel_loop3A_1082 = arith.constant 2 : i32
        %parallel_loop3A_1083 = arith.index_cast %parallel_loop3A_1082 : i32 to index
        %parallel_loop3A_1084 = arith.index_cast %parallel_loop3A_1040 : i32 to index
        %parallel_loop3A_1085 = arith.constant 32 : index
        %parallel_loop3A_1086 = tpu.vector_load %arg6[%parallel_loop3A_1083, %parallel_loop3A_1084, %parallel_loop3A_1085] {strides = array<i32>} : memref<4x200x64xf32, #tpu.memory_space<vmem>>, vector<1x1x16xf32>,
        %parallel_loop3A_1087 = vector.shape_cast %parallel_loop3A_1086 : vector<1x1x16xf32> to vector<16xf32>
        %parallel_loop3A_1088 = vector.shape_cast %parallel_loop3A_1081 : vector<16xf32> to vector<1x1x16xf32>
        tpu.vector_store %arg6[%parallel_loop3A_1083, %parallel_loop3A_1084, %parallel_loop3A_1085], %parallel_loop3A_1088 {strides = array<i32>} : memref<4x200x64xf32, #tpu.memory_space<vmem>>, vector<1x1x16xf32>,
        %parallel_loop3A_1089 = arith.constant 2 : i32
        %parallel_loop3A_1090 = arith.index_cast %parallel_loop3A_1089 : i32 to index
        %parallel_loop3A_1091 = arith.index_cast %parallel_loop3A_1040 : i32 to index
        %parallel_loop3A_1092 = arith.constant 48 : index
        %parallel_loop3A_1093 = tpu.vector_load %arg6[%parallel_loop3A_1090, %parallel_loop3A_1091, %parallel_loop3A_1092] {strides = array<i32>} : memref<4x200x64xf32, #tpu.memory_space<vmem>>, vector<1x1x16xf32>,
        %parallel_loop3A_1094 = vector.shape_cast %parallel_loop3A_1093 : vector<1x1x16xf32> to vector<16xf32>
        %parallel_loop3A_1095 = arith.constant 8.000000e+00 : f32
        %parallel_loop3A_1096 = vector.broadcast %parallel_loop3A_1095 : f32 to vector<16xf32>
        %parallel_loop3A_1097 = arith.mulf %parallel_loop3A_1094, %parallel_loop3A_1096 : vector<16xf32>
        %parallel_loop3A_1098 = arith.constant 2 : i32
        %parallel_loop3A_1099 = arith.index_cast %parallel_loop3A_1098 : i32 to index
        %parallel_loop3A_1100 = arith.index_cast %parallel_loop3A_1040 : i32 to index
        %parallel_loop3A_1101 = arith.constant 48 : index
        %parallel_loop3A_1102 = tpu.vector_load %arg6[%parallel_loop3A_1099, %parallel_loop3A_1100, %parallel_loop3A_1101] {strides = array<i32>} : memref<4x200x64xf32, #tpu.memory_space<vmem>>, vector<1x1x16xf32>,
        %parallel_loop3A_1103 = vector.shape_cast %parallel_loop3A_1102 : vector<1x1x16xf32> to vector<16xf32>
        %parallel_loop3A_1104 = vector.shape_cast %parallel_loop3A_1097 : vector<16xf32> to vector<1x1x16xf32>
        tpu.vector_store %arg6[%parallel_loop3A_1099, %parallel_loop3A_1100, %parallel_loop3A_1101], %parallel_loop3A_1104 {strides = array<i32>} : memref<4x200x64xf32, #tpu.memory_space<vmem>>, vector<1x1x16xf32>,
      } {sc.loop_unroll_factor = 4 : i64, sc.parallel_access}
      %parallel_loop3A_520 = arith.constant 0 : i32
      %parallel_loop3A_521 = arith.constant 200 : i32
      %parallel_loop3A_522 = arith.constant 1 : i32
      scf.for %parallel_loop3A_1040 = %parallel_loop3A_520 to %parallel_loop3A_521 step %parallel_loop3A_522  : i32 {
        %parallel_loop3A_1041 = arith.constant 3 : i32
        %parallel_loop3A_1042 = arith.index_cast %parallel_loop3A_1041 : i32 to index
        %parallel_loop3A_1043 = arith.index_cast %parallel_loop3A_1040 : i32 to index
        %parallel_loop3A_1044 = arith.constant 0 : index
        %parallel_loop3A_1045 = tpu.vector_load %arg6[%parallel_loop3A_1042, %parallel_loop3A_1043, %parallel_loop3A_1044] {strides = array<i32>} : memref<4x200x64xf32, #tpu.memory_space<vmem>>, vector<1x1x16xf32>,
        %parallel_loop3A_1046 = vector.shape_cast %parallel_loop3A_1045 : vector<1x1x16xf32> to vector<16xf32>
        %parallel_loop3A_1047 = arith.constant 8.000000e+00 : f32
        %parallel_loop3A_1048 = vector.broadcast %parallel_loop3A_1047 : f32 to vector<16xf32>
        %parallel_loop3A_1049 = arith.mulf %parallel_loop3A_1046, %parallel_loop3A_1048 : vector<16xf32>
        %parallel_loop3A_1050 = arith.constant 3 : i32
        %parallel_loop3A_1051 = arith.index_cast %parallel_loop3A_1050 : i32 to index
        %parallel_loop3A_1052 = arith.index_cast %parallel_loop3A_1040 : i32 to index
        %parallel_loop3A_1053 = arith.constant 0 : index
        %parallel_loop3A_1054 = tpu.vector_load %arg6[%parallel_loop3A_1051, %parallel_loop3A_1052, %parallel_loop3A_1053] {strides = array<i32>} : memref<4x200x64xf32, #tpu.memory_space<vmem>>, vector<1x1x16xf32>,
        %parallel_loop3A_1055 = vector.shape_cast %parallel_loop3A_1054 : vector<1x1x16xf32> to vector<16xf32>
        %parallel_loop3A_1056 = vector.shape_cast %parallel_loop3A_1049 : vector<16xf32> to vector<1x1x16xf32>
        tpu.vector_store %arg6[%parallel_loop3A_1051, %parallel_loop3A_1052, %parallel_loop3A_1053], %parallel_loop3A_1056 {strides = array<i32>} : memref<4x200x64xf32, #tpu.memory_space<vmem>>, vector<1x1x16xf32>,
        %parallel_loop3A_1057 = arith.constant 3 : i32
        %parallel_loop3A_1058 = arith.index_cast %parallel_loop3A_1057 : i32 to index
        %parallel_loop3A_1059 = arith.index_cast %parallel_loop3A_1040 : i32 to index
        %parallel_loop3A_1060 = arith.constant 16 : index
        %parallel_loop3A_1061 = tpu.vector_load %arg6[%parallel_loop3A_1058, %parallel_loop3A_1059, %parallel_loop3A_1060] {strides = array<i32>} : memref<4x200x64xf32, #tpu.memory_space<vmem>>, vector<1x1x16xf32>,
        %parallel_loop3A_1062 = vector.shape_cast %parallel_loop3A_1061 : vector<1x1x16xf32> to vector<16xf32>
        %parallel_loop3A_1063 = arith.constant 8.000000e+00 : f32
        %parallel_loop3A_1064 = vector.broadcast %parallel_loop3A_1063 : f32 to vector<16xf32>
        %parallel_loop3A_1065 = arith.mulf %parallel_loop3A_1062, %parallel_loop3A_1064 : vector<16xf32>
        %parallel_loop3A_1066 = arith.constant 3 : i32
        %parallel_loop3A_1067 = arith.index_cast %parallel_loop3A_1066 : i32 to index
        %parallel_loop3A_1068 = arith.index_cast %parallel_loop3A_1040 : i32 to index
        %parallel_loop3A_1069 = arith.constant 16 : index
        %parallel_loop3A_1070 = tpu.vector_load %arg6[%parallel_loop3A_1067, %parallel_loop3A_1068, %parallel_loop3A_1069] {strides = array<i32>} : memref<4x200x64xf32, #tpu.memory_space<vmem>>, vector<1x1x16xf32>,
        %parallel_loop3A_1071 = vector.shape_cast %parallel_loop3A_1070 : vector<1x1x16xf32> to vector<16xf32>
        %parallel_loop3A_1072 = vector.shape_cast %parallel_loop3A_1065 : vector<16xf32> to vector<1x1x16xf32>
        tpu.vector_store %arg6[%parallel_loop3A_1067, %parallel_loop3A_1068, %parallel_loop3A_1069], %parallel_loop3A_1072 {strides = array<i32>} : memref<4x200x64xf32, #tpu.memory_space<vmem>>, vector<1x1x16xf32>,
        %parallel_loop3A_1073 = arith.constant 3 : i32
        %parallel_loop3A_1074 = arith.index_cast %parallel_loop3A_1073 : i32 to index
        %parallel_loop3A_1075 = arith.index_cast %parallel_loop3A_1040 : i32 to index
        %parallel_loop3A_1076 = arith.constant 32 : index
        %parallel_loop3A_1077 = tpu.vector_load %arg6[%parallel_loop3A_1074, %parallel_loop3A_1075, %parallel_loop3A_1076] {strides = array<i32>} : memref<4x200x64xf32, #tpu.memory_space<vmem>>, vector<1x1x16xf32>,
        %parallel_loop3A_1078 = vector.shape_cast %parallel_loop3A_1077 : vector<1x1x16xf32> to vector<16xf32>
        %parallel_loop3A_1079 = arith.constant 8.000000e+00 : f32
        %parallel_loop3A_1080 = vector.broadcast %parallel_loop3A_1079 : f32 to vector<16xf32>
        %parallel_loop3A_1081 = arith.mulf %parallel_loop3A_1078, %parallel_loop3A_1080 : vector<16xf32>
        %parallel_loop3A_1082 = arith.constant 3 : i32
        %parallel_loop3A_1083 = arith.index_cast %parallel_loop3A_1082 : i32 to index
        %parallel_loop3A_1084 = arith.index_cast %parallel_loop3A_1040 : i32 to index
        %parallel_loop3A_1085 = arith.constant 32 : index
        %parallel_loop3A_1086 = tpu.vector_load %arg6[%parallel_loop3A_1083, %parallel_loop3A_1084, %parallel_loop3A_1085] {strides = array<i32>} : memref<4x200x64xf32, #tpu.memory_space<vmem>>, vector<1x1x16xf32>,
        %parallel_loop3A_1087 = vector.shape_cast %parallel_loop3A_1086 : vector<1x1x16xf32> to vector<16xf32>
        %parallel_loop3A_1088 = vector.shape_cast %parallel_loop3A_1081 : vector<16xf32> to vector<1x1x16xf32>
        tpu.vector_store %arg6[%parallel_loop3A_1083, %parallel_loop3A_1084, %parallel_loop3A_1085], %parallel_loop3A_1088 {strides = array<i32>} : memref<4x200x64xf32, #tpu.memory_space<vmem>>, vector<1x1x16xf32>,
        %parallel_loop3A_1089 = arith.constant 3 : i32
        %parallel_loop3A_1090 = arith.index_cast %parallel_loop3A_1089 : i32 to index
        %parallel_loop3A_1091 = arith.index_cast %parallel_loop3A_1040 : i32 to index
        %parallel_loop3A_1092 = arith.constant 48 : index
        %parallel_loop3A_1093 = tpu.vector_load %arg6[%parallel_loop3A_1090, %parallel_loop3A_1091, %parallel_loop3A_1092] {strides = array<i32>} : memref<4x200x64xf32, #tpu.memory_space<vmem>>, vector<1x1x16xf32>,
        %parallel_loop3A_1094 = vector.shape_cast %parallel_loop3A_1093 : vector<1x1x16xf32> to vector<16xf32>
        %parallel_loop3A_1095 = arith.constant 8.000000e+00 : f32
        %parallel_loop3A_1096 = vector.broadcast %parallel_loop3A_1095 : f32 to vector<16xf32>
        %parallel_loop3A_1097 = arith.mulf %parallel_loop3A_1094, %parallel_loop3A_1096 : vector<16xf32>
        %parallel_loop3A_1098 = arith.constant 3 : i32
        %parallel_loop3A_1099 = arith.index_cast %parallel_loop3A_1098 : i32 to index
        %parallel_loop3A_1100 = arith.index_cast %parallel_loop3A_1040 : i32 to index
        %parallel_loop3A_1101 = arith.constant 48 : index
        %parallel_loop3A_1102 = tpu.vector_load %arg6[%parallel_loop3A_1099, %parallel_loop3A_1100, %parallel_loop3A_1101] {strides = array<i32>} : memref<4x200x64xf32, #tpu.memory_space<vmem>>, vector<1x1x16xf32>,
        %parallel_loop3A_1103 = vector.shape_cast %parallel_loop3A_1102 : vector<1x1x16xf32> to vector<16xf32>
        %parallel_loop3A_1104 = vector.shape_cast %parallel_loop3A_1097 : vector<16xf32> to vector<1x1x16xf32>
        tpu.vector_store %arg6[%parallel_loop3A_1099, %parallel_loop3A_1100, %parallel_loop3A_1101], %parallel_loop3A_1104 {strides = array<i32>} : memref<4x200x64xf32, #tpu.memory_space<vmem>>, vector<1x1x16xf32>,
      } {sc.loop_unroll_factor = 4 : i64, sc.parallel_access}
      %dma_start3A_523 = arith.constant 0 : i32
      %dma_start3A_524 = arith.constant 0 : i32
      %dma_start3A_525 = tpu.memref_slice %arg4[%add3A_30, %dma_start3A_523, %dma_start3A_524] : memref<4096x200x64xf32, #tpu.memory_space<hbm>> -> memref<4x200x64xf32, #tpu.memory_space<hbm>>
      %dma_start3A_526 = arith.constant 0 : i32
      %dma_start3A_527 = arith.constant 0 : i32
      %dma_start3A_528 = tpu.memref_slice %arg4[%add3A_30, %dma_start3A_526, %dma_start3A_527] : memref<4096x200x64xf32, #tpu.memory_space<hbm>> -> memref<4x200x64xf32, #tpu.memory_space<hbm>>
      tpu.enqueue_dma source(%arg6 : memref<4x200x64xf32, #tpu.memory_space<vmem>>) target(%dma_start3A_528 : memref<4x200x64xf32, #tpu.memory_space<hbm>>) target_semaphore(%arg9 : memref<!tpu.dma_semaphore, #tpu.memory_space<semaphore_mem>>)
      %mul3A_529 = arith.constant 2 : i32
      %mul3A_530 = arith.muli %mul3A_529, %scan3A_24 : i32
      %add3A_531 = arith.constant 1 : i32
      %add3A_532 = arith.addi %mul3A_530, %add3A_531 : i32
      %mul3A_533 = arith.constant 4 : i32
      %mul3A_534 = arith.muli %add3A_532, %mul3A_533 : i32
      %add3A_535 = arith.addi %mul3A_2, %mul3A_534 : i32
      %ge3A_536 = arith.constant 2 : i32
      %ge3A_537 = arith.cmpi sge, %add3A_532, %ge3A_536 : i32
      %convert_element_type3A_538 = arith.extui %ge3A_537 : i1 to i32
      %cond3A_539 = arith.constant 0 : i32
      %cond3A_540 = arith.cmpi ne, %convert_element_type3A_538, %cond3A_539 : i32
      scf.if %cond3A_540 {
        %sub3A = arith.constant 8 : i32
        %sub3A_1040 = arith.subi %add3A_535, %sub3A : i32
        %dma_wait3A_1041 = arith.constant 0 : i32
        %dma_wait3A_1042 = arith.constant 0 : i32
        %dma_wait3A_1043 = tpu.memref_slice %arg4[%sub3A_1040, %dma_wait3A_1041, %dma_wait3A_1042] : memref<4096x200x64xf32, #tpu.memory_space<hbm>> -> memref<4x200x64xf32, #tpu.memory_space<hbm>>
        %dma_wait3A_1044 = arith.constant 0 : i32
        %dma_wait3A_1045 = arith.constant 0 : i32
        %dma_wait3A_1046 = tpu.memref_slice %arg4[%sub3A_1040, %dma_wait3A_1044, %dma_wait3A_1045] : memref<4096x200x64xf32, #tpu.memory_space<hbm>> -> memref<4x200x64xf32, #tpu.memory_space<hbm>>
        tpu.wait_dma2 semaphore(%arg10 : memref<!tpu.dma_semaphore, #tpu.memory_space<semaphore_mem>>) src(%arg7 : memref<4x200x64xf32, #tpu.memory_space<vmem>>) dst(%dma_wait3A_1046 : memref<4x200x64xf32, #tpu.memory_space<hbm>>)
      } else {
      }
      "tpu.region"() ({
        %run_scoped3A = tpu.sem_alloc : memref<!tpu.dma_semaphore, #tpu.memory_space<semaphore_mem>>
        %dma_start3A_1040 = arith.constant 0 : i32
        %dma_start3A_1041 = tpu.memref_slice %arg2[%add3A_535, %dma_start3A_1040] : memref<4096x200xi32, #tpu.memory_space<hbm>> -> memref<4x200xi32, #tpu.memory_space<hbm>>
        %dma_start3A_1042 = arith.constant 0 : i32
        %dma_start3A_1043 = tpu.memref_slice %arg2[%add3A_535, %dma_start3A_1042] : memref<4096x200xi32, #tpu.memory_space<hbm>> -> memref<4x200xi32, #tpu.memory_space<hbm>>
        tpu.enqueue_dma source(%dma_start3A_1043 : memref<4x200xi32, #tpu.memory_space<hbm>>) target(%arg5 : memref<4x200xi32, #tpu.memory_space<vmem>>) target_semaphore(%run_scoped3A : memref<!tpu.dma_semaphore, #tpu.memory_space<semaphore_mem>>)
        %dma_wait3A_1044 = arith.constant 0 : i32
        %dma_wait3A_1045 = tpu.memref_slice %arg2[%add3A_535, %dma_wait3A_1044] : memref<4096x200xi32, #tpu.memory_space<hbm>> -> memref<4x200xi32, #tpu.memory_space<hbm>>
        %dma_wait3A_1046 = arith.constant 0 : i32
        %dma_wait3A_1047 = tpu.memref_slice %arg2[%add3A_535, %dma_wait3A_1046] : memref<4096x200xi32, #tpu.memory_space<hbm>> -> memref<4x200xi32, #tpu.memory_space<hbm>>
        tpu.wait_dma2 semaphore(%run_scoped3A : memref<!tpu.dma_semaphore, #tpu.memory_space<semaphore_mem>>) src(%dma_wait3A_1047 : memref<4x200xi32, #tpu.memory_space<hbm>>) dst(%arg5 : memref<4x200xi32, #tpu.memory_space<vmem>>)
        tpu.yield
      }) : () -> ()
      %dma_start3A_541 = arith.constant 0 : i32
      %dma_start3A_542 = arith.constant 0 : i32
      %dma_start3A_543 = arith.constant 0 : i32
      %dma_start3A_544 = arith.constant 0 : i32
      %dma_start3A_545 = tpu.memref_slice %arg7[%dma_start3A_542, %dma_start3A_543, %dma_start3A_544] : memref<4x200x64xf32, #tpu.memory_space<vmem>> -> memref<1x40x64xf32, #tpu.memory_space<vmem>>
      %dma_start3A_546 = tpu.memref_squeeze %dma_start3A_545 : memref<1x40x64xf32, #tpu.memory_space<vmem>> -> memref<40x64xf32, #tpu.memory_space<vmem>>
      %dma_start3A_547 = arith.constant 0 : i32
      %dma_start3A_548 = tpu.memref_slice %arg5[%dma_start3A_541, %dma_start3A_547] : memref<4x200xi32, #tpu.memory_space<vmem>> -> memref<1x40xi32, #tpu.memory_space<vmem>>
      %dma_start3A_549 = tpu.memref_squeeze %dma_start3A_548 : memref<1x40xi32, #tpu.memory_space<vmem>> -> memref<40xi32, #tpu.memory_space<vmem>>
      %dma_start3A_550 = arith.constant 0 : i32
      %dma_start3A_551 = arith.constant 0 : i32
      %dma_start3A_552 = tpu.memref_slice %arg3[%dma_start3A_550, %dma_start3A_551] : memref<1000000x64xf32, #tpu.memory_space<hbm>> -> memref<1000000x64xf32, #tpu.memory_space<hbm>>
      tpu.enqueue_indirect_dma source(%dma_start3A_552 : memref<1000000x64xf32, #tpu.memory_space<hbm>>) target(%dma_start3A_546 : memref<40x64xf32, #tpu.memory_space<vmem>>) offsets(%dma_start3A_549 : memref<40xi32, #tpu.memory_space<vmem>>) semaphore(%arg8 : memref<!tpu.dma_semaphore, #tpu.memory_space<semaphore_mem>>)
      %dma_start3A_553 = arith.constant 0 : i32
      %dma_start3A_554 = arith.constant 0 : i32
      %dma_start3A_555 = arith.constant 40 : i32
      %dma_start3A_556 = arith.constant 0 : i32
      %dma_start3A_557 = tpu.memref_slice %arg7[%dma_start3A_554, %dma_start3A_555, %dma_start3A_556] : memref<4x200x64xf32, #tpu.memory_space<vmem>> -> memref<1x40x64xf32, #tpu.memory_space<vmem>>
      %dma_start3A_558 = tpu.memref_squeeze %dma_start3A_557 : memref<1x40x64xf32, #tpu.memory_space<vmem>> -> memref<40x64xf32, #tpu.memory_space<vmem>>
      %dma_start3A_559 = arith.constant 40 : i32
      %dma_start3A_560 = tpu.memref_slice %arg5[%dma_start3A_553, %dma_start3A_559] : memref<4x200xi32, #tpu.memory_space<vmem>> -> memref<1x40xi32, #tpu.memory_space<vmem>>
      %dma_start3A_561 = tpu.memref_squeeze %dma_start3A_560 : memref<1x40xi32, #tpu.memory_space<vmem>> -> memref<40xi32, #tpu.memory_space<vmem>>
      %dma_start3A_562 = arith.constant 0 : i32
      %dma_start3A_563 = arith.constant 0 : i32
      %dma_start3A_564 = tpu.memref_slice %arg3[%dma_start3A_562, %dma_start3A_563] : memref<1000000x64xf32, #tpu.memory_space<hbm>> -> memref<1000000x64xf32, #tpu.memory_space<hbm>>
      tpu.enqueue_indirect_dma source(%dma_start3A_564 : memref<1000000x64xf32, #tpu.memory_space<hbm>>) target(%dma_start3A_558 : memref<40x64xf32, #tpu.memory_space<vmem>>) offsets(%dma_start3A_561 : memref<40xi32, #tpu.memory_space<vmem>>) semaphore(%arg8 : memref<!tpu.dma_semaphore, #tpu.memory_space<semaphore_mem>>)
      %dma_start3A_565 = arith.constant 0 : i32
      %dma_start3A_566 = arith.constant 0 : i32
      %dma_start3A_567 = arith.constant 80 : i32
      %dma_start3A_568 = arith.constant 0 : i32
      %dma_start3A_569 = tpu.memref_slice %arg7[%dma_start3A_566, %dma_start3A_567, %dma_start3A_568] : memref<4x200x64xf32, #tpu.memory_space<vmem>> -> memref<1x40x64xf32, #tpu.memory_space<vmem>>
      %dma_start3A_570 = tpu.memref_squeeze %dma_start3A_569 : memref<1x40x64xf32, #tpu.memory_space<vmem>> -> memref<40x64xf32, #tpu.memory_space<vmem>>
      %dma_start3A_571 = arith.constant 80 : i32
      %dma_start3A_572 = tpu.memref_slice %arg5[%dma_start3A_565, %dma_start3A_571] : memref<4x200xi32, #tpu.memory_space<vmem>> -> memref<1x40xi32, #tpu.memory_space<vmem>>
      %dma_start3A_573 = tpu.memref_squeeze %dma_start3A_572 : memref<1x40xi32, #tpu.memory_space<vmem>> -> memref<40xi32, #tpu.memory_space<vmem>>
      %dma_start3A_574 = arith.constant 0 : i32
      %dma_start3A_575 = arith.constant 0 : i32
      %dma_start3A_576 = tpu.memref_slice %arg3[%dma_start3A_574, %dma_start3A_575] : memref<1000000x64xf32, #tpu.memory_space<hbm>> -> memref<1000000x64xf32, #tpu.memory_space<hbm>>
      tpu.enqueue_indirect_dma source(%dma_start3A_576 : memref<1000000x64xf32, #tpu.memory_space<hbm>>) target(%dma_start3A_570 : memref<40x64xf32, #tpu.memory_space<vmem>>) offsets(%dma_start3A_573 : memref<40xi32, #tpu.memory_space<vmem>>) semaphore(%arg8 : memref<!tpu.dma_semaphore, #tpu.memory_space<semaphore_mem>>)
      %dma_start3A_577 = arith.constant 0 : i32
      %dma_start3A_578 = arith.constant 0 : i32
      %dma_start3A_579 = arith.constant 120 : i32
      %dma_start3A_580 = arith.constant 0 : i32
      %dma_start3A_581 = tpu.memref_slice %arg7[%dma_start3A_578, %dma_start3A_579, %dma_start3A_580] : memref<4x200x64xf32, #tpu.memory_space<vmem>> -> memref<1x40x64xf32, #tpu.memory_space<vmem>>
      %dma_start3A_582 = tpu.memref_squeeze %dma_start3A_581 : memref<1x40x64xf32, #tpu.memory_space<vmem>> -> memref<40x64xf32, #tpu.memory_space<vmem>>
      %dma_start3A_583 = arith.constant 120 : i32
      %dma_start3A_584 = tpu.memref_slice %arg5[%dma_start3A_577, %dma_start3A_583] : memref<4x200xi32, #tpu.memory_space<vmem>> -> memref<1x40xi32, #tpu.memory_space<vmem>>
      %dma_start3A_585 = tpu.memref_squeeze %dma_start3A_584 : memref<1x40xi32, #tpu.memory_space<vmem>> -> memref<40xi32, #tpu.memory_space<vmem>>
      %dma_start3A_586 = arith.constant 0 : i32
      %dma_start3A_587 = arith.constant 0 : i32
      %dma_start3A_588 = tpu.memref_slice %arg3[%dma_start3A_586, %dma_start3A_587] : memref<1000000x64xf32, #tpu.memory_space<hbm>> -> memref<1000000x64xf32, #tpu.memory_space<hbm>>
      tpu.enqueue_indirect_dma source(%dma_start3A_588 : memref<1000000x64xf32, #tpu.memory_space<hbm>>) target(%dma_start3A_582 : memref<40x64xf32, #tpu.memory_space<vmem>>) offsets(%dma_start3A_585 : memref<40xi32, #tpu.memory_space<vmem>>) semaphore(%arg8 : memref<!tpu.dma_semaphore, #tpu.memory_space<semaphore_mem>>)
      %dma_start3A_589 = arith.constant 0 : i32
      %dma_start3A_590 = arith.constant 0 : i32
      %dma_start3A_591 = arith.constant 160 : i32
      %dma_start3A_592 = arith.constant 0 : i32
      %dma_start3A_593 = tpu.memref_slice %arg7[%dma_start3A_590, %dma_start3A_591, %dma_start3A_592] : memref<4x200x64xf32, #tpu.memory_space<vmem>> -> memref<1x40x64xf32, #tpu.memory_space<vmem>>
      %dma_start3A_594 = tpu.memref_squeeze %dma_start3A_593 : memref<1x40x64xf32, #tpu.memory_space<vmem>> -> memref<40x64xf32, #tpu.memory_space<vmem>>
      %dma_start3A_595 = arith.constant 160 : i32
      %dma_start3A_596 = tpu.memref_slice %arg5[%dma_start3A_589, %dma_start3A_595] : memref<4x200xi32, #tpu.memory_space<vmem>> -> memref<1x40xi32, #tpu.memory_space<vmem>>
      %dma_start3A_597 = tpu.memref_squeeze %dma_start3A_596 : memref<1x40xi32, #tpu.memory_space<vmem>> -> memref<40xi32, #tpu.memory_space<vmem>>
      %dma_start3A_598 = arith.constant 0 : i32
      %dma_start3A_599 = arith.constant 0 : i32
      %dma_start3A_600 = tpu.memref_slice %arg3[%dma_start3A_598, %dma_start3A_599] : memref<1000000x64xf32, #tpu.memory_space<hbm>> -> memref<1000000x64xf32, #tpu.memory_space<hbm>>
      tpu.enqueue_indirect_dma source(%dma_start3A_600 : memref<1000000x64xf32, #tpu.memory_space<hbm>>) target(%dma_start3A_594 : memref<40x64xf32, #tpu.memory_space<vmem>>) offsets(%dma_start3A_597 : memref<40xi32, #tpu.memory_space<vmem>>) semaphore(%arg8 : memref<!tpu.dma_semaphore, #tpu.memory_space<semaphore_mem>>)
      %dma_start3A_601 = arith.constant 1 : i32
      %dma_start3A_602 = arith.constant 1 : i32
      %dma_start3A_603 = arith.constant 0 : i32
      %dma_start3A_604 = arith.constant 0 : i32
      %dma_start3A_605 = tpu.memref_slice %arg7[%dma_start3A_602, %dma_start3A_603, %dma_start3A_604] : memref<4x200x64xf32, #tpu.memory_space<vmem>> -> memref<1x40x64xf32, #tpu.memory_space<vmem>>
      %dma_start3A_606 = tpu.memref_squeeze %dma_start3A_605 : memref<1x40x64xf32, #tpu.memory_space<vmem>> -> memref<40x64xf32, #tpu.memory_space<vmem>>
      %dma_start3A_607 = arith.constant 0 : i32
      %dma_start3A_608 = tpu.memref_slice %arg5[%dma_start3A_601, %dma_start3A_607] : memref<4x200xi32, #tpu.memory_space<vmem>> -> memref<1x40xi32, #tpu.memory_space<vmem>>
      %dma_start3A_609 = tpu.memref_squeeze %dma_start3A_608 : memref<1x40xi32, #tpu.memory_space<vmem>> -> memref<40xi32, #tpu.memory_space<vmem>>
      %dma_start3A_610 = arith.constant 0 : i32
      %dma_start3A_611 = arith.constant 0 : i32
      %dma_start3A_612 = tpu.memref_slice %arg3[%dma_start3A_610, %dma_start3A_611] : memref<1000000x64xf32, #tpu.memory_space<hbm>> -> memref<1000000x64xf32, #tpu.memory_space<hbm>>
      tpu.enqueue_indirect_dma source(%dma_start3A_612 : memref<1000000x64xf32, #tpu.memory_space<hbm>>) target(%dma_start3A_606 : memref<40x64xf32, #tpu.memory_space<vmem>>) offsets(%dma_start3A_609 : memref<40xi32, #tpu.memory_space<vmem>>) semaphore(%arg8 : memref<!tpu.dma_semaphore, #tpu.memory_space<semaphore_mem>>)
      %dma_start3A_613 = arith.constant 1 : i32
      %dma_start3A_614 = arith.constant 1 : i32
      %dma_start3A_615 = arith.constant 40 : i32
      %dma_start3A_616 = arith.constant 0 : i32
      %dma_start3A_617 = tpu.memref_slice %arg7[%dma_start3A_614, %dma_start3A_615, %dma_start3A_616] : memref<4x200x64xf32, #tpu.memory_space<vmem>> -> memref<1x40x64xf32, #tpu.memory_space<vmem>>
      %dma_start3A_618 = tpu.memref_squeeze %dma_start3A_617 : memref<1x40x64xf32, #tpu.memory_space<vmem>> -> memref<40x64xf32, #tpu.memory_space<vmem>>
      %dma_start3A_619 = arith.constant 40 : i32
      %dma_start3A_620 = tpu.memref_slice %arg5[%dma_start3A_613, %dma_start3A_619] : memref<4x200xi32, #tpu.memory_space<vmem>> -> memref<1x40xi32, #tpu.memory_space<vmem>>
      %dma_start3A_621 = tpu.memref_squeeze %dma_start3A_620 : memref<1x40xi32, #tpu.memory_space<vmem>> -> memref<40xi32, #tpu.memory_space<vmem>>
      %dma_start3A_622 = arith.constant 0 : i32
      %dma_start3A_623 = arith.constant 0 : i32
      %dma_start3A_624 = tpu.memref_slice %arg3[%dma_start3A_622, %dma_start3A_623] : memref<1000000x64xf32, #tpu.memory_space<hbm>> -> memref<1000000x64xf32, #tpu.memory_space<hbm>>
      tpu.enqueue_indirect_dma source(%dma_start3A_624 : memref<1000000x64xf32, #tpu.memory_space<hbm>>) target(%dma_start3A_618 : memref<40x64xf32, #tpu.memory_space<vmem>>) offsets(%dma_start3A_621 : memref<40xi32, #tpu.memory_space<vmem>>) semaphore(%arg8 : memref<!tpu.dma_semaphore, #tpu.memory_space<semaphore_mem>>)
      %dma_start3A_625 = arith.constant 1 : i32
      %dma_start3A_626 = arith.constant 1 : i32
      %dma_start3A_627 = arith.constant 80 : i32
      %dma_start3A_628 = arith.constant 0 : i32
      %dma_start3A_629 = tpu.memref_slice %arg7[%dma_start3A_626, %dma_start3A_627, %dma_start3A_628] : memref<4x200x64xf32, #tpu.memory_space<vmem>> -> memref<1x40x64xf32, #tpu.memory_space<vmem>>
      %dma_start3A_630 = tpu.memref_squeeze %dma_start3A_629 : memref<1x40x64xf32, #tpu.memory_space<vmem>> -> memref<40x64xf32, #tpu.memory_space<vmem>>
      %dma_start3A_631 = arith.constant 80 : i32
      %dma_start3A_632 = tpu.memref_slice %arg5[%dma_start3A_625, %dma_start3A_631] : memref<4x200xi32, #tpu.memory_space<vmem>> -> memref<1x40xi32, #tpu.memory_space<vmem>>
      %dma_start3A_633 = tpu.memref_squeeze %dma_start3A_632 : memref<1x40xi32, #tpu.memory_space<vmem>> -> memref<40xi32, #tpu.memory_space<vmem>>
      %dma_start3A_634 = arith.constant 0 : i32
      %dma_start3A_635 = arith.constant 0 : i32
      %dma_start3A_636 = tpu.memref_slice %arg3[%dma_start3A_634, %dma_start3A_635] : memref<1000000x64xf32, #tpu.memory_space<hbm>> -> memref<1000000x64xf32, #tpu.memory_space<hbm>>
      tpu.enqueue_indirect_dma source(%dma_start3A_636 : memref<1000000x64xf32, #tpu.memory_space<hbm>>) target(%dma_start3A_630 : memref<40x64xf32, #tpu.memory_space<vmem>>) offsets(%dma_start3A_633 : memref<40xi32, #tpu.memory_space<vmem>>) semaphore(%arg8 : memref<!tpu.dma_semaphore, #tpu.memory_space<semaphore_mem>>)
      %dma_start3A_637 = arith.constant 1 : i32
      %dma_start3A_638 = arith.constant 1 : i32
      %dma_start3A_639 = arith.constant 120 : i32
      %dma_start3A_640 = arith.constant 0 : i32
      %dma_start3A_641 = tpu.memref_slice %arg7[%dma_start3A_638, %dma_start3A_639, %dma_start3A_640] : memref<4x200x64xf32, #tpu.memory_space<vmem>> -> memref<1x40x64xf32, #tpu.memory_space<vmem>>
      %dma_start3A_642 = tpu.memref_squeeze %dma_start3A_641 : memref<1x40x64xf32, #tpu.memory_space<vmem>> -> memref<40x64xf32, #tpu.memory_space<vmem>>
      %dma_start3A_643 = arith.constant 120 : i32
      %dma_start3A_644 = tpu.memref_slice %arg5[%dma_start3A_637, %dma_start3A_643] : memref<4x200xi32, #tpu.memory_space<vmem>> -> memref<1x40xi32, #tpu.memory_space<vmem>>
      %dma_start3A_645 = tpu.memref_squeeze %dma_start3A_644 : memref<1x40xi32, #tpu.memory_space<vmem>> -> memref<40xi32, #tpu.memory_space<vmem>>
      %dma_start3A_646 = arith.constant 0 : i32
      %dma_start3A_647 = arith.constant 0 : i32
      %dma_start3A_648 = tpu.memref_slice %arg3[%dma_start3A_646, %dma_start3A_647] : memref<1000000x64xf32, #tpu.memory_space<hbm>> -> memref<1000000x64xf32, #tpu.memory_space<hbm>>
      tpu.enqueue_indirect_dma source(%dma_start3A_648 : memref<1000000x64xf32, #tpu.memory_space<hbm>>) target(%dma_start3A_642 : memref<40x64xf32, #tpu.memory_space<vmem>>) offsets(%dma_start3A_645 : memref<40xi32, #tpu.memory_space<vmem>>) semaphore(%arg8 : memref<!tpu.dma_semaphore, #tpu.memory_space<semaphore_mem>>)
      %dma_start3A_649 = arith.constant 1 : i32
      %dma_start3A_650 = arith.constant 1 : i32
      %dma_start3A_651 = arith.constant 160 : i32
      %dma_start3A_652 = arith.constant 0 : i32
      %dma_start3A_653 = tpu.memref_slice %arg7[%dma_start3A_650, %dma_start3A_651, %dma_start3A_652] : memref<4x200x64xf32, #tpu.memory_space<vmem>> -> memref<1x40x64xf32, #tpu.memory_space<vmem>>
      %dma_start3A_654 = tpu.memref_squeeze %dma_start3A_653 : memref<1x40x64xf32, #tpu.memory_space<vmem>> -> memref<40x64xf32, #tpu.memory_space<vmem>>
      %dma_start3A_655 = arith.constant 160 : i32
      %dma_start3A_656 = tpu.memref_slice %arg5[%dma_start3A_649, %dma_start3A_655] : memref<4x200xi32, #tpu.memory_space<vmem>> -> memref<1x40xi32, #tpu.memory_space<vmem>>
      %dma_start3A_657 = tpu.memref_squeeze %dma_start3A_656 : memref<1x40xi32, #tpu.memory_space<vmem>> -> memref<40xi32, #tpu.memory_space<vmem>>
      %dma_start3A_658 = arith.constant 0 : i32
      %dma_start3A_659 = arith.constant 0 : i32
      %dma_start3A_660 = tpu.memref_slice %arg3[%dma_start3A_658, %dma_start3A_659] : memref<1000000x64xf32, #tpu.memory_space<hbm>> -> memref<1000000x64xf32, #tpu.memory_space<hbm>>
      tpu.enqueue_indirect_dma source(%dma_start3A_660 : memref<1000000x64xf32, #tpu.memory_space<hbm>>) target(%dma_start3A_654 : memref<40x64xf32, #tpu.memory_space<vmem>>) offsets(%dma_start3A_657 : memref<40xi32, #tpu.memory_space<vmem>>) semaphore(%arg8 : memref<!tpu.dma_semaphore, #tpu.memory_space<semaphore_mem>>)
      %dma_start3A_661 = arith.constant 2 : i32
      %dma_start3A_662 = arith.constant 2 : i32
      %dma_start3A_663 = arith.constant 0 : i32
      %dma_start3A_664 = arith.constant 0 : i32
      %dma_start3A_665 = tpu.memref_slice %arg7[%dma_start3A_662, %dma_start3A_663, %dma_start3A_664] : memref<4x200x64xf32, #tpu.memory_space<vmem>> -> memref<1x40x64xf32, #tpu.memory_space<vmem>>
      %dma_start3A_666 = tpu.memref_squeeze %dma_start3A_665 : memref<1x40x64xf32, #tpu.memory_space<vmem>> -> memref<40x64xf32, #tpu.memory_space<vmem>>
      %dma_start3A_667 = arith.constant 0 : i32
      %dma_start3A_668 = tpu.memref_slice %arg5[%dma_start3A_661, %dma_start3A_667] : memref<4x200xi32, #tpu.memory_space<vmem>> -> memref<1x40xi32, #tpu.memory_space<vmem>>
      %dma_start3A_669 = tpu.memref_squeeze %dma_start3A_668 : memref<1x40xi32, #tpu.memory_space<vmem>> -> memref<40xi32, #tpu.memory_space<vmem>>
      %dma_start3A_670 = arith.constant 0 : i32
      %dma_start3A_671 = arith.constant 0 : i32
      %dma_start3A_672 = tpu.memref_slice %arg3[%dma_start3A_670, %dma_start3A_671] : memref<1000000x64xf32, #tpu.memory_space<hbm>> -> memref<1000000x64xf32, #tpu.memory_space<hbm>>
      tpu.enqueue_indirect_dma source(%dma_start3A_672 : memref<1000000x64xf32, #tpu.memory_space<hbm>>) target(%dma_start3A_666 : memref<40x64xf32, #tpu.memory_space<vmem>>) offsets(%dma_start3A_669 : memref<40xi32, #tpu.memory_space<vmem>>) semaphore(%arg8 : memref<!tpu.dma_semaphore, #tpu.memory_space<semaphore_mem>>)
      %dma_start3A_673 = arith.constant 2 : i32
      %dma_start3A_674 = arith.constant 2 : i32
      %dma_start3A_675 = arith.constant 40 : i32
      %dma_start3A_676 = arith.constant 0 : i32
      %dma_start3A_677 = tpu.memref_slice %arg7[%dma_start3A_674, %dma_start3A_675, %dma_start3A_676] : memref<4x200x64xf32, #tpu.memory_space<vmem>> -> memref<1x40x64xf32, #tpu.memory_space<vmem>>
      %dma_start3A_678 = tpu.memref_squeeze %dma_start3A_677 : memref<1x40x64xf32, #tpu.memory_space<vmem>> -> memref<40x64xf32, #tpu.memory_space<vmem>>
      %dma_start3A_679 = arith.constant 40 : i32
      %dma_start3A_680 = tpu.memref_slice %arg5[%dma_start3A_673, %dma_start3A_679] : memref<4x200xi32, #tpu.memory_space<vmem>> -> memref<1x40xi32, #tpu.memory_space<vmem>>
      %dma_start3A_681 = tpu.memref_squeeze %dma_start3A_680 : memref<1x40xi32, #tpu.memory_space<vmem>> -> memref<40xi32, #tpu.memory_space<vmem>>
      %dma_start3A_682 = arith.constant 0 : i32
      %dma_start3A_683 = arith.constant 0 : i32
      %dma_start3A_684 = tpu.memref_slice %arg3[%dma_start3A_682, %dma_start3A_683] : memref<1000000x64xf32, #tpu.memory_space<hbm>> -> memref<1000000x64xf32, #tpu.memory_space<hbm>>
      tpu.enqueue_indirect_dma source(%dma_start3A_684 : memref<1000000x64xf32, #tpu.memory_space<hbm>>) target(%dma_start3A_678 : memref<40x64xf32, #tpu.memory_space<vmem>>) offsets(%dma_start3A_681 : memref<40xi32, #tpu.memory_space<vmem>>) semaphore(%arg8 : memref<!tpu.dma_semaphore, #tpu.memory_space<semaphore_mem>>)
      %dma_start3A_685 = arith.constant 2 : i32
      %dma_start3A_686 = arith.constant 2 : i32
      %dma_start3A_687 = arith.constant 80 : i32
      %dma_start3A_688 = arith.constant 0 : i32
      %dma_start3A_689 = tpu.memref_slice %arg7[%dma_start3A_686, %dma_start3A_687, %dma_start3A_688] : memref<4x200x64xf32, #tpu.memory_space<vmem>> -> memref<1x40x64xf32, #tpu.memory_space<vmem>>
      %dma_start3A_690 = tpu.memref_squeeze %dma_start3A_689 : memref<1x40x64xf32, #tpu.memory_space<vmem>> -> memref<40x64xf32, #tpu.memory_space<vmem>>
      %dma_start3A_691 = arith.constant 80 : i32
      %dma_start3A_692 = tpu.memref_slice %arg5[%dma_start3A_685, %dma_start3A_691] : memref<4x200xi32, #tpu.memory_space<vmem>> -> memref<1x40xi32, #tpu.memory_space<vmem>>
      %dma_start3A_693 = tpu.memref_squeeze %dma_start3A_692 : memref<1x40xi32, #tpu.memory_space<vmem>> -> memref<40xi32, #tpu.memory_space<vmem>>
      %dma_start3A_694 = arith.constant 0 : i32
      %dma_start3A_695 = arith.constant 0 : i32
      %dma_start3A_696 = tpu.memref_slice %arg3[%dma_start3A_694, %dma_start3A_695] : memref<1000000x64xf32, #tpu.memory_space<hbm>> -> memref<1000000x64xf32, #tpu.memory_space<hbm>>
      tpu.enqueue_indirect_dma source(%dma_start3A_696 : memref<1000000x64xf32, #tpu.memory_space<hbm>>) target(%dma_start3A_690 : memref<40x64xf32, #tpu.memory_space<vmem>>) offsets(%dma_start3A_693 : memref<40xi32, #tpu.memory_space<vmem>>) semaphore(%arg8 : memref<!tpu.dma_semaphore, #tpu.memory_space<semaphore_mem>>)
      %dma_start3A_697 = arith.constant 2 : i32
      %dma_start3A_698 = arith.constant 2 : i32
      %dma_start3A_699 = arith.constant 120 : i32
      %dma_start3A_700 = arith.constant 0 : i32
      %dma_start3A_701 = tpu.memref_slice %arg7[%dma_start3A_698, %dma_start3A_699, %dma_start3A_700] : memref<4x200x64xf32, #tpu.memory_space<vmem>> -> memref<1x40x64xf32, #tpu.memory_space<vmem>>
      %dma_start3A_702 = tpu.memref_squeeze %dma_start3A_701 : memref<1x40x64xf32, #tpu.memory_space<vmem>> -> memref<40x64xf32, #tpu.memory_space<vmem>>
      %dma_start3A_703 = arith.constant 120 : i32
      %dma_start3A_704 = tpu.memref_slice %arg5[%dma_start3A_697, %dma_start3A_703] : memref<4x200xi32, #tpu.memory_space<vmem>> -> memref<1x40xi32, #tpu.memory_space<vmem>>
      %dma_start3A_705 = tpu.memref_squeeze %dma_start3A_704 : memref<1x40xi32, #tpu.memory_space<vmem>> -> memref<40xi32, #tpu.memory_space<vmem>>
      %dma_start3A_706 = arith.constant 0 : i32
      %dma_start3A_707 = arith.constant 0 : i32
      %dma_start3A_708 = tpu.memref_slice %arg3[%dma_start3A_706, %dma_start3A_707] : memref<1000000x64xf32, #tpu.memory_space<hbm>> -> memref<1000000x64xf32, #tpu.memory_space<hbm>>
      tpu.enqueue_indirect_dma source(%dma_start3A_708 : memref<1000000x64xf32, #tpu.memory_space<hbm>>) target(%dma_start3A_702 : memref<40x64xf32, #tpu.memory_space<vmem>>) offsets(%dma_start3A_705 : memref<40xi32, #tpu.memory_space<vmem>>) semaphore(%arg8 : memref<!tpu.dma_semaphore, #tpu.memory_space<semaphore_mem>>)
      %dma_start3A_709 = arith.constant 2 : i32
      %dma_start3A_710 = arith.constant 2 : i32
      %dma_start3A_711 = arith.constant 160 : i32
      %dma_start3A_712 = arith.constant 0 : i32
      %dma_start3A_713 = tpu.memref_slice %arg7[%dma_start3A_710, %dma_start3A_711, %dma_start3A_712] : memref<4x200x64xf32, #tpu.memory_space<vmem>> -> memref<1x40x64xf32, #tpu.memory_space<vmem>>
      %dma_start3A_714 = tpu.memref_squeeze %dma_start3A_713 : memref<1x40x64xf32, #tpu.memory_space<vmem>> -> memref<40x64xf32, #tpu.memory_space<vmem>>
      %dma_start3A_715 = arith.constant 160 : i32
      %dma_start3A_716 = tpu.memref_slice %arg5[%dma_start3A_709, %dma_start3A_715] : memref<4x200xi32, #tpu.memory_space<vmem>> -> memref<1x40xi32, #tpu.memory_space<vmem>>
      %dma_start3A_717 = tpu.memref_squeeze %dma_start3A_716 : memref<1x40xi32, #tpu.memory_space<vmem>> -> memref<40xi32, #tpu.memory_space<vmem>>
      %dma_start3A_718 = arith.constant 0 : i32
      %dma_start3A_719 = arith.constant 0 : i32
      %dma_start3A_720 = tpu.memref_slice %arg3[%dma_start3A_718, %dma_start3A_719] : memref<1000000x64xf32, #tpu.memory_space<hbm>> -> memref<1000000x64xf32, #tpu.memory_space<hbm>>
      tpu.enqueue_indirect_dma source(%dma_start3A_720 : memref<1000000x64xf32, #tpu.memory_space<hbm>>) target(%dma_start3A_714 : memref<40x64xf32, #tpu.memory_space<vmem>>) offsets(%dma_start3A_717 : memref<40xi32, #tpu.memory_space<vmem>>) semaphore(%arg8 : memref<!tpu.dma_semaphore, #tpu.memory_space<semaphore_mem>>)
      %dma_start3A_721 = arith.constant 3 : i32
      %dma_start3A_722 = arith.constant 3 : i32
      %dma_start3A_723 = arith.constant 0 : i32
      %dma_start3A_724 = arith.constant 0 : i32
      %dma_start3A_725 = tpu.memref_slice %arg7[%dma_start3A_722, %dma_start3A_723, %dma_start3A_724] : memref<4x200x64xf32, #tpu.memory_space<vmem>> -> memref<1x40x64xf32, #tpu.memory_space<vmem>>
      %dma_start3A_726 = tpu.memref_squeeze %dma_start3A_725 : memref<1x40x64xf32, #tpu.memory_space<vmem>> -> memref<40x64xf32, #tpu.memory_space<vmem>>
      %dma_start3A_727 = arith.constant 0 : i32
      %dma_start3A_728 = tpu.memref_slice %arg5[%dma_start3A_721, %dma_start3A_727] : memref<4x200xi32, #tpu.memory_space<vmem>> -> memref<1x40xi32, #tpu.memory_space<vmem>>
      %dma_start3A_729 = tpu.memref_squeeze %dma_start3A_728 : memref<1x40xi32, #tpu.memory_space<vmem>> -> memref<40xi32, #tpu.memory_space<vmem>>
      %dma_start3A_730 = arith.constant 0 : i32
      %dma_start3A_731 = arith.constant 0 : i32
      %dma_start3A_732 = tpu.memref_slice %arg3[%dma_start3A_730, %dma_start3A_731] : memref<1000000x64xf32, #tpu.memory_space<hbm>> -> memref<1000000x64xf32, #tpu.memory_space<hbm>>
      tpu.enqueue_indirect_dma source(%dma_start3A_732 : memref<1000000x64xf32, #tpu.memory_space<hbm>>) target(%dma_start3A_726 : memref<40x64xf32, #tpu.memory_space<vmem>>) offsets(%dma_start3A_729 : memref<40xi32, #tpu.memory_space<vmem>>) semaphore(%arg8 : memref<!tpu.dma_semaphore, #tpu.memory_space<semaphore_mem>>)
      %dma_start3A_733 = arith.constant 3 : i32
      %dma_start3A_734 = arith.constant 3 : i32
      %dma_start3A_735 = arith.constant 40 : i32
      %dma_start3A_736 = arith.constant 0 : i32
      %dma_start3A_737 = tpu.memref_slice %arg7[%dma_start3A_734, %dma_start3A_735, %dma_start3A_736] : memref<4x200x64xf32, #tpu.memory_space<vmem>> -> memref<1x40x64xf32, #tpu.memory_space<vmem>>
      %dma_start3A_738 = tpu.memref_squeeze %dma_start3A_737 : memref<1x40x64xf32, #tpu.memory_space<vmem>> -> memref<40x64xf32, #tpu.memory_space<vmem>>
      %dma_start3A_739 = arith.constant 40 : i32
      %dma_start3A_740 = tpu.memref_slice %arg5[%dma_start3A_733, %dma_start3A_739] : memref<4x200xi32, #tpu.memory_space<vmem>> -> memref<1x40xi32, #tpu.memory_space<vmem>>
      %dma_start3A_741 = tpu.memref_squeeze %dma_start3A_740 : memref<1x40xi32, #tpu.memory_space<vmem>> -> memref<40xi32, #tpu.memory_space<vmem>>
      %dma_start3A_742 = arith.constant 0 : i32
      %dma_start3A_743 = arith.constant 0 : i32
      %dma_start3A_744 = tpu.memref_slice %arg3[%dma_start3A_742, %dma_start3A_743] : memref<1000000x64xf32, #tpu.memory_space<hbm>> -> memref<1000000x64xf32, #tpu.memory_space<hbm>>
      tpu.enqueue_indirect_dma source(%dma_start3A_744 : memref<1000000x64xf32, #tpu.memory_space<hbm>>) target(%dma_start3A_738 : memref<40x64xf32, #tpu.memory_space<vmem>>) offsets(%dma_start3A_741 : memref<40xi32, #tpu.memory_space<vmem>>) semaphore(%arg8 : memref<!tpu.dma_semaphore, #tpu.memory_space<semaphore_mem>>)
      %dma_start3A_745 = arith.constant 3 : i32
      %dma_start3A_746 = arith.constant 3 : i32
      %dma_start3A_747 = arith.constant 80 : i32
      %dma_start3A_748 = arith.constant 0 : i32
      %dma_start3A_749 = tpu.memref_slice %arg7[%dma_start3A_746, %dma_start3A_747, %dma_start3A_748] : memref<4x200x64xf32, #tpu.memory_space<vmem>> -> memref<1x40x64xf32, #tpu.memory_space<vmem>>
      %dma_start3A_750 = tpu.memref_squeeze %dma_start3A_749 : memref<1x40x64xf32, #tpu.memory_space<vmem>> -> memref<40x64xf32, #tpu.memory_space<vmem>>
      %dma_start3A_751 = arith.constant 80 : i32
      %dma_start3A_752 = tpu.memref_slice %arg5[%dma_start3A_745, %dma_start3A_751] : memref<4x200xi32, #tpu.memory_space<vmem>> -> memref<1x40xi32, #tpu.memory_space<vmem>>
      %dma_start3A_753 = tpu.memref_squeeze %dma_start3A_752 : memref<1x40xi32, #tpu.memory_space<vmem>> -> memref<40xi32, #tpu.memory_space<vmem>>
      %dma_start3A_754 = arith.constant 0 : i32
      %dma_start3A_755 = arith.constant 0 : i32
      %dma_start3A_756 = tpu.memref_slice %arg3[%dma_start3A_754, %dma_start3A_755] : memref<1000000x64xf32, #tpu.memory_space<hbm>> -> memref<1000000x64xf32, #tpu.memory_space<hbm>>
      tpu.enqueue_indirect_dma source(%dma_start3A_756 : memref<1000000x64xf32, #tpu.memory_space<hbm>>) target(%dma_start3A_750 : memref<40x64xf32, #tpu.memory_space<vmem>>) offsets(%dma_start3A_753 : memref<40xi32, #tpu.memory_space<vmem>>) semaphore(%arg8 : memref<!tpu.dma_semaphore, #tpu.memory_space<semaphore_mem>>)
      %dma_start3A_757 = arith.constant 3 : i32
      %dma_start3A_758 = arith.constant 3 : i32
      %dma_start3A_759 = arith.constant 120 : i32
      %dma_start3A_760 = arith.constant 0 : i32
      %dma_start3A_761 = tpu.memref_slice %arg7[%dma_start3A_758, %dma_start3A_759, %dma_start3A_760] : memref<4x200x64xf32, #tpu.memory_space<vmem>> -> memref<1x40x64xf32, #tpu.memory_space<vmem>>
      %dma_start3A_762 = tpu.memref_squeeze %dma_start3A_761 : memref<1x40x64xf32, #tpu.memory_space<vmem>> -> memref<40x64xf32, #tpu.memory_space<vmem>>
      %dma_start3A_763 = arith.constant 120 : i32
      %dma_start3A_764 = tpu.memref_slice %arg5[%dma_start3A_757, %dma_start3A_763] : memref<4x200xi32, #tpu.memory_space<vmem>> -> memref<1x40xi32, #tpu.memory_space<vmem>>
      %dma_start3A_765 = tpu.memref_squeeze %dma_start3A_764 : memref<1x40xi32, #tpu.memory_space<vmem>> -> memref<40xi32, #tpu.memory_space<vmem>>
      %dma_start3A_766 = arith.constant 0 : i32
      %dma_start3A_767 = arith.constant 0 : i32
      %dma_start3A_768 = tpu.memref_slice %arg3[%dma_start3A_766, %dma_start3A_767] : memref<1000000x64xf32, #tpu.memory_space<hbm>> -> memref<1000000x64xf32, #tpu.memory_space<hbm>>
      tpu.enqueue_indirect_dma source(%dma_start3A_768 : memref<1000000x64xf32, #tpu.memory_space<hbm>>) target(%dma_start3A_762 : memref<40x64xf32, #tpu.memory_space<vmem>>) offsets(%dma_start3A_765 : memref<40xi32, #tpu.memory_space<vmem>>) semaphore(%arg8 : memref<!tpu.dma_semaphore, #tpu.memory_space<semaphore_mem>>)
      %dma_start3A_769 = arith.constant 3 : i32
      %dma_start3A_770 = arith.constant 3 : i32
      %dma_start3A_771 = arith.constant 160 : i32
      %dma_start3A_772 = arith.constant 0 : i32
      %dma_start3A_773 = tpu.memref_slice %arg7[%dma_start3A_770, %dma_start3A_771, %dma_start3A_772] : memref<4x200x64xf32, #tpu.memory_space<vmem>> -> memref<1x40x64xf32, #tpu.memory_space<vmem>>
      %dma_start3A_774 = tpu.memref_squeeze %dma_start3A_773 : memref<1x40x64xf32, #tpu.memory_space<vmem>> -> memref<40x64xf32, #tpu.memory_space<vmem>>
      %dma_start3A_775 = arith.constant 160 : i32
      %dma_start3A_776 = tpu.memref_slice %arg5[%dma_start3A_769, %dma_start3A_775] : memref<4x200xi32, #tpu.memory_space<vmem>> -> memref<1x40xi32, #tpu.memory_space<vmem>>
      %dma_start3A_777 = tpu.memref_squeeze %dma_start3A_776 : memref<1x40xi32, #tpu.memory_space<vmem>> -> memref<40xi32, #tpu.memory_space<vmem>>
      %dma_start3A_778 = arith.constant 0 : i32
      %dma_start3A_779 = arith.constant 0 : i32
      %dma_start3A_780 = tpu.memref_slice %arg3[%dma_start3A_778, %dma_start3A_779] : memref<1000000x64xf32, #tpu.memory_space<hbm>> -> memref<1000000x64xf32, #tpu.memory_space<hbm>>
      tpu.enqueue_indirect_dma source(%dma_start3A_780 : memref<1000000x64xf32, #tpu.memory_space<hbm>>) target(%dma_start3A_774 : memref<40x64xf32, #tpu.memory_space<vmem>>) offsets(%dma_start3A_777 : memref<40xi32, #tpu.memory_space<vmem>>) semaphore(%arg8 : memref<!tpu.dma_semaphore, #tpu.memory_space<semaphore_mem>>)
      %dma_wait3A_781 = arith.constant 0 : i32
      %dma_wait3A_782 = arith.constant 0 : i32
      %dma_wait3A_783 = arith.constant 0 : i32
      %dma_wait3A_784 = arith.constant 0 : i32
      %dma_wait3A_785 = tpu.memref_slice %arg7[%dma_wait3A_782, %dma_wait3A_783, %dma_wait3A_784] : memref<4x200x64xf32, #tpu.memory_space<vmem>> -> memref<1x40x64xf32, #tpu.memory_space<vmem>>
      %dma_wait3A_786 = tpu.memref_squeeze %dma_wait3A_785 : memref<1x40x64xf32, #tpu.memory_space<vmem>> -> memref<40x64xf32, #tpu.memory_space<vmem>>
      %dma_wait3A_787 = arith.constant 0 : i32
      %dma_wait3A_788 = tpu.memref_slice %arg5[%dma_wait3A_781, %dma_wait3A_787] : memref<4x200xi32, #tpu.memory_space<vmem>> -> memref<1x40xi32, #tpu.memory_space<vmem>>
      %dma_wait3A_789 = tpu.memref_squeeze %dma_wait3A_788 : memref<1x40xi32, #tpu.memory_space<vmem>> -> memref<40xi32, #tpu.memory_space<vmem>>
      %dma_wait3A_790 = arith.constant 0 : i32
      %dma_wait3A_791 = arith.constant 0 : i32
      %dma_wait3A_792 = tpu.memref_slice %arg3[%dma_wait3A_790, %dma_wait3A_791] : memref<1000000x64xf32, #tpu.memory_space<hbm>> -> memref<1000000x64xf32, #tpu.memory_space<hbm>>
      tpu.wait_indirect_dma semaphore(%arg8 : memref<!tpu.dma_semaphore, #tpu.memory_space<semaphore_mem>>) src(%dma_wait3A_792 : memref<1000000x64xf32, #tpu.memory_space<hbm>>) dst(%dma_wait3A_786 : memref<40x64xf32, #tpu.memory_space<vmem>>)
      %dma_wait3A_793 = arith.constant 0 : i32
      %dma_wait3A_794 = arith.constant 0 : i32
      %dma_wait3A_795 = arith.constant 40 : i32
      %dma_wait3A_796 = arith.constant 0 : i32
      %dma_wait3A_797 = tpu.memref_slice %arg7[%dma_wait3A_794, %dma_wait3A_795, %dma_wait3A_796] : memref<4x200x64xf32, #tpu.memory_space<vmem>> -> memref<1x40x64xf32, #tpu.memory_space<vmem>>
      %dma_wait3A_798 = tpu.memref_squeeze %dma_wait3A_797 : memref<1x40x64xf32, #tpu.memory_space<vmem>> -> memref<40x64xf32, #tpu.memory_space<vmem>>
      %dma_wait3A_799 = arith.constant 40 : i32
      %dma_wait3A_800 = tpu.memref_slice %arg5[%dma_wait3A_793, %dma_wait3A_799] : memref<4x200xi32, #tpu.memory_space<vmem>> -> memref<1x40xi32, #tpu.memory_space<vmem>>
      %dma_wait3A_801 = tpu.memref_squeeze %dma_wait3A_800 : memref<1x40xi32, #tpu.memory_space<vmem>> -> memref<40xi32, #tpu.memory_space<vmem>>
      %dma_wait3A_802 = arith.constant 0 : i32
      %dma_wait3A_803 = arith.constant 0 : i32
      %dma_wait3A_804 = tpu.memref_slice %arg3[%dma_wait3A_802, %dma_wait3A_803] : memref<1000000x64xf32, #tpu.memory_space<hbm>> -> memref<1000000x64xf32, #tpu.memory_space<hbm>>
      tpu.wait_indirect_dma semaphore(%arg8 : memref<!tpu.dma_semaphore, #tpu.memory_space<semaphore_mem>>) src(%dma_wait3A_804 : memref<1000000x64xf32, #tpu.memory_space<hbm>>) dst(%dma_wait3A_798 : memref<40x64xf32, #tpu.memory_space<vmem>>)
      %dma_wait3A_805 = arith.constant 0 : i32
      %dma_wait3A_806 = arith.constant 0 : i32
      %dma_wait3A_807 = arith.constant 80 : i32
      %dma_wait3A_808 = arith.constant 0 : i32
      %dma_wait3A_809 = tpu.memref_slice %arg7[%dma_wait3A_806, %dma_wait3A_807, %dma_wait3A_808] : memref<4x200x64xf32, #tpu.memory_space<vmem>> -> memref<1x40x64xf32, #tpu.memory_space<vmem>>
      %dma_wait3A_810 = tpu.memref_squeeze %dma_wait3A_809 : memref<1x40x64xf32, #tpu.memory_space<vmem>> -> memref<40x64xf32, #tpu.memory_space<vmem>>
      %dma_wait3A_811 = arith.constant 80 : i32
      %dma_wait3A_812 = tpu.memref_slice %arg5[%dma_wait3A_805, %dma_wait3A_811] : memref<4x200xi32, #tpu.memory_space<vmem>> -> memref<1x40xi32, #tpu.memory_space<vmem>>
      %dma_wait3A_813 = tpu.memref_squeeze %dma_wait3A_812 : memref<1x40xi32, #tpu.memory_space<vmem>> -> memref<40xi32, #tpu.memory_space<vmem>>
      %dma_wait3A_814 = arith.constant 0 : i32
      %dma_wait3A_815 = arith.constant 0 : i32
      %dma_wait3A_816 = tpu.memref_slice %arg3[%dma_wait3A_814, %dma_wait3A_815] : memref<1000000x64xf32, #tpu.memory_space<hbm>> -> memref<1000000x64xf32, #tpu.memory_space<hbm>>
      tpu.wait_indirect_dma semaphore(%arg8 : memref<!tpu.dma_semaphore, #tpu.memory_space<semaphore_mem>>) src(%dma_wait3A_816 : memref<1000000x64xf32, #tpu.memory_space<hbm>>) dst(%dma_wait3A_810 : memref<40x64xf32, #tpu.memory_space<vmem>>)
      %dma_wait3A_817 = arith.constant 0 : i32
      %dma_wait3A_818 = arith.constant 0 : i32
      %dma_wait3A_819 = arith.constant 120 : i32
      %dma_wait3A_820 = arith.constant 0 : i32
      %dma_wait3A_821 = tpu.memref_slice %arg7[%dma_wait3A_818, %dma_wait3A_819, %dma_wait3A_820] : memref<4x200x64xf32, #tpu.memory_space<vmem>> -> memref<1x40x64xf32, #tpu.memory_space<vmem>>
      %dma_wait3A_822 = tpu.memref_squeeze %dma_wait3A_821 : memref<1x40x64xf32, #tpu.memory_space<vmem>> -> memref<40x64xf32, #tpu.memory_space<vmem>>
      %dma_wait3A_823 = arith.constant 120 : i32
      %dma_wait3A_824 = tpu.memref_slice %arg5[%dma_wait3A_817, %dma_wait3A_823] : memref<4x200xi32, #tpu.memory_space<vmem>> -> memref<1x40xi32, #tpu.memory_space<vmem>>
      %dma_wait3A_825 = tpu.memref_squeeze %dma_wait3A_824 : memref<1x40xi32, #tpu.memory_space<vmem>> -> memref<40xi32, #tpu.memory_space<vmem>>
      %dma_wait3A_826 = arith.constant 0 : i32
      %dma_wait3A_827 = arith.constant 0 : i32
      %dma_wait3A_828 = tpu.memref_slice %arg3[%dma_wait3A_826, %dma_wait3A_827] : memref<1000000x64xf32, #tpu.memory_space<hbm>> -> memref<1000000x64xf32, #tpu.memory_space<hbm>>
      tpu.wait_indirect_dma semaphore(%arg8 : memref<!tpu.dma_semaphore, #tpu.memory_space<semaphore_mem>>) src(%dma_wait3A_828 : memref<1000000x64xf32, #tpu.memory_space<hbm>>) dst(%dma_wait3A_822 : memref<40x64xf32, #tpu.memory_space<vmem>>)
      %dma_wait3A_829 = arith.constant 0 : i32
      %dma_wait3A_830 = arith.constant 0 : i32
      %dma_wait3A_831 = arith.constant 160 : i32
      %dma_wait3A_832 = arith.constant 0 : i32
      %dma_wait3A_833 = tpu.memref_slice %arg7[%dma_wait3A_830, %dma_wait3A_831, %dma_wait3A_832] : memref<4x200x64xf32, #tpu.memory_space<vmem>> -> memref<1x40x64xf32, #tpu.memory_space<vmem>>
      %dma_wait3A_834 = tpu.memref_squeeze %dma_wait3A_833 : memref<1x40x64xf32, #tpu.memory_space<vmem>> -> memref<40x64xf32, #tpu.memory_space<vmem>>
      %dma_wait3A_835 = arith.constant 160 : i32
      %dma_wait3A_836 = tpu.memref_slice %arg5[%dma_wait3A_829, %dma_wait3A_835] : memref<4x200xi32, #tpu.memory_space<vmem>> -> memref<1x40xi32, #tpu.memory_space<vmem>>
      %dma_wait3A_837 = tpu.memref_squeeze %dma_wait3A_836 : memref<1x40xi32, #tpu.memory_space<vmem>> -> memref<40xi32, #tpu.memory_space<vmem>>
      %dma_wait3A_838 = arith.constant 0 : i32
      %dma_wait3A_839 = arith.constant 0 : i32
      %dma_wait3A_840 = tpu.memref_slice %arg3[%dma_wait3A_838, %dma_wait3A_839] : memref<1000000x64xf32, #tpu.memory_space<hbm>> -> memref<1000000x64xf32, #tpu.memory_space<hbm>>
      tpu.wait_indirect_dma semaphore(%arg8 : memref<!tpu.dma_semaphore, #tpu.memory_space<semaphore_mem>>) src(%dma_wait3A_840 : memref<1000000x64xf32, #tpu.memory_space<hbm>>) dst(%dma_wait3A_834 : memref<40x64xf32, #tpu.memory_space<vmem>>)
      %dma_wait3A_841 = arith.constant 1 : i32
      %dma_wait3A_842 = arith.constant 1 : i32
      %dma_wait3A_843 = arith.constant 0 : i32
      %dma_wait3A_844 = arith.constant 0 : i32
      %dma_wait3A_845 = tpu.memref_slice %arg7[%dma_wait3A_842, %dma_wait3A_843, %dma_wait3A_844] : memref<4x200x64xf32, #tpu.memory_space<vmem>> -> memref<1x40x64xf32, #tpu.memory_space<vmem>>
      %dma_wait3A_846 = tpu.memref_squeeze %dma_wait3A_845 : memref<1x40x64xf32, #tpu.memory_space<vmem>> -> memref<40x64xf32, #tpu.memory_space<vmem>>
      %dma_wait3A_847 = arith.constant 0 : i32
      %dma_wait3A_848 = tpu.memref_slice %arg5[%dma_wait3A_841, %dma_wait3A_847] : memref<4x200xi32, #tpu.memory_space<vmem>> -> memref<1x40xi32, #tpu.memory_space<vmem>>
      %dma_wait3A_849 = tpu.memref_squeeze %dma_wait3A_848 : memref<1x40xi32, #tpu.memory_space<vmem>> -> memref<40xi32, #tpu.memory_space<vmem>>
      %dma_wait3A_850 = arith.constant 0 : i32
      %dma_wait3A_851 = arith.constant 0 : i32
      %dma_wait3A_852 = tpu.memref_slice %arg3[%dma_wait3A_850, %dma_wait3A_851] : memref<1000000x64xf32, #tpu.memory_space<hbm>> -> memref<1000000x64xf32, #tpu.memory_space<hbm>>
      tpu.wait_indirect_dma semaphore(%arg8 : memref<!tpu.dma_semaphore, #tpu.memory_space<semaphore_mem>>) src(%dma_wait3A_852 : memref<1000000x64xf32, #tpu.memory_space<hbm>>) dst(%dma_wait3A_846 : memref<40x64xf32, #tpu.memory_space<vmem>>)
      %dma_wait3A_853 = arith.constant 1 : i32
      %dma_wait3A_854 = arith.constant 1 : i32
      %dma_wait3A_855 = arith.constant 40 : i32
      %dma_wait3A_856 = arith.constant 0 : i32
      %dma_wait3A_857 = tpu.memref_slice %arg7[%dma_wait3A_854, %dma_wait3A_855, %dma_wait3A_856] : memref<4x200x64xf32, #tpu.memory_space<vmem>> -> memref<1x40x64xf32, #tpu.memory_space<vmem>>
      %dma_wait3A_858 = tpu.memref_squeeze %dma_wait3A_857 : memref<1x40x64xf32, #tpu.memory_space<vmem>> -> memref<40x64xf32, #tpu.memory_space<vmem>>
      %dma_wait3A_859 = arith.constant 40 : i32
      %dma_wait3A_860 = tpu.memref_slice %arg5[%dma_wait3A_853, %dma_wait3A_859] : memref<4x200xi32, #tpu.memory_space<vmem>> -> memref<1x40xi32, #tpu.memory_space<vmem>>
      %dma_wait3A_861 = tpu.memref_squeeze %dma_wait3A_860 : memref<1x40xi32, #tpu.memory_space<vmem>> -> memref<40xi32, #tpu.memory_space<vmem>>
      %dma_wait3A_862 = arith.constant 0 : i32
      %dma_wait3A_863 = arith.constant 0 : i32
      %dma_wait3A_864 = tpu.memref_slice %arg3[%dma_wait3A_862, %dma_wait3A_863] : memref<1000000x64xf32, #tpu.memory_space<hbm>> -> memref<1000000x64xf32, #tpu.memory_space<hbm>>
      tpu.wait_indirect_dma semaphore(%arg8 : memref<!tpu.dma_semaphore, #tpu.memory_space<semaphore_mem>>) src(%dma_wait3A_864 : memref<1000000x64xf32, #tpu.memory_space<hbm>>) dst(%dma_wait3A_858 : memref<40x64xf32, #tpu.memory_space<vmem>>)
      %dma_wait3A_865 = arith.constant 1 : i32
      %dma_wait3A_866 = arith.constant 1 : i32
      %dma_wait3A_867 = arith.constant 80 : i32
      %dma_wait3A_868 = arith.constant 0 : i32
      %dma_wait3A_869 = tpu.memref_slice %arg7[%dma_wait3A_866, %dma_wait3A_867, %dma_wait3A_868] : memref<4x200x64xf32, #tpu.memory_space<vmem>> -> memref<1x40x64xf32, #tpu.memory_space<vmem>>
      %dma_wait3A_870 = tpu.memref_squeeze %dma_wait3A_869 : memref<1x40x64xf32, #tpu.memory_space<vmem>> -> memref<40x64xf32, #tpu.memory_space<vmem>>
      %dma_wait3A_871 = arith.constant 80 : i32
      %dma_wait3A_872 = tpu.memref_slice %arg5[%dma_wait3A_865, %dma_wait3A_871] : memref<4x200xi32, #tpu.memory_space<vmem>> -> memref<1x40xi32, #tpu.memory_space<vmem>>
      %dma_wait3A_873 = tpu.memref_squeeze %dma_wait3A_872 : memref<1x40xi32, #tpu.memory_space<vmem>> -> memref<40xi32, #tpu.memory_space<vmem>>
      %dma_wait3A_874 = arith.constant 0 : i32
      %dma_wait3A_875 = arith.constant 0 : i32
      %dma_wait3A_876 = tpu.memref_slice %arg3[%dma_wait3A_874, %dma_wait3A_875] : memref<1000000x64xf32, #tpu.memory_space<hbm>> -> memref<1000000x64xf32, #tpu.memory_space<hbm>>
      tpu.wait_indirect_dma semaphore(%arg8 : memref<!tpu.dma_semaphore, #tpu.memory_space<semaphore_mem>>) src(%dma_wait3A_876 : memref<1000000x64xf32, #tpu.memory_space<hbm>>) dst(%dma_wait3A_870 : memref<40x64xf32, #tpu.memory_space<vmem>>)
      %dma_wait3A_877 = arith.constant 1 : i32
      %dma_wait3A_878 = arith.constant 1 : i32
      %dma_wait3A_879 = arith.constant 120 : i32
      %dma_wait3A_880 = arith.constant 0 : i32
      %dma_wait3A_881 = tpu.memref_slice %arg7[%dma_wait3A_878, %dma_wait3A_879, %dma_wait3A_880] : memref<4x200x64xf32, #tpu.memory_space<vmem>> -> memref<1x40x64xf32, #tpu.memory_space<vmem>>
      %dma_wait3A_882 = tpu.memref_squeeze %dma_wait3A_881 : memref<1x40x64xf32, #tpu.memory_space<vmem>> -> memref<40x64xf32, #tpu.memory_space<vmem>>
      %dma_wait3A_883 = arith.constant 120 : i32
      %dma_wait3A_884 = tpu.memref_slice %arg5[%dma_wait3A_877, %dma_wait3A_883] : memref<4x200xi32, #tpu.memory_space<vmem>> -> memref<1x40xi32, #tpu.memory_space<vmem>>
      %dma_wait3A_885 = tpu.memref_squeeze %dma_wait3A_884 : memref<1x40xi32, #tpu.memory_space<vmem>> -> memref<40xi32, #tpu.memory_space<vmem>>
      %dma_wait3A_886 = arith.constant 0 : i32
      %dma_wait3A_887 = arith.constant 0 : i32
      %dma_wait3A_888 = tpu.memref_slice %arg3[%dma_wait3A_886, %dma_wait3A_887] : memref<1000000x64xf32, #tpu.memory_space<hbm>> -> memref<1000000x64xf32, #tpu.memory_space<hbm>>
      tpu.wait_indirect_dma semaphore(%arg8 : memref<!tpu.dma_semaphore, #tpu.memory_space<semaphore_mem>>) src(%dma_wait3A_888 : memref<1000000x64xf32, #tpu.memory_space<hbm>>) dst(%dma_wait3A_882 : memref<40x64xf32, #tpu.memory_space<vmem>>)
      %dma_wait3A_889 = arith.constant 1 : i32
      %dma_wait3A_890 = arith.constant 1 : i32
      %dma_wait3A_891 = arith.constant 160 : i32
      %dma_wait3A_892 = arith.constant 0 : i32
      %dma_wait3A_893 = tpu.memref_slice %arg7[%dma_wait3A_890, %dma_wait3A_891, %dma_wait3A_892] : memref<4x200x64xf32, #tpu.memory_space<vmem>> -> memref<1x40x64xf32, #tpu.memory_space<vmem>>
      %dma_wait3A_894 = tpu.memref_squeeze %dma_wait3A_893 : memref<1x40x64xf32, #tpu.memory_space<vmem>> -> memref<40x64xf32, #tpu.memory_space<vmem>>
      %dma_wait3A_895 = arith.constant 160 : i32
      %dma_wait3A_896 = tpu.memref_slice %arg5[%dma_wait3A_889, %dma_wait3A_895] : memref<4x200xi32, #tpu.memory_space<vmem>> -> memref<1x40xi32, #tpu.memory_space<vmem>>
      %dma_wait3A_897 = tpu.memref_squeeze %dma_wait3A_896 : memref<1x40xi32, #tpu.memory_space<vmem>> -> memref<40xi32, #tpu.memory_space<vmem>>
      %dma_wait3A_898 = arith.constant 0 : i32
      %dma_wait3A_899 = arith.constant 0 : i32
      %dma_wait3A_900 = tpu.memref_slice %arg3[%dma_wait3A_898, %dma_wait3A_899] : memref<1000000x64xf32, #tpu.memory_space<hbm>> -> memref<1000000x64xf32, #tpu.memory_space<hbm>>
      tpu.wait_indirect_dma semaphore(%arg8 : memref<!tpu.dma_semaphore, #tpu.memory_space<semaphore_mem>>) src(%dma_wait3A_900 : memref<1000000x64xf32, #tpu.memory_space<hbm>>) dst(%dma_wait3A_894 : memref<40x64xf32, #tpu.memory_space<vmem>>)
      %dma_wait3A_901 = arith.constant 2 : i32
      %dma_wait3A_902 = arith.constant 2 : i32
      %dma_wait3A_903 = arith.constant 0 : i32
      %dma_wait3A_904 = arith.constant 0 : i32
      %dma_wait3A_905 = tpu.memref_slice %arg7[%dma_wait3A_902, %dma_wait3A_903, %dma_wait3A_904] : memref<4x200x64xf32, #tpu.memory_space<vmem>> -> memref<1x40x64xf32, #tpu.memory_space<vmem>>
      %dma_wait3A_906 = tpu.memref_squeeze %dma_wait3A_905 : memref<1x40x64xf32, #tpu.memory_space<vmem>> -> memref<40x64xf32, #tpu.memory_space<vmem>>
      %dma_wait3A_907 = arith.constant 0 : i32
      %dma_wait3A_908 = tpu.memref_slice %arg5[%dma_wait3A_901, %dma_wait3A_907] : memref<4x200xi32, #tpu.memory_space<vmem>> -> memref<1x40xi32, #tpu.memory_space<vmem>>
      %dma_wait3A_909 = tpu.memref_squeeze %dma_wait3A_908 : memref<1x40xi32, #tpu.memory_space<vmem>> -> memref<40xi32, #tpu.memory_space<vmem>>
      %dma_wait3A_910 = arith.constant 0 : i32
      %dma_wait3A_911 = arith.constant 0 : i32
      %dma_wait3A_912 = tpu.memref_slice %arg3[%dma_wait3A_910, %dma_wait3A_911] : memref<1000000x64xf32, #tpu.memory_space<hbm>> -> memref<1000000x64xf32, #tpu.memory_space<hbm>>
      tpu.wait_indirect_dma semaphore(%arg8 : memref<!tpu.dma_semaphore, #tpu.memory_space<semaphore_mem>>) src(%dma_wait3A_912 : memref<1000000x64xf32, #tpu.memory_space<hbm>>) dst(%dma_wait3A_906 : memref<40x64xf32, #tpu.memory_space<vmem>>)
      %dma_wait3A_913 = arith.constant 2 : i32
      %dma_wait3A_914 = arith.constant 2 : i32
      %dma_wait3A_915 = arith.constant 40 : i32
      %dma_wait3A_916 = arith.constant 0 : i32
      %dma_wait3A_917 = tpu.memref_slice %arg7[%dma_wait3A_914, %dma_wait3A_915, %dma_wait3A_916] : memref<4x200x64xf32, #tpu.memory_space<vmem>> -> memref<1x40x64xf32, #tpu.memory_space<vmem>>
      %dma_wait3A_918 = tpu.memref_squeeze %dma_wait3A_917 : memref<1x40x64xf32, #tpu.memory_space<vmem>> -> memref<40x64xf32, #tpu.memory_space<vmem>>
      %dma_wait3A_919 = arith.constant 40 : i32
      %dma_wait3A_920 = tpu.memref_slice %arg5[%dma_wait3A_913, %dma_wait3A_919] : memref<4x200xi32, #tpu.memory_space<vmem>> -> memref<1x40xi32, #tpu.memory_space<vmem>>
      %dma_wait3A_921 = tpu.memref_squeeze %dma_wait3A_920 : memref<1x40xi32, #tpu.memory_space<vmem>> -> memref<40xi32, #tpu.memory_space<vmem>>
      %dma_wait3A_922 = arith.constant 0 : i32
      %dma_wait3A_923 = arith.constant 0 : i32
      %dma_wait3A_924 = tpu.memref_slice %arg3[%dma_wait3A_922, %dma_wait3A_923] : memref<1000000x64xf32, #tpu.memory_space<hbm>> -> memref<1000000x64xf32, #tpu.memory_space<hbm>>
      tpu.wait_indirect_dma semaphore(%arg8 : memref<!tpu.dma_semaphore, #tpu.memory_space<semaphore_mem>>) src(%dma_wait3A_924 : memref<1000000x64xf32, #tpu.memory_space<hbm>>) dst(%dma_wait3A_918 : memref<40x64xf32, #tpu.memory_space<vmem>>)
      %dma_wait3A_925 = arith.constant 2 : i32
      %dma_wait3A_926 = arith.constant 2 : i32
      %dma_wait3A_927 = arith.constant 80 : i32
      %dma_wait3A_928 = arith.constant 0 : i32
      %dma_wait3A_929 = tpu.memref_slice %arg7[%dma_wait3A_926, %dma_wait3A_927, %dma_wait3A_928] : memref<4x200x64xf32, #tpu.memory_space<vmem>> -> memref<1x40x64xf32, #tpu.memory_space<vmem>>
      %dma_wait3A_930 = tpu.memref_squeeze %dma_wait3A_929 : memref<1x40x64xf32, #tpu.memory_space<vmem>> -> memref<40x64xf32, #tpu.memory_space<vmem>>
      %dma_wait3A_931 = arith.constant 80 : i32
      %dma_wait3A_932 = tpu.memref_slice %arg5[%dma_wait3A_925, %dma_wait3A_931] : memref<4x200xi32, #tpu.memory_space<vmem>> -> memref<1x40xi32, #tpu.memory_space<vmem>>
      %dma_wait3A_933 = tpu.memref_squeeze %dma_wait3A_932 : memref<1x40xi32, #tpu.memory_space<vmem>> -> memref<40xi32, #tpu.memory_space<vmem>>
      %dma_wait3A_934 = arith.constant 0 : i32
      %dma_wait3A_935 = arith.constant 0 : i32
      %dma_wait3A_936 = tpu.memref_slice %arg3[%dma_wait3A_934, %dma_wait3A_935] : memref<1000000x64xf32, #tpu.memory_space<hbm>> -> memref<1000000x64xf32, #tpu.memory_space<hbm>>
      tpu.wait_indirect_dma semaphore(%arg8 : memref<!tpu.dma_semaphore, #tpu.memory_space<semaphore_mem>>) src(%dma_wait3A_936 : memref<1000000x64xf32, #tpu.memory_space<hbm>>) dst(%dma_wait3A_930 : memref<40x64xf32, #tpu.memory_space<vmem>>)
      %dma_wait3A_937 = arith.constant 2 : i32
      %dma_wait3A_938 = arith.constant 2 : i32
      %dma_wait3A_939 = arith.constant 120 : i32
      %dma_wait3A_940 = arith.constant 0 : i32
      %dma_wait3A_941 = tpu.memref_slice %arg7[%dma_wait3A_938, %dma_wait3A_939, %dma_wait3A_940] : memref<4x200x64xf32, #tpu.memory_space<vmem>> -> memref<1x40x64xf32, #tpu.memory_space<vmem>>
      %dma_wait3A_942 = tpu.memref_squeeze %dma_wait3A_941 : memref<1x40x64xf32, #tpu.memory_space<vmem>> -> memref<40x64xf32, #tpu.memory_space<vmem>>
      %dma_wait3A_943 = arith.constant 120 : i32
      %dma_wait3A_944 = tpu.memref_slice %arg5[%dma_wait3A_937, %dma_wait3A_943] : memref<4x200xi32, #tpu.memory_space<vmem>> -> memref<1x40xi32, #tpu.memory_space<vmem>>
      %dma_wait3A_945 = tpu.memref_squeeze %dma_wait3A_944 : memref<1x40xi32, #tpu.memory_space<vmem>> -> memref<40xi32, #tpu.memory_space<vmem>>
      %dma_wait3A_946 = arith.constant 0 : i32
      %dma_wait3A_947 = arith.constant 0 : i32
      %dma_wait3A_948 = tpu.memref_slice %arg3[%dma_wait3A_946, %dma_wait3A_947] : memref<1000000x64xf32, #tpu.memory_space<hbm>> -> memref<1000000x64xf32, #tpu.memory_space<hbm>>
      tpu.wait_indirect_dma semaphore(%arg8 : memref<!tpu.dma_semaphore, #tpu.memory_space<semaphore_mem>>) src(%dma_wait3A_948 : memref<1000000x64xf32, #tpu.memory_space<hbm>>) dst(%dma_wait3A_942 : memref<40x64xf32, #tpu.memory_space<vmem>>)
      %dma_wait3A_949 = arith.constant 2 : i32
      %dma_wait3A_950 = arith.constant 2 : i32
      %dma_wait3A_951 = arith.constant 160 : i32
      %dma_wait3A_952 = arith.constant 0 : i32
      %dma_wait3A_953 = tpu.memref_slice %arg7[%dma_wait3A_950, %dma_wait3A_951, %dma_wait3A_952] : memref<4x200x64xf32, #tpu.memory_space<vmem>> -> memref<1x40x64xf32, #tpu.memory_space<vmem>>
      %dma_wait3A_954 = tpu.memref_squeeze %dma_wait3A_953 : memref<1x40x64xf32, #tpu.memory_space<vmem>> -> memref<40x64xf32, #tpu.memory_space<vmem>>
      %dma_wait3A_955 = arith.constant 160 : i32
      %dma_wait3A_956 = tpu.memref_slice %arg5[%dma_wait3A_949, %dma_wait3A_955] : memref<4x200xi32, #tpu.memory_space<vmem>> -> memref<1x40xi32, #tpu.memory_space<vmem>>
      %dma_wait3A_957 = tpu.memref_squeeze %dma_wait3A_956 : memref<1x40xi32, #tpu.memory_space<vmem>> -> memref<40xi32, #tpu.memory_space<vmem>>
      %dma_wait3A_958 = arith.constant 0 : i32
      %dma_wait3A_959 = arith.constant 0 : i32
      %dma_wait3A_960 = tpu.memref_slice %arg3[%dma_wait3A_958, %dma_wait3A_959] : memref<1000000x64xf32, #tpu.memory_space<hbm>> -> memref<1000000x64xf32, #tpu.memory_space<hbm>>
      tpu.wait_indirect_dma semaphore(%arg8 : memref<!tpu.dma_semaphore, #tpu.memory_space<semaphore_mem>>) src(%dma_wait3A_960 : memref<1000000x64xf32, #tpu.memory_space<hbm>>) dst(%dma_wait3A_954 : memref<40x64xf32, #tpu.memory_space<vmem>>)
      %dma_wait3A_961 = arith.constant 3 : i32
      %dma_wait3A_962 = arith.constant 3 : i32
      %dma_wait3A_963 = arith.constant 0 : i32
      %dma_wait3A_964 = arith.constant 0 : i32
      %dma_wait3A_965 = tpu.memref_slice %arg7[%dma_wait3A_962, %dma_wait3A_963, %dma_wait3A_964] : memref<4x200x64xf32, #tpu.memory_space<vmem>> -> memref<1x40x64xf32, #tpu.memory_space<vmem>>
      %dma_wait3A_966 = tpu.memref_squeeze %dma_wait3A_965 : memref<1x40x64xf32, #tpu.memory_space<vmem>> -> memref<40x64xf32, #tpu.memory_space<vmem>>
      %dma_wait3A_967 = arith.constant 0 : i32
      %dma_wait3A_968 = tpu.memref_slice %arg5[%dma_wait3A_961, %dma_wait3A_967] : memref<4x200xi32, #tpu.memory_space<vmem>> -> memref<1x40xi32, #tpu.memory_space<vmem>>
      %dma_wait3A_969 = tpu.memref_squeeze %dma_wait3A_968 : memref<1x40xi32, #tpu.memory_space<vmem>> -> memref<40xi32, #tpu.memory_space<vmem>>
      %dma_wait3A_970 = arith.constant 0 : i32
      %dma_wait3A_971 = arith.constant 0 : i32
      %dma_wait3A_972 = tpu.memref_slice %arg3[%dma_wait3A_970, %dma_wait3A_971] : memref<1000000x64xf32, #tpu.memory_space<hbm>> -> memref<1000000x64xf32, #tpu.memory_space<hbm>>
      tpu.wait_indirect_dma semaphore(%arg8 : memref<!tpu.dma_semaphore, #tpu.memory_space<semaphore_mem>>) src(%dma_wait3A_972 : memref<1000000x64xf32, #tpu.memory_space<hbm>>) dst(%dma_wait3A_966 : memref<40x64xf32, #tpu.memory_space<vmem>>)
      %dma_wait3A_973 = arith.constant 3 : i32
      %dma_wait3A_974 = arith.constant 3 : i32
      %dma_wait3A_975 = arith.constant 40 : i32
      %dma_wait3A_976 = arith.constant 0 : i32
      %dma_wait3A_977 = tpu.memref_slice %arg7[%dma_wait3A_974, %dma_wait3A_975, %dma_wait3A_976] : memref<4x200x64xf32, #tpu.memory_space<vmem>> -> memref<1x40x64xf32, #tpu.memory_space<vmem>>
      %dma_wait3A_978 = tpu.memref_squeeze %dma_wait3A_977 : memref<1x40x64xf32, #tpu.memory_space<vmem>> -> memref<40x64xf32, #tpu.memory_space<vmem>>
      %dma_wait3A_979 = arith.constant 40 : i32
      %dma_wait3A_980 = tpu.memref_slice %arg5[%dma_wait3A_973, %dma_wait3A_979] : memref<4x200xi32, #tpu.memory_space<vmem>> -> memref<1x40xi32, #tpu.memory_space<vmem>>
      %dma_wait3A_981 = tpu.memref_squeeze %dma_wait3A_980 : memref<1x40xi32, #tpu.memory_space<vmem>> -> memref<40xi32, #tpu.memory_space<vmem>>
      %dma_wait3A_982 = arith.constant 0 : i32
      %dma_wait3A_983 = arith.constant 0 : i32
      %dma_wait3A_984 = tpu.memref_slice %arg3[%dma_wait3A_982, %dma_wait3A_983] : memref<1000000x64xf32, #tpu.memory_space<hbm>> -> memref<1000000x64xf32, #tpu.memory_space<hbm>>
      tpu.wait_indirect_dma semaphore(%arg8 : memref<!tpu.dma_semaphore, #tpu.memory_space<semaphore_mem>>) src(%dma_wait3A_984 : memref<1000000x64xf32, #tpu.memory_space<hbm>>) dst(%dma_wait3A_978 : memref<40x64xf32, #tpu.memory_space<vmem>>)
      %dma_wait3A_985 = arith.constant 3 : i32
      %dma_wait3A_986 = arith.constant 3 : i32
      %dma_wait3A_987 = arith.constant 80 : i32
      %dma_wait3A_988 = arith.constant 0 : i32
      %dma_wait3A_989 = tpu.memref_slice %arg7[%dma_wait3A_986, %dma_wait3A_987, %dma_wait3A_988] : memref<4x200x64xf32, #tpu.memory_space<vmem>> -> memref<1x40x64xf32, #tpu.memory_space<vmem>>
      %dma_wait3A_990 = tpu.memref_squeeze %dma_wait3A_989 : memref<1x40x64xf32, #tpu.memory_space<vmem>> -> memref<40x64xf32, #tpu.memory_space<vmem>>
      %dma_wait3A_991 = arith.constant 80 : i32
      %dma_wait3A_992 = tpu.memref_slice %arg5[%dma_wait3A_985, %dma_wait3A_991] : memref<4x200xi32, #tpu.memory_space<vmem>> -> memref<1x40xi32, #tpu.memory_space<vmem>>
      %dma_wait3A_993 = tpu.memref_squeeze %dma_wait3A_992 : memref<1x40xi32, #tpu.memory_space<vmem>> -> memref<40xi32, #tpu.memory_space<vmem>>
      %dma_wait3A_994 = arith.constant 0 : i32
      %dma_wait3A_995 = arith.constant 0 : i32
      %dma_wait3A_996 = tpu.memref_slice %arg3[%dma_wait3A_994, %dma_wait3A_995] : memref<1000000x64xf32, #tpu.memory_space<hbm>> -> memref<1000000x64xf32, #tpu.memory_space<hbm>>
      tpu.wait_indirect_dma semaphore(%arg8 : memref<!tpu.dma_semaphore, #tpu.memory_space<semaphore_mem>>) src(%dma_wait3A_996 : memref<1000000x64xf32, #tpu.memory_space<hbm>>) dst(%dma_wait3A_990 : memref<40x64xf32, #tpu.memory_space<vmem>>)
      %dma_wait3A_997 = arith.constant 3 : i32
      %dma_wait3A_998 = arith.constant 3 : i32
      %dma_wait3A_999 = arith.constant 120 : i32
      %dma_wait3A_1000 = arith.constant 0 : i32
      %dma_wait3A_1001 = tpu.memref_slice %arg7[%dma_wait3A_998, %dma_wait3A_999, %dma_wait3A_1000] : memref<4x200x64xf32, #tpu.memory_space<vmem>> -> memref<1x40x64xf32, #tpu.memory_space<vmem>>
      %dma_wait3A_1002 = tpu.memref_squeeze %dma_wait3A_1001 : memref<1x40x64xf32, #tpu.memory_space<vmem>> -> memref<40x64xf32, #tpu.memory_space<vmem>>
      %dma_wait3A_1003 = arith.constant 120 : i32
      %dma_wait3A_1004 = tpu.memref_slice %arg5[%dma_wait3A_997, %dma_wait3A_1003] : memref<4x200xi32, #tpu.memory_space<vmem>> -> memref<1x40xi32, #tpu.memory_space<vmem>>
      %dma_wait3A_1005 = tpu.memref_squeeze %dma_wait3A_1004 : memref<1x40xi32, #tpu.memory_space<vmem>> -> memref<40xi32, #tpu.memory_space<vmem>>
      %dma_wait3A_1006 = arith.constant 0 : i32
      %dma_wait3A_1007 = arith.constant 0 : i32
      %dma_wait3A_1008 = tpu.memref_slice %arg3[%dma_wait3A_1006, %dma_wait3A_1007] : memref<1000000x64xf32, #tpu.memory_space<hbm>> -> memref<1000000x64xf32, #tpu.memory_space<hbm>>
      tpu.wait_indirect_dma semaphore(%arg8 : memref<!tpu.dma_semaphore, #tpu.memory_space<semaphore_mem>>) src(%dma_wait3A_1008 : memref<1000000x64xf32, #tpu.memory_space<hbm>>) dst(%dma_wait3A_1002 : memref<40x64xf32, #tpu.memory_space<vmem>>)
      %dma_wait3A_1009 = arith.constant 3 : i32
      %dma_wait3A_1010 = arith.constant 3 : i32
      %dma_wait3A_1011 = arith.constant 160 : i32
      %dma_wait3A_1012 = arith.constant 0 : i32
      %dma_wait3A_1013 = tpu.memref_slice %arg7[%dma_wait3A_1010, %dma_wait3A_1011, %dma_wait3A_1012] : memref<4x200x64xf32, #tpu.memory_space<vmem>> -> memref<1x40x64xf32, #tpu.memory_space<vmem>>
      %dma_wait3A_1014 = tpu.memref_squeeze %dma_wait3A_1013 : memref<1x40x64xf32, #tpu.memory_space<vmem>> -> memref<40x64xf32, #tpu.memory_space<vmem>>
      %dma_wait3A_1015 = arith.constant 160 : i32
      %dma_wait3A_1016 = tpu.memref_slice %arg5[%dma_wait3A_1009, %dma_wait3A_1015] : memref<4x200xi32, #tpu.memory_space<vmem>> -> memref<1x40xi32, #tpu.memory_space<vmem>>
      %dma_wait3A_1017 = tpu.memref_squeeze %dma_wait3A_1016 : memref<1x40xi32, #tpu.memory_space<vmem>> -> memref<40xi32, #tpu.memory_space<vmem>>
      %dma_wait3A_1018 = arith.constant 0 : i32
      %dma_wait3A_1019 = arith.constant 0 : i32
      %dma_wait3A_1020 = tpu.memref_slice %arg3[%dma_wait3A_1018, %dma_wait3A_1019] : memref<1000000x64xf32, #tpu.memory_space<hbm>> -> memref<1000000x64xf32, #tpu.memory_space<hbm>>
      tpu.wait_indirect_dma semaphore(%arg8 : memref<!tpu.dma_semaphore, #tpu.memory_space<semaphore_mem>>) src(%dma_wait3A_1020 : memref<1000000x64xf32, #tpu.memory_space<hbm>>) dst(%dma_wait3A_1014 : memref<40x64xf32, #tpu.memory_space<vmem>>)
      %parallel_loop3A_1021 = arith.constant 0 : i32
      %parallel_loop3A_1022 = arith.constant 200 : i32
      %parallel_loop3A_1023 = arith.constant 1 : i32
      scf.for %parallel_loop3A_1040 = %parallel_loop3A_1021 to %parallel_loop3A_1022 step %parallel_loop3A_1023  : i32 {
        %parallel_loop3A_1041 = arith.constant 0 : i32
        %parallel_loop3A_1042 = arith.index_cast %parallel_loop3A_1041 : i32 to index
        %parallel_loop3A_1043 = arith.index_cast %parallel_loop3A_1040 : i32 to index
        %parallel_loop3A_1044 = arith.constant 0 : index
        %parallel_loop3A_1045 = tpu.vector_load %arg7[%parallel_loop3A_1042, %parallel_loop3A_1043, %parallel_loop3A_1044] {strides = array<i32>} : memref<4x200x64xf32, #tpu.memory_space<vmem>>, vector<1x1x16xf32>,
        %parallel_loop3A_1046 = vector.shape_cast %parallel_loop3A_1045 : vector<1x1x16xf32> to vector<16xf32>
        %parallel_loop3A_1047 = arith.constant 8.000000e+00 : f32
        %parallel_loop3A_1048 = vector.broadcast %parallel_loop3A_1047 : f32 to vector<16xf32>
        %parallel_loop3A_1049 = arith.mulf %parallel_loop3A_1046, %parallel_loop3A_1048 : vector<16xf32>
        %parallel_loop3A_1050 = arith.constant 0 : i32
        %parallel_loop3A_1051 = arith.index_cast %parallel_loop3A_1050 : i32 to index
        %parallel_loop3A_1052 = arith.index_cast %parallel_loop3A_1040 : i32 to index
        %parallel_loop3A_1053 = arith.constant 0 : index
        %parallel_loop3A_1054 = tpu.vector_load %arg7[%parallel_loop3A_1051, %parallel_loop3A_1052, %parallel_loop3A_1053] {strides = array<i32>} : memref<4x200x64xf32, #tpu.memory_space<vmem>>, vector<1x1x16xf32>,
        %parallel_loop3A_1055 = vector.shape_cast %parallel_loop3A_1054 : vector<1x1x16xf32> to vector<16xf32>
        %parallel_loop3A_1056 = vector.shape_cast %parallel_loop3A_1049 : vector<16xf32> to vector<1x1x16xf32>
        tpu.vector_store %arg7[%parallel_loop3A_1051, %parallel_loop3A_1052, %parallel_loop3A_1053], %parallel_loop3A_1056 {strides = array<i32>} : memref<4x200x64xf32, #tpu.memory_space<vmem>>, vector<1x1x16xf32>,
        %parallel_loop3A_1057 = arith.constant 0 : i32
        %parallel_loop3A_1058 = arith.index_cast %parallel_loop3A_1057 : i32 to index
        %parallel_loop3A_1059 = arith.index_cast %parallel_loop3A_1040 : i32 to index
        %parallel_loop3A_1060 = arith.constant 16 : index
        %parallel_loop3A_1061 = tpu.vector_load %arg7[%parallel_loop3A_1058, %parallel_loop3A_1059, %parallel_loop3A_1060] {strides = array<i32>} : memref<4x200x64xf32, #tpu.memory_space<vmem>>, vector<1x1x16xf32>,
        %parallel_loop3A_1062 = vector.shape_cast %parallel_loop3A_1061 : vector<1x1x16xf32> to vector<16xf32>
        %parallel_loop3A_1063 = arith.constant 8.000000e+00 : f32
        %parallel_loop3A_1064 = vector.broadcast %parallel_loop3A_1063 : f32 to vector<16xf32>
        %parallel_loop3A_1065 = arith.mulf %parallel_loop3A_1062, %parallel_loop3A_1064 : vector<16xf32>
        %parallel_loop3A_1066 = arith.constant 0 : i32
        %parallel_loop3A_1067 = arith.index_cast %parallel_loop3A_1066 : i32 to index
        %parallel_loop3A_1068 = arith.index_cast %parallel_loop3A_1040 : i32 to index
        %parallel_loop3A_1069 = arith.constant 16 : index
        %parallel_loop3A_1070 = tpu.vector_load %arg7[%parallel_loop3A_1067, %parallel_loop3A_1068, %parallel_loop3A_1069] {strides = array<i32>} : memref<4x200x64xf32, #tpu.memory_space<vmem>>, vector<1x1x16xf32>,
        %parallel_loop3A_1071 = vector.shape_cast %parallel_loop3A_1070 : vector<1x1x16xf32> to vector<16xf32>
        %parallel_loop3A_1072 = vector.shape_cast %parallel_loop3A_1065 : vector<16xf32> to vector<1x1x16xf32>
        tpu.vector_store %arg7[%parallel_loop3A_1067, %parallel_loop3A_1068, %parallel_loop3A_1069], %parallel_loop3A_1072 {strides = array<i32>} : memref<4x200x64xf32, #tpu.memory_space<vmem>>, vector<1x1x16xf32>,
        %parallel_loop3A_1073 = arith.constant 0 : i32
        %parallel_loop3A_1074 = arith.index_cast %parallel_loop3A_1073 : i32 to index
        %parallel_loop3A_1075 = arith.index_cast %parallel_loop3A_1040 : i32 to index
        %parallel_loop3A_1076 = arith.constant 32 : index
        %parallel_loop3A_1077 = tpu.vector_load %arg7[%parallel_loop3A_1074, %parallel_loop3A_1075, %parallel_loop3A_1076] {strides = array<i32>} : memref<4x200x64xf32, #tpu.memory_space<vmem>>, vector<1x1x16xf32>,
        %parallel_loop3A_1078 = vector.shape_cast %parallel_loop3A_1077 : vector<1x1x16xf32> to vector<16xf32>
        %parallel_loop3A_1079 = arith.constant 8.000000e+00 : f32
        %parallel_loop3A_1080 = vector.broadcast %parallel_loop3A_1079 : f32 to vector<16xf32>
        %parallel_loop3A_1081 = arith.mulf %parallel_loop3A_1078, %parallel_loop3A_1080 : vector<16xf32>
        %parallel_loop3A_1082 = arith.constant 0 : i32
        %parallel_loop3A_1083 = arith.index_cast %parallel_loop3A_1082 : i32 to index
        %parallel_loop3A_1084 = arith.index_cast %parallel_loop3A_1040 : i32 to index
        %parallel_loop3A_1085 = arith.constant 32 : index
        %parallel_loop3A_1086 = tpu.vector_load %arg7[%parallel_loop3A_1083, %parallel_loop3A_1084, %parallel_loop3A_1085] {strides = array<i32>} : memref<4x200x64xf32, #tpu.memory_space<vmem>>, vector<1x1x16xf32>,
        %parallel_loop3A_1087 = vector.shape_cast %parallel_loop3A_1086 : vector<1x1x16xf32> to vector<16xf32>
        %parallel_loop3A_1088 = vector.shape_cast %parallel_loop3A_1081 : vector<16xf32> to vector<1x1x16xf32>
        tpu.vector_store %arg7[%parallel_loop3A_1083, %parallel_loop3A_1084, %parallel_loop3A_1085], %parallel_loop3A_1088 {strides = array<i32>} : memref<4x200x64xf32, #tpu.memory_space<vmem>>, vector<1x1x16xf32>,
        %parallel_loop3A_1089 = arith.constant 0 : i32
        %parallel_loop3A_1090 = arith.index_cast %parallel_loop3A_1089 : i32 to index
        %parallel_loop3A_1091 = arith.index_cast %parallel_loop3A_1040 : i32 to index
        %parallel_loop3A_1092 = arith.constant 48 : index
        %parallel_loop3A_1093 = tpu.vector_load %arg7[%parallel_loop3A_1090, %parallel_loop3A_1091, %parallel_loop3A_1092] {strides = array<i32>} : memref<4x200x64xf32, #tpu.memory_space<vmem>>, vector<1x1x16xf32>,
        %parallel_loop3A_1094 = vector.shape_cast %parallel_loop3A_1093 : vector<1x1x16xf32> to vector<16xf32>
        %parallel_loop3A_1095 = arith.constant 8.000000e+00 : f32
        %parallel_loop3A_1096 = vector.broadcast %parallel_loop3A_1095 : f32 to vector<16xf32>
        %parallel_loop3A_1097 = arith.mulf %parallel_loop3A_1094, %parallel_loop3A_1096 : vector<16xf32>
        %parallel_loop3A_1098 = arith.constant 0 : i32
        %parallel_loop3A_1099 = arith.index_cast %parallel_loop3A_1098 : i32 to index
        %parallel_loop3A_1100 = arith.index_cast %parallel_loop3A_1040 : i32 to index
        %parallel_loop3A_1101 = arith.constant 48 : index
        %parallel_loop3A_1102 = tpu.vector_load %arg7[%parallel_loop3A_1099, %parallel_loop3A_1100, %parallel_loop3A_1101] {strides = array<i32>} : memref<4x200x64xf32, #tpu.memory_space<vmem>>, vector<1x1x16xf32>,
        %parallel_loop3A_1103 = vector.shape_cast %parallel_loop3A_1102 : vector<1x1x16xf32> to vector<16xf32>
        %parallel_loop3A_1104 = vector.shape_cast %parallel_loop3A_1097 : vector<16xf32> to vector<1x1x16xf32>
        tpu.vector_store %arg7[%parallel_loop3A_1099, %parallel_loop3A_1100, %parallel_loop3A_1101], %parallel_loop3A_1104 {strides = array<i32>} : memref<4x200x64xf32, #tpu.memory_space<vmem>>, vector<1x1x16xf32>,
      } {sc.loop_unroll_factor = 4 : i64, sc.parallel_access}
      %parallel_loop3A_1024 = arith.constant 0 : i32
      %parallel_loop3A_1025 = arith.constant 200 : i32
      %parallel_loop3A_1026 = arith.constant 1 : i32
      scf.for %parallel_loop3A_1040 = %parallel_loop3A_1024 to %parallel_loop3A_1025 step %parallel_loop3A_1026  : i32 {
        %parallel_loop3A_1041 = arith.constant 1 : i32
        %parallel_loop3A_1042 = arith.index_cast %parallel_loop3A_1041 : i32 to index
        %parallel_loop3A_1043 = arith.index_cast %parallel_loop3A_1040 : i32 to index
        %parallel_loop3A_1044 = arith.constant 0 : index
        %parallel_loop3A_1045 = tpu.vector_load %arg7[%parallel_loop3A_1042, %parallel_loop3A_1043, %parallel_loop3A_1044] {strides = array<i32>} : memref<4x200x64xf32, #tpu.memory_space<vmem>>, vector<1x1x16xf32>,
        %parallel_loop3A_1046 = vector.shape_cast %parallel_loop3A_1045 : vector<1x1x16xf32> to vector<16xf32>
        %parallel_loop3A_1047 = arith.constant 8.000000e+00 : f32
        %parallel_loop3A_1048 = vector.broadcast %parallel_loop3A_1047 : f32 to vector<16xf32>
        %parallel_loop3A_1049 = arith.mulf %parallel_loop3A_1046, %parallel_loop3A_1048 : vector<16xf32>
        %parallel_loop3A_1050 = arith.constant 1 : i32
        %parallel_loop3A_1051 = arith.index_cast %parallel_loop3A_1050 : i32 to index
        %parallel_loop3A_1052 = arith.index_cast %parallel_loop3A_1040 : i32 to index
        %parallel_loop3A_1053 = arith.constant 0 : index
        %parallel_loop3A_1054 = tpu.vector_load %arg7[%parallel_loop3A_1051, %parallel_loop3A_1052, %parallel_loop3A_1053] {strides = array<i32>} : memref<4x200x64xf32, #tpu.memory_space<vmem>>, vector<1x1x16xf32>,
        %parallel_loop3A_1055 = vector.shape_cast %parallel_loop3A_1054 : vector<1x1x16xf32> to vector<16xf32>
        %parallel_loop3A_1056 = vector.shape_cast %parallel_loop3A_1049 : vector<16xf32> to vector<1x1x16xf32>
        tpu.vector_store %arg7[%parallel_loop3A_1051, %parallel_loop3A_1052, %parallel_loop3A_1053], %parallel_loop3A_1056 {strides = array<i32>} : memref<4x200x64xf32, #tpu.memory_space<vmem>>, vector<1x1x16xf32>,
        %parallel_loop3A_1057 = arith.constant 1 : i32
        %parallel_loop3A_1058 = arith.index_cast %parallel_loop3A_1057 : i32 to index
        %parallel_loop3A_1059 = arith.index_cast %parallel_loop3A_1040 : i32 to index
        %parallel_loop3A_1060 = arith.constant 16 : index
        %parallel_loop3A_1061 = tpu.vector_load %arg7[%parallel_loop3A_1058, %parallel_loop3A_1059, %parallel_loop3A_1060] {strides = array<i32>} : memref<4x200x64xf32, #tpu.memory_space<vmem>>, vector<1x1x16xf32>,
        %parallel_loop3A_1062 = vector.shape_cast %parallel_loop3A_1061 : vector<1x1x16xf32> to vector<16xf32>
        %parallel_loop3A_1063 = arith.constant 8.000000e+00 : f32
        %parallel_loop3A_1064 = vector.broadcast %parallel_loop3A_1063 : f32 to vector<16xf32>
        %parallel_loop3A_1065 = arith.mulf %parallel_loop3A_1062, %parallel_loop3A_1064 : vector<16xf32>
        %parallel_loop3A_1066 = arith.constant 1 : i32
        %parallel_loop3A_1067 = arith.index_cast %parallel_loop3A_1066 : i32 to index
        %parallel_loop3A_1068 = arith.index_cast %parallel_loop3A_1040 : i32 to index
        %parallel_loop3A_1069 = arith.constant 16 : index
        %parallel_loop3A_1070 = tpu.vector_load %arg7[%parallel_loop3A_1067, %parallel_loop3A_1068, %parallel_loop3A_1069] {strides = array<i32>} : memref<4x200x64xf32, #tpu.memory_space<vmem>>, vector<1x1x16xf32>,
        %parallel_loop3A_1071 = vector.shape_cast %parallel_loop3A_1070 : vector<1x1x16xf32> to vector<16xf32>
        %parallel_loop3A_1072 = vector.shape_cast %parallel_loop3A_1065 : vector<16xf32> to vector<1x1x16xf32>
        tpu.vector_store %arg7[%parallel_loop3A_1067, %parallel_loop3A_1068, %parallel_loop3A_1069], %parallel_loop3A_1072 {strides = array<i32>} : memref<4x200x64xf32, #tpu.memory_space<vmem>>, vector<1x1x16xf32>,
        %parallel_loop3A_1073 = arith.constant 1 : i32
        %parallel_loop3A_1074 = arith.index_cast %parallel_loop3A_1073 : i32 to index
        %parallel_loop3A_1075 = arith.index_cast %parallel_loop3A_1040 : i32 to index
        %parallel_loop3A_1076 = arith.constant 32 : index
        %parallel_loop3A_1077 = tpu.vector_load %arg7[%parallel_loop3A_1074, %parallel_loop3A_1075, %parallel_loop3A_1076] {strides = array<i32>} : memref<4x200x64xf32, #tpu.memory_space<vmem>>, vector<1x1x16xf32>,
        %parallel_loop3A_1078 = vector.shape_cast %parallel_loop3A_1077 : vector<1x1x16xf32> to vector<16xf32>
        %parallel_loop3A_1079 = arith.constant 8.000000e+00 : f32
        %parallel_loop3A_1080 = vector.broadcast %parallel_loop3A_1079 : f32 to vector<16xf32>
        %parallel_loop3A_1081 = arith.mulf %parallel_loop3A_1078, %parallel_loop3A_1080 : vector<16xf32>
        %parallel_loop3A_1082 = arith.constant 1 : i32
        %parallel_loop3A_1083 = arith.index_cast %parallel_loop3A_1082 : i32 to index
        %parallel_loop3A_1084 = arith.index_cast %parallel_loop3A_1040 : i32 to index
        %parallel_loop3A_1085 = arith.constant 32 : index
        %parallel_loop3A_1086 = tpu.vector_load %arg7[%parallel_loop3A_1083, %parallel_loop3A_1084, %parallel_loop3A_1085] {strides = array<i32>} : memref<4x200x64xf32, #tpu.memory_space<vmem>>, vector<1x1x16xf32>,
        %parallel_loop3A_1087 = vector.shape_cast %parallel_loop3A_1086 : vector<1x1x16xf32> to vector<16xf32>
        %parallel_loop3A_1088 = vector.shape_cast %parallel_loop3A_1081 : vector<16xf32> to vector<1x1x16xf32>
        tpu.vector_store %arg7[%parallel_loop3A_1083, %parallel_loop3A_1084, %parallel_loop3A_1085], %parallel_loop3A_1088 {strides = array<i32>} : memref<4x200x64xf32, #tpu.memory_space<vmem>>, vector<1x1x16xf32>,
        %parallel_loop3A_1089 = arith.constant 1 : i32
        %parallel_loop3A_1090 = arith.index_cast %parallel_loop3A_1089 : i32 to index
        %parallel_loop3A_1091 = arith.index_cast %parallel_loop3A_1040 : i32 to index
        %parallel_loop3A_1092 = arith.constant 48 : index
        %parallel_loop3A_1093 = tpu.vector_load %arg7[%parallel_loop3A_1090, %parallel_loop3A_1091, %parallel_loop3A_1092] {strides = array<i32>} : memref<4x200x64xf32, #tpu.memory_space<vmem>>, vector<1x1x16xf32>,
        %parallel_loop3A_1094 = vector.shape_cast %parallel_loop3A_1093 : vector<1x1x16xf32> to vector<16xf32>
        %parallel_loop3A_1095 = arith.constant 8.000000e+00 : f32
        %parallel_loop3A_1096 = vector.broadcast %parallel_loop3A_1095 : f32 to vector<16xf32>
        %parallel_loop3A_1097 = arith.mulf %parallel_loop3A_1094, %parallel_loop3A_1096 : vector<16xf32>
        %parallel_loop3A_1098 = arith.constant 1 : i32
        %parallel_loop3A_1099 = arith.index_cast %parallel_loop3A_1098 : i32 to index
        %parallel_loop3A_1100 = arith.index_cast %parallel_loop3A_1040 : i32 to index
        %parallel_loop3A_1101 = arith.constant 48 : index
        %parallel_loop3A_1102 = tpu.vector_load %arg7[%parallel_loop3A_1099, %parallel_loop3A_1100, %parallel_loop3A_1101] {strides = array<i32>} : memref<4x200x64xf32, #tpu.memory_space<vmem>>, vector<1x1x16xf32>,
        %parallel_loop3A_1103 = vector.shape_cast %parallel_loop3A_1102 : vector<1x1x16xf32> to vector<16xf32>
        %parallel_loop3A_1104 = vector.shape_cast %parallel_loop3A_1097 : vector<16xf32> to vector<1x1x16xf32>
        tpu.vector_store %arg7[%parallel_loop3A_1099, %parallel_loop3A_1100, %parallel_loop3A_1101], %parallel_loop3A_1104 {strides = array<i32>} : memref<4x200x64xf32, #tpu.memory_space<vmem>>, vector<1x1x16xf32>,
      } {sc.loop_unroll_factor = 4 : i64, sc.parallel_access}
      %parallel_loop3A_1027 = arith.constant 0 : i32
      %parallel_loop3A_1028 = arith.constant 200 : i32
      %parallel_loop3A_1029 = arith.constant 1 : i32
      scf.for %parallel_loop3A_1040 = %parallel_loop3A_1027 to %parallel_loop3A_1028 step %parallel_loop3A_1029  : i32 {
        %parallel_loop3A_1041 = arith.constant 2 : i32
        %parallel_loop3A_1042 = arith.index_cast %parallel_loop3A_1041 : i32 to index
        %parallel_loop3A_1043 = arith.index_cast %parallel_loop3A_1040 : i32 to index
        %parallel_loop3A_1044 = arith.constant 0 : index
        %parallel_loop3A_1045 = tpu.vector_load %arg7[%parallel_loop3A_1042, %parallel_loop3A_1043, %parallel_loop3A_1044] {strides = array<i32>} : memref<4x200x64xf32, #tpu.memory_space<vmem>>, vector<1x1x16xf32>,
        %parallel_loop3A_1046 = vector.shape_cast %parallel_loop3A_1045 : vector<1x1x16xf32> to vector<16xf32>
        %parallel_loop3A_1047 = arith.constant 8.000000e+00 : f32
        %parallel_loop3A_1048 = vector.broadcast %parallel_loop3A_1047 : f32 to vector<16xf32>
        %parallel_loop3A_1049 = arith.mulf %parallel_loop3A_1046, %parallel_loop3A_1048 : vector<16xf32>
        %parallel_loop3A_1050 = arith.constant 2 : i32
        %parallel_loop3A_1051 = arith.index_cast %parallel_loop3A_1050 : i32 to index
        %parallel_loop3A_1052 = arith.index_cast %parallel_loop3A_1040 : i32 to index
        %parallel_loop3A_1053 = arith.constant 0 : index
        %parallel_loop3A_1054 = tpu.vector_load %arg7[%parallel_loop3A_1051, %parallel_loop3A_1052, %parallel_loop3A_1053] {strides = array<i32>} : memref<4x200x64xf32, #tpu.memory_space<vmem>>, vector<1x1x16xf32>,
        %parallel_loop3A_1055 = vector.shape_cast %parallel_loop3A_1054 : vector<1x1x16xf32> to vector<16xf32>
        %parallel_loop3A_1056 = vector.shape_cast %parallel_loop3A_1049 : vector<16xf32> to vector<1x1x16xf32>
        tpu.vector_store %arg7[%parallel_loop3A_1051, %parallel_loop3A_1052, %parallel_loop3A_1053], %parallel_loop3A_1056 {strides = array<i32>} : memref<4x200x64xf32, #tpu.memory_space<vmem>>, vector<1x1x16xf32>,
        %parallel_loop3A_1057 = arith.constant 2 : i32
        %parallel_loop3A_1058 = arith.index_cast %parallel_loop3A_1057 : i32 to index
        %parallel_loop3A_1059 = arith.index_cast %parallel_loop3A_1040 : i32 to index
        %parallel_loop3A_1060 = arith.constant 16 : index
        %parallel_loop3A_1061 = tpu.vector_load %arg7[%parallel_loop3A_1058, %parallel_loop3A_1059, %parallel_loop3A_1060] {strides = array<i32>} : memref<4x200x64xf32, #tpu.memory_space<vmem>>, vector<1x1x16xf32>,
        %parallel_loop3A_1062 = vector.shape_cast %parallel_loop3A_1061 : vector<1x1x16xf32> to vector<16xf32>
        %parallel_loop3A_1063 = arith.constant 8.000000e+00 : f32
        %parallel_loop3A_1064 = vector.broadcast %parallel_loop3A_1063 : f32 to vector<16xf32>
        %parallel_loop3A_1065 = arith.mulf %parallel_loop3A_1062, %parallel_loop3A_1064 : vector<16xf32>
        %parallel_loop3A_1066 = arith.constant 2 : i32
        %parallel_loop3A_1067 = arith.index_cast %parallel_loop3A_1066 : i32 to index
        %parallel_loop3A_1068 = arith.index_cast %parallel_loop3A_1040 : i32 to index
        %parallel_loop3A_1069 = arith.constant 16 : index
        %parallel_loop3A_1070 = tpu.vector_load %arg7[%parallel_loop3A_1067, %parallel_loop3A_1068, %parallel_loop3A_1069] {strides = array<i32>} : memref<4x200x64xf32, #tpu.memory_space<vmem>>, vector<1x1x16xf32>,
        %parallel_loop3A_1071 = vector.shape_cast %parallel_loop3A_1070 : vector<1x1x16xf32> to vector<16xf32>
        %parallel_loop3A_1072 = vector.shape_cast %parallel_loop3A_1065 : vector<16xf32> to vector<1x1x16xf32>
        tpu.vector_store %arg7[%parallel_loop3A_1067, %parallel_loop3A_1068, %parallel_loop3A_1069], %parallel_loop3A_1072 {strides = array<i32>} : memref<4x200x64xf32, #tpu.memory_space<vmem>>, vector<1x1x16xf32>,
        %parallel_loop3A_1073 = arith.constant 2 : i32
        %parallel_loop3A_1074 = arith.index_cast %parallel_loop3A_1073 : i32 to index
        %parallel_loop3A_1075 = arith.index_cast %parallel_loop3A_1040 : i32 to index
        %parallel_loop3A_1076 = arith.constant 32 : index
        %parallel_loop3A_1077 = tpu.vector_load %arg7[%parallel_loop3A_1074, %parallel_loop3A_1075, %parallel_loop3A_1076] {strides = array<i32>} : memref<4x200x64xf32, #tpu.memory_space<vmem>>, vector<1x1x16xf32>,
        %parallel_loop3A_1078 = vector.shape_cast %parallel_loop3A_1077 : vector<1x1x16xf32> to vector<16xf32>
        %parallel_loop3A_1079 = arith.constant 8.000000e+00 : f32
        %parallel_loop3A_1080 = vector.broadcast %parallel_loop3A_1079 : f32 to vector<16xf32>
        %parallel_loop3A_1081 = arith.mulf %parallel_loop3A_1078, %parallel_loop3A_1080 : vector<16xf32>
        %parallel_loop3A_1082 = arith.constant 2 : i32
        %parallel_loop3A_1083 = arith.index_cast %parallel_loop3A_1082 : i32 to index
        %parallel_loop3A_1084 = arith.index_cast %parallel_loop3A_1040 : i32 to index
        %parallel_loop3A_1085 = arith.constant 32 : index
        %parallel_loop3A_1086 = tpu.vector_load %arg7[%parallel_loop3A_1083, %parallel_loop3A_1084, %parallel_loop3A_1085] {strides = array<i32>} : memref<4x200x64xf32, #tpu.memory_space<vmem>>, vector<1x1x16xf32>,
        %parallel_loop3A_1087 = vector.shape_cast %parallel_loop3A_1086 : vector<1x1x16xf32> to vector<16xf32>
        %parallel_loop3A_1088 = vector.shape_cast %parallel_loop3A_1081 : vector<16xf32> to vector<1x1x16xf32>
        tpu.vector_store %arg7[%parallel_loop3A_1083, %parallel_loop3A_1084, %parallel_loop3A_1085], %parallel_loop3A_1088 {strides = array<i32>} : memref<4x200x64xf32, #tpu.memory_space<vmem>>, vector<1x1x16xf32>,
        %parallel_loop3A_1089 = arith.constant 2 : i32
        %parallel_loop3A_1090 = arith.index_cast %parallel_loop3A_1089 : i32 to index
        %parallel_loop3A_1091 = arith.index_cast %parallel_loop3A_1040 : i32 to index
        %parallel_loop3A_1092 = arith.constant 48 : index
        %parallel_loop3A_1093 = tpu.vector_load %arg7[%parallel_loop3A_1090, %parallel_loop3A_1091, %parallel_loop3A_1092] {strides = array<i32>} : memref<4x200x64xf32, #tpu.memory_space<vmem>>, vector<1x1x16xf32>,
        %parallel_loop3A_1094 = vector.shape_cast %parallel_loop3A_1093 : vector<1x1x16xf32> to vector<16xf32>
        %parallel_loop3A_1095 = arith.constant 8.000000e+00 : f32
        %parallel_loop3A_1096 = vector.broadcast %parallel_loop3A_1095 : f32 to vector<16xf32>
        %parallel_loop3A_1097 = arith.mulf %parallel_loop3A_1094, %parallel_loop3A_1096 : vector<16xf32>
        %parallel_loop3A_1098 = arith.constant 2 : i32
        %parallel_loop3A_1099 = arith.index_cast %parallel_loop3A_1098 : i32 to index
        %parallel_loop3A_1100 = arith.index_cast %parallel_loop3A_1040 : i32 to index
        %parallel_loop3A_1101 = arith.constant 48 : index
        %parallel_loop3A_1102 = tpu.vector_load %arg7[%parallel_loop3A_1099, %parallel_loop3A_1100, %parallel_loop3A_1101] {strides = array<i32>} : memref<4x200x64xf32, #tpu.memory_space<vmem>>, vector<1x1x16xf32>,
        %parallel_loop3A_1103 = vector.shape_cast %parallel_loop3A_1102 : vector<1x1x16xf32> to vector<16xf32>
        %parallel_loop3A_1104 = vector.shape_cast %parallel_loop3A_1097 : vector<16xf32> to vector<1x1x16xf32>
        tpu.vector_store %arg7[%parallel_loop3A_1099, %parallel_loop3A_1100, %parallel_loop3A_1101], %parallel_loop3A_1104 {strides = array<i32>} : memref<4x200x64xf32, #tpu.memory_space<vmem>>, vector<1x1x16xf32>,
      } {sc.loop_unroll_factor = 4 : i64, sc.parallel_access}
      %parallel_loop3A_1030 = arith.constant 0 : i32
      %parallel_loop3A_1031 = arith.constant 200 : i32
      %parallel_loop3A_1032 = arith.constant 1 : i32
      scf.for %parallel_loop3A_1040 = %parallel_loop3A_1030 to %parallel_loop3A_1031 step %parallel_loop3A_1032  : i32 {
        %parallel_loop3A_1041 = arith.constant 3 : i32
        %parallel_loop3A_1042 = arith.index_cast %parallel_loop3A_1041 : i32 to index
        %parallel_loop3A_1043 = arith.index_cast %parallel_loop3A_1040 : i32 to index
        %parallel_loop3A_1044 = arith.constant 0 : index
        %parallel_loop3A_1045 = tpu.vector_load %arg7[%parallel_loop3A_1042, %parallel_loop3A_1043, %parallel_loop3A_1044] {strides = array<i32>} : memref<4x200x64xf32, #tpu.memory_space<vmem>>, vector<1x1x16xf32>,
        %parallel_loop3A_1046 = vector.shape_cast %parallel_loop3A_1045 : vector<1x1x16xf32> to vector<16xf32>
        %parallel_loop3A_1047 = arith.constant 8.000000e+00 : f32
        %parallel_loop3A_1048 = vector.broadcast %parallel_loop3A_1047 : f32 to vector<16xf32>
        %parallel_loop3A_1049 = arith.mulf %parallel_loop3A_1046, %parallel_loop3A_1048 : vector<16xf32>
        %parallel_loop3A_1050 = arith.constant 3 : i32
        %parallel_loop3A_1051 = arith.index_cast %parallel_loop3A_1050 : i32 to index
        %parallel_loop3A_1052 = arith.index_cast %parallel_loop3A_1040 : i32 to index
        %parallel_loop3A_1053 = arith.constant 0 : index
        %parallel_loop3A_1054 = tpu.vector_load %arg7[%parallel_loop3A_1051, %parallel_loop3A_1052, %parallel_loop3A_1053] {strides = array<i32>} : memref<4x200x64xf32, #tpu.memory_space<vmem>>, vector<1x1x16xf32>,
        %parallel_loop3A_1055 = vector.shape_cast %parallel_loop3A_1054 : vector<1x1x16xf32> to vector<16xf32>
        %parallel_loop3A_1056 = vector.shape_cast %parallel_loop3A_1049 : vector<16xf32> to vector<1x1x16xf32>
        tpu.vector_store %arg7[%parallel_loop3A_1051, %parallel_loop3A_1052, %parallel_loop3A_1053], %parallel_loop3A_1056 {strides = array<i32>} : memref<4x200x64xf32, #tpu.memory_space<vmem>>, vector<1x1x16xf32>,
        %parallel_loop3A_1057 = arith.constant 3 : i32
        %parallel_loop3A_1058 = arith.index_cast %parallel_loop3A_1057 : i32 to index
        %parallel_loop3A_1059 = arith.index_cast %parallel_loop3A_1040 : i32 to index
        %parallel_loop3A_1060 = arith.constant 16 : index
        %parallel_loop3A_1061 = tpu.vector_load %arg7[%parallel_loop3A_1058, %parallel_loop3A_1059, %parallel_loop3A_1060] {strides = array<i32>} : memref<4x200x64xf32, #tpu.memory_space<vmem>>, vector<1x1x16xf32>,
        %parallel_loop3A_1062 = vector.shape_cast %parallel_loop3A_1061 : vector<1x1x16xf32> to vector<16xf32>
        %parallel_loop3A_1063 = arith.constant 8.000000e+00 : f32
        %parallel_loop3A_1064 = vector.broadcast %parallel_loop3A_1063 : f32 to vector<16xf32>
        %parallel_loop3A_1065 = arith.mulf %parallel_loop3A_1062, %parallel_loop3A_1064 : vector<16xf32>
        %parallel_loop3A_1066 = arith.constant 3 : i32
        %parallel_loop3A_1067 = arith.index_cast %parallel_loop3A_1066 : i32 to index
        %parallel_loop3A_1068 = arith.index_cast %parallel_loop3A_1040 : i32 to index
        %parallel_loop3A_1069 = arith.constant 16 : index
        %parallel_loop3A_1070 = tpu.vector_load %arg7[%parallel_loop3A_1067, %parallel_loop3A_1068, %parallel_loop3A_1069] {strides = array<i32>} : memref<4x200x64xf32, #tpu.memory_space<vmem>>, vector<1x1x16xf32>,
        %parallel_loop3A_1071 = vector.shape_cast %parallel_loop3A_1070 : vector<1x1x16xf32> to vector<16xf32>
        %parallel_loop3A_1072 = vector.shape_cast %parallel_loop3A_1065 : vector<16xf32> to vector<1x1x16xf32>
        tpu.vector_store %arg7[%parallel_loop3A_1067, %parallel_loop3A_1068, %parallel_loop3A_1069], %parallel_loop3A_1072 {strides = array<i32>} : memref<4x200x64xf32, #tpu.memory_space<vmem>>, vector<1x1x16xf32>,
        %parallel_loop3A_1073 = arith.constant 3 : i32
        %parallel_loop3A_1074 = arith.index_cast %parallel_loop3A_1073 : i32 to index
        %parallel_loop3A_1075 = arith.index_cast %parallel_loop3A_1040 : i32 to index
        %parallel_loop3A_1076 = arith.constant 32 : index
        %parallel_loop3A_1077 = tpu.vector_load %arg7[%parallel_loop3A_1074, %parallel_loop3A_1075, %parallel_loop3A_1076] {strides = array<i32>} : memref<4x200x64xf32, #tpu.memory_space<vmem>>, vector<1x1x16xf32>,
        %parallel_loop3A_1078 = vector.shape_cast %parallel_loop3A_1077 : vector<1x1x16xf32> to vector<16xf32>
        %parallel_loop3A_1079 = arith.constant 8.000000e+00 : f32
        %parallel_loop3A_1080 = vector.broadcast %parallel_loop3A_1079 : f32 to vector<16xf32>
        %parallel_loop3A_1081 = arith.mulf %parallel_loop3A_1078, %parallel_loop3A_1080 : vector<16xf32>
        %parallel_loop3A_1082 = arith.constant 3 : i32
        %parallel_loop3A_1083 = arith.index_cast %parallel_loop3A_1082 : i32 to index
        %parallel_loop3A_1084 = arith.index_cast %parallel_loop3A_1040 : i32 to index
        %parallel_loop3A_1085 = arith.constant 32 : index
        %parallel_loop3A_1086 = tpu.vector_load %arg7[%parallel_loop3A_1083, %parallel_loop3A_1084, %parallel_loop3A_1085] {strides = array<i32>} : memref<4x200x64xf32, #tpu.memory_space<vmem>>, vector<1x1x16xf32>,
        %parallel_loop3A_1087 = vector.shape_cast %parallel_loop3A_1086 : vector<1x1x16xf32> to vector<16xf32>
        %parallel_loop3A_1088 = vector.shape_cast %parallel_loop3A_1081 : vector<16xf32> to vector<1x1x16xf32>
        tpu.vector_store %arg7[%parallel_loop3A_1083, %parallel_loop3A_1084, %parallel_loop3A_1085], %parallel_loop3A_1088 {strides = array<i32>} : memref<4x200x64xf32, #tpu.memory_space<vmem>>, vector<1x1x16xf32>,
        %parallel_loop3A_1089 = arith.constant 3 : i32
        %parallel_loop3A_1090 = arith.index_cast %parallel_loop3A_1089 : i32 to index
        %parallel_loop3A_1091 = arith.index_cast %parallel_loop3A_1040 : i32 to index
        %parallel_loop3A_1092 = arith.constant 48 : index
        %parallel_loop3A_1093 = tpu.vector_load %arg7[%parallel_loop3A_1090, %parallel_loop3A_1091, %parallel_loop3A_1092] {strides = array<i32>} : memref<4x200x64xf32, #tpu.memory_space<vmem>>, vector<1x1x16xf32>,
        %parallel_loop3A_1094 = vector.shape_cast %parallel_loop3A_1093 : vector<1x1x16xf32> to vector<16xf32>
        %parallel_loop3A_1095 = arith.constant 8.000000e+00 : f32
        %parallel_loop3A_1096 = vector.broadcast %parallel_loop3A_1095 : f32 to vector<16xf32>
        %parallel_loop3A_1097 = arith.mulf %parallel_loop3A_1094, %parallel_loop3A_1096 : vector<16xf32>
        %parallel_loop3A_1098 = arith.constant 3 : i32
        %parallel_loop3A_1099 = arith.index_cast %parallel_loop3A_1098 : i32 to index
        %parallel_loop3A_1100 = arith.index_cast %parallel_loop3A_1040 : i32 to index
        %parallel_loop3A_1101 = arith.constant 48 : index
        %parallel_loop3A_1102 = tpu.vector_load %arg7[%parallel_loop3A_1099, %parallel_loop3A_1100, %parallel_loop3A_1101] {strides = array<i32>} : memref<4x200x64xf32, #tpu.memory_space<vmem>>, vector<1x1x16xf32>,
        %parallel_loop3A_1103 = vector.shape_cast %parallel_loop3A_1102 : vector<1x1x16xf32> to vector<16xf32>
        %parallel_loop3A_1104 = vector.shape_cast %parallel_loop3A_1097 : vector<16xf32> to vector<1x1x16xf32>
        tpu.vector_store %arg7[%parallel_loop3A_1099, %parallel_loop3A_1100, %parallel_loop3A_1101], %parallel_loop3A_1104 {strides = array<i32>} : memref<4x200x64xf32, #tpu.memory_space<vmem>>, vector<1x1x16xf32>,
      } {sc.loop_unroll_factor = 4 : i64, sc.parallel_access}
      %dma_start3A_1033 = arith.constant 0 : i32
      %dma_start3A_1034 = arith.constant 0 : i32
      %dma_start3A_1035 = tpu.memref_slice %arg4[%add3A_535, %dma_start3A_1033, %dma_start3A_1034] : memref<4096x200x64xf32, #tpu.memory_space<hbm>> -> memref<4x200x64xf32, #tpu.memory_space<hbm>>
      %dma_start3A_1036 = arith.constant 0 : i32
      %dma_start3A_1037 = arith.constant 0 : i32
      %dma_start3A_1038 = tpu.memref_slice %arg4[%add3A_535, %dma_start3A_1036, %dma_start3A_1037] : memref<4096x200x64xf32, #tpu.memory_space<hbm>> -> memref<4x200x64xf32, #tpu.memory_space<hbm>>
      tpu.enqueue_dma source(%arg7 : memref<4x200x64xf32, #tpu.memory_space<vmem>>) target(%dma_start3A_1038 : memref<4x200x64xf32, #tpu.memory_space<hbm>>) target_semaphore(%arg10 : memref<!tpu.dma_semaphore, #tpu.memory_space<semaphore_mem>>)
      %scan3A_1039 = arith.constant 0 : i32
      scf.yield %scan3A_1039 : i32
    }
    %scan3A_8 = arith.constant 16 : i32
    %add3A_9 = arith.constant 120 : i32
    %add3A_10 = arith.addi %mul3A_2, %add3A_9 : i32
    %dma_wait3A = arith.constant 0 : i32
    %dma_wait3A_11 = arith.constant 0 : i32
    %dma_wait3A_12 = tpu.memref_slice %arg4[%add3A_10, %dma_wait3A, %dma_wait3A_11] : memref<4096x200x64xf32, #tpu.memory_space<hbm>> -> memref<4x200x64xf32, #tpu.memory_space<hbm>>
    %dma_wait3A_13 = arith.constant 0 : i32
    %dma_wait3A_14 = arith.constant 0 : i32
    %dma_wait3A_15 = tpu.memref_slice %arg4[%add3A_10, %dma_wait3A_13, %dma_wait3A_14] : memref<4096x200x64xf32, #tpu.memory_space<hbm>> -> memref<4x200x64xf32, #tpu.memory_space<hbm>>
    tpu.wait_dma2 semaphore(%arg9 : memref<!tpu.dma_semaphore, #tpu.memory_space<semaphore_mem>>) src(%arg6 : memref<4x200x64xf32, #tpu.memory_space<vmem>>) dst(%dma_wait3A_15 : memref<4x200x64xf32, #tpu.memory_space<hbm>>)
    %add3A_16 = arith.constant 4 : i32
    %add3A_17 = arith.addi %add3A_10, %add3A_16 : i32
    %dma_wait3A_18 = arith.constant 0 : i32
    %dma_wait3A_19 = arith.constant 0 : i32
    %dma_wait3A_20 = tpu.memref_slice %arg4[%add3A_17, %dma_wait3A_18, %dma_wait3A_19] : memref<4096x200x64xf32, #tpu.memory_space<hbm>> -> memref<4x200x64xf32, #tpu.memory_space<hbm>>
    %dma_wait3A_21 = arith.constant 0 : i32
    %dma_wait3A_22 = arith.constant 0 : i32
    %dma_wait3A_23 = tpu.memref_slice %arg4[%add3A_17, %dma_wait3A_21, %dma_wait3A_22] : memref<4096x200x64xf32, #tpu.memory_space<hbm>> -> memref<4x200x64xf32, #tpu.memory_space<hbm>>
    tpu.wait_dma2 semaphore(%arg10 : memref<!tpu.dma_semaphore, #tpu.memory_space<semaphore_mem>>) src(%arg7 : memref<4x200x64xf32, #tpu.memory_space<vmem>>) dst(%dma_wait3A_23 : memref<4x200x64xf32, #tpu.memory_space<hbm>>)
    return
  }
}

</mosaic_0001>

<sc_bundles>
// kernel: kernel.3.cloned.1.call-start
scs
__scs_entry_jumppad:
0x0: {  	(pc) =	sbr.rel $0x88, $3  }
0x1: {  	(tag) =	ssettag $0x0;
	lr =	simm.s32 $0x1  }
0x2: {  	[smem:$0x3F9F] =	sst lr;
	_ =	strace $0xD0000000  }
0x3: {  	_ = 	snop  }
0x4: {  	_ = 	snop  }
0x5: {  	_ = 	snop  }
0x6: {  	_ = 	snop  }
0x7: {  	_ = 	snop  }
__scs_overlays_trampoline_lowered:
0x8: {  	[smem:$0x3FAE] =	sst s0  }
0x9: {  	[smem:$0x3FAF] =	sst s1  }
0xa: {  	[smem:$0x3FB0] =	sst s2  }
0xb: {  	[smem:$0x3FB1] =	sst s3  }
0xc: {  	[smem:$0x3FB2] =	sst s4  }
0xd: {  	[smem:$0x3FB3] =	sst s5  }
0xe: {  	[smem:$0x3FB4] =	sst s6  }
0xf: {  	[smem:$0x3FB5] =	sst s7  }
0x10: {  	[smem:$0x3FB6] =	sst s8  }
0x11: {  	[smem:$0x3FB7] =	sst s9;
	s0 =	simm.s32 @!p0 $0x0  }
0x12: {  	s1 =	sld [smem:$0x3F9D];
	s0 =	simm.s32 @p0 $0x1  }
0x13: {  	[smem:$0x3FB8] =	sst s0;
	s0 =	simm.s32 @!p1 $0x0  }
0x14: {  	s2 =	sld [smem:$0x3F9C];
	s0 =	simm.s32 @p1 $0x1  }
0x15: {  	[smem:$0x3FB9] =	sst s0;
	s0 =	simm.s32 @!p2 $0x0  }
0x16: {  	s3 =	sld [smem:$0x3FDB];
	s0 =	simm.s32 @p2 $0x1  }
0x17: {  	s4 =	simm.s32 $0x1BF5;
	[smem:$0x3FBB] =	sst s0  }
0x18: {  	s0 =	sld [smem:$0x3F9E];
	_ =	swait.ge [sflag:s4], $0x0  }
0x19: {  	s7 =	sld [smem:$0x3F9F]  }
0x1a: {  	s8 =	sadd.s32 $0xFFFFE003, lr  }
0x1b: {  	s9 =	sadd.s32 $0xFFFFFEF7, lr;
	s5 =	simm.s32 $0xFFFFFFFF;
	p2 =	slt.u32 s8, $0xFFFFF086  }
0x1c: {  	p1 =	slt.u32 s9, $0xF7A;
	s5 =	simm.s32 @!p2 $0x0  }
0x1d: {  	s5 =	simm.s32 @p1 $0x1;
	p0 =	seq.s32 s7, s2  }
0x1e: {  	s7 =	smul.u32 @!p0 $0xF7A, s2;
	p2 =	seq.s32 @!p0 s5, $0x0  }
0x1f: {  	s9 =	smul.u32 $0xF7A, s1;
	s8 =	simm.s32 @!p0 $0x1BF5;
	p2 =	por !p2, p0  }
0x20: {  	[sflag:s8] =	ssyncset.s32 @!p0 $0xFFFFF086;
	s6 =	sadd.s32 @!p0 s3, s7;
	s7 =	simm.s32 @!p0 $0x108  }
0x21: {  	s3 =	sadd.s32 s3, s9;
	s6 =	sadd.s32 @!p0 $0x88, s6;
	s7 =	simm.s32 @p2 $0x1082  }
0x22: {  	[simem:s7], [sflag:s8] =	dma.local @!p0 [hbm:s6], $0xF7A  }
0x23: {  	s9 =	sor.u32 $0xD0000000, s2;
	s6 =	simm.s32 $0x108;
	_ =	swait.ge @!p0 [sflag:s8], $0x0  }
0x24: {  	s3 =	sadd.s32 $0x88, s3;
	s6 =	simm.s32 @!p1 $0x1082;
	[sflag:s4] =	ssyncset.s32 $0xFFFFF086  }
0x25: {  	[simem:s6], [sflag:s4] =	dma.local [hbm:s3], $0xF7A  }
0x26: {  	[smem:$0x3F9F] =	sst s1;
	(tag) =	ssettag s2;
	_ =	strace s9  }
0x27: {  	s1 =	sld [smem:$0x3FAF]  }
0x28: {  	s2 =	sld [smem:$0x3FB0]  }
0x29: {  	s4 =	sld [smem:$0x3FB2]  }
0x2a: {  	p0 =	seq.s32 s5, $0x0;
	s5 =	sld [smem:$0x3FB3]  }
0x2b: {  	s6 =	sld [smem:$0x3FB4]  }
0x2c: {  	s7 =	sld [smem:$0x3FB5]  }
0x2d: {  	s3 =	simm.s32 $0x108;
	s8 =	sld [smem:$0x3FB6]  }
0x2e: {  	s3 =	simm.s32 @!p0 $0x1082;
	s9 =	sld [smem:$0x3FB7]  }
0x2f: {  	lr =	sadd.s32 s0, s3;
	s0 =	sld [smem:$0x3FAE]  }
0x30: {  	s3 =	sld [smem:$0x3FB1]  }
0x31: {  	[smem:$0x3FBA] =	sst s10  }
0x32: {  	s10 =	sld [smem:$0x3FB8];
	_ =	sdelay $0x3  }
0x33: {  	p0 =	seq.s32 s10, $0x1;
	s10 =	sld [smem:$0x3FBA];
	_ =	sdelay $0x3  }
0x34: {  	[smem:$0x3FBA] =	sst s10  }
0x35: {  	s10 =	sld [smem:$0x3FB9];
	_ =	sdelay $0x3  }
0x36: {  	p1 =	seq.s32 s10, $0x1;
	s10 =	sld [smem:$0x3FBA];
	_ =	sdelay $0x3  }
0x37: {  	[smem:$0x3FBA] =	sst s10  }
0x38: {  	s10 =	sld [smem:$0x3FBB]  }
0x39: {  	_ = 	snop;
	(pc) =	sbr.ind lr, $3  }
0x3a: {  	_ = 	snop  }
0x3b: {  	_ = 	snop  }
0x3c: {  	p2 =	seq.s32 s10, $0x1;
	s10 =	sld [smem:$0x3FBA]  }
0x3d: {  	_ =	shalt  }
0x3e: {  	_ =	shalt  }
0x3f: {  	_ =	shalt  }
0x40: {  	_ =	shalt  }
0x41: {  	_ =	shalt  }
0x42: {  	_ =	shalt  }
0x43: {  	_ =	shalt  }
0x44: {  	_ =	shalt  }
0x45: {  	_ =	shalt  }
0x46: {  	_ =	shalt  }
0x47: {  	_ =	shalt  }
0x48: {  	_ =	shalt  }
0x49: {  	_ =	shalt  }
0x4a: {  	_ =	shalt  }
0x4b: {  	_ =	shalt  }
0x4c: {  	_ =	shalt  }
0x4d: {  	_ =	shalt  }
0x4e: {  	_ =	shalt  }
0x4f: {  	_ =	shalt  }
0x50: {  	_ =	shalt  }
0x51: {  	_ =	shalt  }
0x52: {  	_ =	shalt  }
0x53: {  	_ =	shalt  }
0x54: {  	_ =	shalt  }
0x55: {  	_ =	shalt  }
0x56: {  	_ =	shalt  }
0x57: {  	_ =	shalt  }
0x58: {  	_ =	shalt  }
0x59: {  	_ =	shalt  }
0x5a: {  	_ =	shalt  }
0x5b: {  	_ =	shalt  }
0x5c: {  	_ =	shalt  }
0x5d: {  	_ =	shalt  }
0x5e: {  	_ =	shalt  }
0x5f: {  	_ =	shalt  }
0x60: {  	_ =	shalt  }
0x61: {  	_ =	shalt  }
0x62: {  	_ =	shalt  }
0x63: {  	_ =	shalt  }
0x64: {  	_ =	shalt  }
0x65: {  	_ =	shalt  }
0x66: {  	_ =	shalt  }
0x67: {  	_ =	shalt  }
0x68: {  	_ =	shalt  }
0x69: {  	_ =	shalt  }
0x6a: {  	_ =	shalt  }
0x6b: {  	_ =	shalt  }
0x6c: {  	_ =	shalt  }
0x6d: {  	_ =	shalt  }
0x6e: {  	_ =	shalt  }
0x6f: {  	_ =	shalt  }
0x70: {  	_ =	shalt  }
0x71: {  	_ =	shalt  }
0x72: {  	_ =	shalt  }
0x73: {  	_ =	shalt  }
0x74: {  	_ =	shalt  }
0x75: {  	_ =	shalt  }
0x76: {  	_ =	shalt  }
0x77: {  	_ =	shalt  }
0x78: {  	_ =	shalt  }
0x79: {  	_ =	shalt  }
0x7a: {  	_ =	shalt  }
0x7b: {  	_ =	shalt  }
0x7c: {  	_ =	shalt  }
0x7d: {  	_ =	shalt  }
0x7e: {  	_ =	shalt  }
0x7f: {  	_ =	shalt  }
0x80: {  	_ =	shalt  }
0x81: {  	_ =	shalt  }
0x82: {  	_ =	shalt  }
0x83: {  	_ =	shalt  }
0x84: {  	_ =	shalt  }
0x85: {  	_ =	shalt  }
0x86: {  	_ =	shalt  }
0x87: {  	_ =	shalt  }
.Lfunc_end0:
.L_simem_size_0:
called_computation.1_lowered:
.L_overlay_start_0:
0x88: {  	s2 =	sld [smem:$0x3FD9]  }
0x89: {  	s3 =	sld [smem:$0x3FFE];
	_ =	sdelay $0x1  }
0x8a: {  	s1 =	srdreg.scid  }
0x8b: {  	s0 =	sand.u32 $0x1, s1  }
0x8c: {  	s17 =	sshll.u32 s0, $0xA;
	s2 =	sadd.s32 s3, s2  }
0x8d: {  	s2 =	sadd.s32 s2, s17  }
0x8e: {  	[smem:$0x3FC6] =	sst s2  }
0x8f: {  	_ = 	snop  }
0x90: {  	s2 =	sld [smem:$0x3FD0];
	(tm) =	ssettm $0x1  }
0x91: {  	s18 =	sld [smem:$0x3FFB];
	_ =	sdelay $0x3  }
0x92: {  	_ =	strace s18  }
0x93: {  	s3 =	sld [smem:$0x3FFC];
	_ =	sdelay $0x3  }
0x94: {  	_ =	strace s3  }
0x95: {  	s3 =	sld [smem:$0x3FFD];
	_ =	sdelay $0x3  }
0x96: {  	_ =	strace s3  }
0x97: {  	_ =	strace $0x8FFFFFFF  }
0x98: {  	s19 =	sld [smem:$0x3FDB];
	_ =	sdelay $0x1  }
0x99: {  	s4 =	simm.s32 $_scs_section_size  }
0x9a: {  	s5 =	simm.s32 $_size__tile_overlayer_lowered;
	s6 =	simm.s32 $_tile_overlayer_lowered  }
0x9b: {  	s22 =	simm.s32 $0x1BFF;
	s21 =	sshll.u32 s6, $0x1;
	s3 =	sadd.s32 s4, s19  }
0x9c: {  	s7 =	simm.s32 $0x0;
	s20 =	sshll.u32 s5, $0x1;
	s5 =	sadd.s32 s21, s3  }
0x9d: {  	[timem:s7], [sflag:s22] =	dma.local [hbm:s5], s20  }
0x9e: {  	_ =	swait.ge [sflag:s22], s20  }
0x9f: {  	s4 =	ssub.s32 $0x0, s20;
	[sflag:s22] =	ssyncset.done $0x0  }
0xa0: {  	[sflag:s22] =	ssyncadd.s32 s4;
	_ =	sdelay $0x1  }
0xa1: {  	s23 =	simm.s32 $0x1B8B  }
0xa2: {  	_ =	swait.ge [sflag:s23], $0x1  }
0xa3: {  	[sflag:s23] =	ssyncset.done $0x0  }
0xa4: {  	s25 =	simm.s32 $0x1B8E;
	s24 =	sld [smem:$0x3FFE];
	[sflag:s23] =	ssyncadd.s32 $0xFFFFFFFF  }
0xa5: {  	s26 =	simm.s32 $execute0_lowered;
	[smem:$0x3FD2] =	sst s25  }
0xa6: {  	s5 =	sshll.u32 s26, $0x1;
	_ =	strace $0x80000046;
	[dreg:$0x1] =	wrdreg $0xFFFFFFFF  }
0xa7: {  	s28 =	simm.s32 $_size_execute0_lowered;
	s3 =	sadd.s32 s3, s5;
	[dreg:$0x0] =	wrdreg $0x0  }
0xa8: {  	s5 =	sshll.u32 s28, $0x1;
	[dreg:$0x2] =	wrdreg s3  }
0xa9: {  	[dreg:$0x3] =	wrdreg s5  }
0xaa: {  	[dreg:$0x4] =	wrdreg $0xC0  }
0xab: {  	_ =	task [dreg:s7], $0x5FFFF  }
0xac: {  	[dreg:$0x1] =	wrdreg $0xFFFFFFFF  }
0xad: {  	[dreg:$0x0] =	wrdreg $0x60  }
0xae: {  	[dreg:$0x2] =	wrdreg s24  }
0xaf: {  	[dreg:$0x3] =	wrdreg s2  }
0xb0: {  	[dreg:$0x4] =	wrdreg $0x9  }
0xb1: {  	_ =	task.clear_ibuf [dreg:s7], $0x5FFFF;
	_ =	strace $0x90000046  }
0xb2: {  	s29 =	simm.s32 $0x9;
	_ =	strace $0x80000048  }
0xb3: {  	_ =	swait.ge [sflag:s29], $0x1  }
0xb4: {  	[sflag:s29] =	ssyncadd.s32 $0xFFFFFFFF  }
0xb5: {  	_ =	strace $0x90000048  }
0xb6: {  	_ =	sfence  }
0xb7: {  	s30 =	sld [smem:$0x0];
	_ =	sdelay $0x2  }
0xb8: {  	s31 =	sshll.u32 s1, $0xD;
	s1 =	sshrl.u32 s1, $0x2  }
0xb9: {  	s3 =	sand.u32 $0x4000, s31;
	s1 =	sadd.s32 s1, s30  }
0xba: {  	s0 =	sor.u32 s3, s0;
	s1 =	sshll.u32 s1, $0x11  }
0xbb: {  	s0 =	sor.u32 s1, s0  }
0xbc: {  	s0 =	sadd.s32 $0x8F2B, s0  }
0xbd: {  	[sflag:s0] =	ssyncadd.remote.s32 $0x1  }
0xbe: {  	_ =	sfence.sel $0xFFFF  }
0xbf: {  	[dreg:$0x0] =	wrdreg $0xFFFFFFFF;
	(pc) =	sbr.abs _section_cstart, $3  }
0xc0: {  	[dreg:$0x1] =	wrdreg $0xFFFFFFFF  }
0xc1: {  	_ =	task.clear_ibuf [dreg:s7], $0x2FFFF;
	_ =	strace $0x9FFFFFFF  }
0xc2: {  	(tm) =	ssettm $0x7FFFFFFF  }
0xc3: {  	_ =	shalt  }
tec
execute0_lowered:
.L_overlay_start_1:
0x0: {  	(tag) =	ssettag $0x1  }
0x1: {  	s0 =	rddreg [dreg:$0x0];
	s2 =	simm.s32 $0x0  }
0x2: {  	s1 =	srdreg.scid;
	s6 =	stileid.u32;
	s8 =	simm.s32 $0x4  }
0x3: {  	s9 =	simm.s32 $0x28;
	s12 =	simm.s32 $0x50;
	s14 =	simm.s32 $0x78  }
0x4: {  	s16 =	simm.s32 $0xA0;
	s18 =	simm.s32 $0xC8;
	s20 =	simm.s32 $0xF0  }
0x5: {  	s22 =	simm.s32 $0x118;
	s24 =	simm.s32 $0x140;
	s29 =	simm.s32 $0x190  }
0x6: {  	s31 =	simm.s32 $0x1B8;
	s11 =	simm.s32 $0x208;
	s15 =	simm.s32 $0x230  }
0x7: {  	s19 =	simm.s32 $0x258;
	s23 =	simm.s32 $0x280;
	s28 =	simm.s32 $0x2A8  }
0x8: {  	s13 =	simm.s32 $0x2F8;
	s21 =	simm.s32 $0x1;
	s25 =	simm.s32 $0xCB20  }
0x9: {  	s7 =	simm.s32 $0x0;
	[smem:$0x7FF] =	sst s2;
	s1 =	sand.u32 $0x1, s1  }
0xa: {  	s4 =	sadd.s32 $0xA00, s0;
	s5 =	sadd.s32 $0xF42E00, s0;
	s3 =	ssub.s32 $0x2, s1  }
0xb: {  	s30 =	sshll.u32 s6, $0x8;
	s1 =	sshll.u32 s1, $0x7;
	s26 =	sshrl.u32 s3, $0x1  }
0xc: {  	_ =	strace $0x80000047;
	s1 =	sor.u32 s1, s30;
	s0 =	ssub.s32 s3, s26  }
0xd: {  	[dreg:$0x3] =	wrdreg s1;
	s26 =	simm.s32 $0x168;
	s0 =	smax.u32 s0, $0x1  }
0xe: {  	s3 =	simm.s32 $0x1E0;
	[dreg:$0x4] =	wrdreg s0;
	s0 =	simm.s32 $0x2D0  }
.LBB2_1:
0xf: {  	[dreg:$0x5] =	wrdreg s7;
	s7 =	simm.s32 $0x0  }
.LBB2_2:
0x10: {  	s1 =	sshll.u32 s7, $0x3;
	p0 =	seq.s32 s7, $0x0;
	s6 =	rddreg [dreg:$0x3]  }
0x11: {  	s17 =	sor.u32 s6, s1;
	s1 =	simm.s32 @!p0 $0x2  }
0x12: {  	_ =	swait.ge @!p0 [sflag:s1], $0xC800;
	s6 =	smul.u32 $0x19, s17  }
0x13: {  	[sflag:s1] =	ssyncset.done @!p0 $0x0  }
0x14: {  	[sflag:s1] =	ssyncadd.s32 @!p0 $0xFFFF3800;
	s10 =	sadd.s32 s4, s6  }
0x15: {  	[tilespmem:s2], [sflag:$0x4] =	stream.linear.gather [hbm4b:s10+s2], $0x320, $0x38;
	[tilespmem:$0x19320] =	vst v63  }
0x16: {  	_ =	swait.ge [sflag:s8], $0x320  }
0x17: {  	[sflag:s8] =	ssyncset.done $0x0  }
0x18: {  	s6 =	simm.s32 $0x320;
	[sflag:s8] =	ssyncadd.s32 $0xFFFFFCE0  }
0x19: {  	[tilespmem:s6], [sflag:$0x1] =	stream.indirect.gather [hbm4b:s5+s9], $0x40, s2, s9, $0xb8;
	[tilespmem:$0x19320] =	vst v63  }
0x1a: {  	s10 =	simm.s32 $0xD20  }
0x1b: {  	[tilespmem:s10], [sflag:$0x1] =	stream.indirect.gather [hbm4b:s5+s9], $0x40, s9, s9, $0xb8;
	[tilespmem:$0x19320] =	vst v63  }
0x1c: {  	s6 =	simm.s32 $0x1720  }
0x1d: {  	[tilespmem:s6], [sflag:$0x1] =	stream.indirect.gather [hbm4b:s5+s9], $0x40, s12, s9, $0xb8;
	[tilespmem:$0x19320] =	vst v63  }
0x1e: {  	s10 =	simm.s32 $0x2120  }
0x1f: {  	[tilespmem:s10], [sflag:$0x1] =	stream.indirect.gather [hbm4b:s5+s9], $0x40, s14, s9, $0xb8;
	[tilespmem:$0x19320] =	vst v63  }
0x20: {  	s6 =	simm.s32 $0x2B20  }
0x21: {  	[tilespmem:s6], [sflag:$0x1] =	stream.indirect.gather [hbm4b:s5+s9], $0x40, s16, s9, $0xb8;
	[tilespmem:$0x19320] =	vst v63  }
0x22: {  	s10 =	simm.s32 $0x3520  }
0x23: {  	[tilespmem:s10], [sflag:$0x1] =	stream.indirect.gather [hbm4b:s5+s9], $0x40, s18, s9, $0xb8;
	[tilespmem:$0x19320] =	vst v63  }
0x24: {  	s6 =	simm.s32 $0x3F20  }
0x25: {  	[tilespmem:s6], [sflag:$0x1] =	stream.indirect.gather [hbm4b:s5+s9], $0x40, s20, s9, $0xb8;
	[tilespmem:$0x19320] =	vst v63  }
0x26: {  	s10 =	simm.s32 $0x4920  }
0x27: {  	[tilespmem:s10], [sflag:$0x1] =	stream.indirect.gather [hbm4b:s5+s9], $0x40, s22, s9, $0xb8;
	[tilespmem:$0x19320] =	vst v63  }
0x28: {  	s6 =	simm.s32 $0x5320  }
0x29: {  	[tilespmem:s6], [sflag:$0x1] =	stream.indirect.gather [hbm4b:s5+s9], $0x40, s24, s9, $0xb8;
	[tilespmem:$0x19320] =	vst v63  }
0x2a: {  	s10 =	simm.s32 $0x5D20  }
0x2b: {  	[tilespmem:s10], [sflag:$0x1] =	stream.indirect.gather [hbm4b:s5+s9], $0x40, s26, s9, $0xb8;
	[tilespmem:$0x19320] =	vst v63  }
0x2c: {  	s6 =	simm.s32 $0x6720  }
0x2d: {  	[tilespmem:s6], [sflag:$0x1] =	stream.indirect.gather [hbm4b:s5+s9], $0x40, s29, s9, $0xb8;
	[tilespmem:$0x19320] =	vst v63  }
0x2e: {  	s10 =	simm.s32 $0x7120  }
0x2f: {  	[tilespmem:s10], [sflag:$0x1] =	stream.indirect.gather [hbm4b:s5+s9], $0x40, s31, s9, $0xb8;
	[tilespmem:$0x19320] =	vst v63  }
0x30: {  	s6 =	simm.s32 $0x7B20  }
0x31: {  	[tilespmem:s6], [sflag:$0x1] =	stream.indirect.gather [hbm4b:s5+s9], $0x40, s3, s9, $0xb8;
	[tilespmem:$0x19320] =	vst v63  }
0x32: {  	s10 =	simm.s32 $0x8520  }
0x33: {  	[tilespmem:s10], [sflag:$0x1] =	stream.indirect.gather [hbm4b:s5+s9], $0x40, s11, s9, $0xb8;
	[tilespmem:$0x19320] =	vst v63  }
0x34: {  	s6 =	simm.s32 $0x8F20  }
0x35: {  	[tilespmem:s6], [sflag:$0x1] =	stream.indirect.gather [hbm4b:s5+s9], $0x40, s15, s9, $0xb8;
	[tilespmem:$0x19320] =	vst v63  }
0x36: {  	s10 =	simm.s32 $0x9920  }
0x37: {  	[tilespmem:s10], [sflag:$0x1] =	stream.indirect.gather [hbm4b:s5+s9], $0x40, s19, s9, $0xb8;
	[tilespmem:$0x19320] =	vst v63  }
0x38: {  	s6 =	simm.s32 $0xA320  }
0x39: {  	[tilespmem:s6], [sflag:$0x1] =	stream.indirect.gather [hbm4b:s5+s9], $0x40, s23, s9, $0xb8;
	[tilespmem:$0x19320] =	vst v63  }
0x3a: {  	s10 =	simm.s32 $0xAD20  }
0x3b: {  	[tilespmem:s10], [sflag:$0x1] =	stream.indirect.gather [hbm4b:s5+s9], $0x40, s28, s9, $0xb8;
	[tilespmem:$0x19320] =	vst v63  }
0x3c: {  	s6 =	simm.s32 $0xB720  }
0x3d: {  	[tilespmem:s6], [sflag:$0x1] =	stream.indirect.gather [hbm4b:s5+s9], $0x40, s0, s9, $0xb8;
	[tilespmem:$0x19320] =	vst v63  }
0x3e: {  	s10 =	simm.s32 $0xC120  }
0x3f: {  	[tilespmem:s10], [sflag:$0x1] =	stream.indirect.gather [hbm4b:s5+s9], $0x40, s13, s9, $0xb8;
	[tilespmem:$0x19320] =	vst v63  }
0x40: {  	_ =	swait.ge [sflag:s21], $0xA00  }
0x41: {  	[sflag:s21] =	ssyncset.done $0x0  }
0x42: {  	[sflag:s21] =	ssyncadd.s32 $0xFFFFF600  }
0x43: {  	_ =	swait.ge [sflag:s21], $0xA00  }
0x44: {  	[sflag:s21] =	ssyncset.done $0x0  }
0x45: {  	[sflag:s21] =	ssyncadd.s32 $0xFFFFF600  }
0x46: {  	_ =	swait.ge [sflag:s21], $0xA00  }
0x47: {  	[sflag:s21] =	ssyncset.done $0x0  }
0x48: {  	[sflag:s21] =	ssyncadd.s32 $0xFFFFF600  }
0x49: {  	_ =	swait.ge [sflag:s21], $0xA00  }
0x4a: {  	[sflag:s21] =	ssyncset.done $0x0  }
0x4b: {  	[sflag:s21] =	ssyncadd.s32 $0xFFFFF600  }
0x4c: {  	_ =	swait.ge [sflag:s21], $0xA00  }
0x4d: {  	[sflag:s21] =	ssyncset.done $0x0  }
0x4e: {  	[sflag:s21] =	ssyncadd.s32 $0xFFFFF600  }
0x4f: {  	_ =	swait.ge [sflag:s21], $0xA00  }
0x50: {  	[sflag:s21] =	ssyncset.done $0x0  }
0x51: {  	[sflag:s21] =	ssyncadd.s32 $0xFFFFF600  }
0x52: {  	_ =	swait.ge [sflag:s21], $0xA00  }
0x53: {  	[sflag:s21] =	ssyncset.done $0x0  }
0x54: {  	[sflag:s21] =	ssyncadd.s32 $0xFFFFF600  }
0x55: {  	_ =	swait.ge [sflag:s21], $0xA00  }
0x56: {  	[sflag:s21] =	ssyncset.done $0x0  }
0x57: {  	[sflag:s21] =	ssyncadd.s32 $0xFFFFF600  }
0x58: {  	_ =	swait.ge [sflag:s21], $0xA00  }
0x59: {  	[sflag:s21] =	ssyncset.done $0x0  }
0x5a: {  	[sflag:s21] =	ssyncadd.s32 $0xFFFFF600  }
0x5b: {  	_ =	swait.ge [sflag:s21], $0xA00  }
0x5c: {  	[sflag:s21] =	ssyncset.done $0x0  }
0x5d: {  	[sflag:s21] =	ssyncadd.s32 $0xFFFFF600  }
0x5e: {  	_ =	swait.ge [sflag:s21], $0xA00  }
0x5f: {  	[sflag:s21] =	ssyncset.done $0x0  }
0x60: {  	[sflag:s21] =	ssyncadd.s32 $0xFFFFF600  }
0x61: {  	_ =	swait.ge [sflag:s21], $0xA00  }
0x62: {  	[sflag:s21] =	ssyncset.done $0x0  }
0x63: {  	[sflag:s21] =	ssyncadd.s32 $0xFFFFF600  }
0x64: {  	_ =	swait.ge [sflag:s21], $0xA00  }
0x65: {  	[sflag:s21] =	ssyncset.done $0x0  }
0x66: {  	[sflag:s21] =	ssyncadd.s32 $0xFFFFF600  }
0x67: {  	_ =	swait.ge [sflag:s21], $0xA00  }
0x68: {  	[sflag:s21] =	ssyncset.done $0x0  }
0x69: {  	[sflag:s21] =	ssyncadd.s32 $0xFFFFF600  }
0x6a: {  	_ =	swait.ge [sflag:s21], $0xA00  }
0x6b: {  	[sflag:s21] =	ssyncset.done $0x0  }
0x6c: {  	[sflag:s21] =	ssyncadd.s32 $0xFFFFF600  }
0x6d: {  	_ =	swait.ge [sflag:s21], $0xA00  }
0x6e: {  	[sflag:s21] =	ssyncset.done $0x0  }
0x6f: {  	[sflag:s21] =	ssyncadd.s32 $0xFFFFF600  }
0x70: {  	_ =	swait.ge [sflag:s21], $0xA00  }
0x71: {  	[sflag:s21] =	ssyncset.done $0x0  }
0x72: {  	[sflag:s21] =	ssyncadd.s32 $0xFFFFF600  }
0x73: {  	_ =	swait.ge [sflag:s21], $0xA00  }
0x74: {  	[sflag:s21] =	ssyncset.done $0x0  }
0x75: {  	[sflag:s21] =	ssyncadd.s32 $0xFFFFF600  }
0x76: {  	_ =	swait.ge [sflag:s21], $0xA00  }
0x77: {  	[sflag:s21] =	ssyncset.done $0x0  }
0x78: {  	[sflag:s21] =	ssyncadd.s32 $0xFFFFF600  }
0x79: {  	_ =	swait.ge [sflag:s21], $0xA00  }
0x7a: {  	[sflag:s21] =	ssyncset.done $0x0  }
0x7b: {  	s1 =	simm.s32 $0x3A0;
	[sflag:s21] =	ssyncadd.s32 $0xFFFFF600  }
0x7c: {  	v0 =	vld [tilespmem:s1+$0x70]  }
0x7d: {  	v1 =	vld [tilespmem:s1+$0xFFFFFF90]  }
0x7e: {  	v2 =	vld [tilespmem:s1+$0xFFFFFFA0]  }
0x7f: {  	v3 =	vld [tilespmem:s1+$0xFFFFFFB0]  }
0x80: {  	v4 =	vld [tilespmem:s1+$0xFFFFFFC0]  }
0x81: {  	v5 =	vld [tilespmem:s1+$0xFFFFFFD0];
	v0 =	vmul.f32 $8.000000000e+00, v0  }
0x82: {  	v6 =	vld [tilespmem:s1+$0xFFFFFFE0];
	v1 =	vmul.f32 $8.000000000e+00, v1  }
0x83: {  	v7 =	vld [tilespmem:s1+$0xFFFFFFF0];
	v2 =	vmul.f32 $8.000000000e+00, v2;
	[tilespmem:s1+$0x70] =	vst v0  }
0x84: {  	[tilespmem:s1+$0xFFFFFF90] =	vst v1;
	v0 =	vmul.f32 $8.000000000e+00, v3;
	v3 =	vld [tilespmem:s1+$0x0]  }
0x85: {  	[tilespmem:s1+$0xFFFFFFA0] =	vst v2;
	v1 =	vmul.f32 $8.000000000e+00, v4;
	v4 =	vld [tilespmem:s1+$0x10]  }
0x86: {  	v8 =	vld [tilespmem:s1+$0x20];
	v2 =	vmul.f32 $8.000000000e+00, v5;
	[tilespmem:s1+$0xFFFFFFB0] =	vst v0  }
0x87: {  	v5 =	vmul.f32 $8.000000000e+00, v6;
	[tilespmem:s1+$0xFFFFFFC0] =	vst v1;
	v0 =	vld [tilespmem:s1+$0x30]  }
0x88: {  	v6 =	vmul.f32 $8.000000000e+00, v7;
	[tilespmem:s1+$0xFFFFFFD0] =	vst v2;
	v1 =	vld [tilespmem:s1+$0x40]  }
0x89: {  	[tilespmem:s1+$0xFFFFFFE0] =	vst v5;
	v2 =	vld [tilespmem:s1+$0x50];
	v7 =	vmul.f32 $8.000000000e+00, v3  }
0x8a: {  	[tilespmem:s1+$0xFFFFFFF0] =	vst v6;
	v3 =	vld [tilespmem:s1+$0x60];
	v5 =	vmul.f32 $8.000000000e+00, v4  }
0x8b: {  	s30 =	simm.s32 $0x3610;
	s6 =	simm.s32 $0x0;
	s10 =	simm.s32 $0x4A0;
	v6 =	vmul.f32 $8.000000000e+00, v8;
	v4 =	vld [tilespmem:s1+$0xFFFFFF80];
	[tilespmem:s1+$0x0] =	vst v7  }
.LBB2_3:
0x8c: {  	v7 =	vld [tilespmem:s10+$0x70];
	s6 =	sadd.s32 $0x4, s6;
	[tilespmem:s1+$0x10] =	vst v5;
	v0 =	vmul.f32 $8.000000000e+00, v0  }
0x8d: {  	v5 =	vld [tilespmem:s10+$0xFFFFFF90];
	p1 =	slt.u32 s6, $0xC4;
	[tilespmem:s1+$0x20] =	vst v6;
	v1 =	vmul.f32 $8.000000000e+00, v1  }
0x8e: {  	v6 =	vld [tilespmem:s10+$0xFFFFFFA0];
	[tilespmem:s1+$0x30] =	vst v0;
	v0 =	vmul.f32 $8.000000000e+00, v2  }
0x8f: {  	v2 =	vld [tilespmem:s10+$0xFFFFFFB0];
	[tilespmem:s1+$0x40] =	vst v1;
	v1 =	vmul.f32 $8.000000000e+00, v3  }
0x90: {  	v3 =	vld [tilespmem:s10+$0xFFFFFFC0];
	v4 =	vmul.f32 $8.000000000e+00, v4;
	[tilespmem:s1+$0x50] =	vst v0  }
0x91: {  	v0 =	vld [tilespmem:s10+$0xFFFFFFD0];
	v7 =	vmul.f32 $8.000000000e+00, v7;
	[tilespmem:s1+$0x60] =	vst v1  }
0x92: {  	v1 =	vmul.f32 $8.000000000e+00, v5;
	v5 =	vld [tilespmem:s10+$0xFFFFFFE0];
	[tilespmem:s1+$0xFFFFFF80] =	vst v4;
	s1 =	smov.u32 s10  }
0x93: {  	v4 =	vmul.f32 $8.000000000e+00, v6;
	v6 =	vld [tilespmem:s10+$0xFFFFFFF0];
	[tilespmem:s10+$0x70] =	vst v7  }
0x94: {  	[tilespmem:s10+$0xFFFFFF90] =	vst v1;
	v1 =	vmul.f32 $8.000000000e+00, v2;
	v2 =	vld [tilespmem:s10+$0x0]  }
0x95: {  	[tilespmem:s10+$0xFFFFFFA0] =	vst v4;
	v3 =	vmul.f32 $8.000000000e+00, v3;
	v4 =	vld [tilespmem:s10+$0x10]  }
0x96: {  	[tilespmem:s10+$0xFFFFFFB0] =	vst v1;
	v1 =	vmul.f32 $8.000000000e+00, v0;
	v7 =	vld [tilespmem:s10+$0x20]  }
.Ltmp0:
0x97: {  	[tilespmem:s10+$0xFFFFFFC0] =	vst v3;
	v3 =	vmul.f32 $8.000000000e+00, v5;
	v0 =	vld [tilespmem:s10+$0x30];
	(pc) =	sbr.rel @p1 .LBB2_3-.Ltmp0, $4  }
0x98: {  	[tilespmem:s10+$0xFFFFFFD0] =	vst v1;
	v5 =	vmul.f32 $8.000000000e+00, v6;
	v1 =	vld [tilespmem:s10+$0x40]  }
0x99: {  	[tilespmem:s10+$0xFFFFFFE0] =	vst v3;
	v6 =	vmul.f32 $8.000000000e+00, v2;
	v2 =	vld [tilespmem:s10+$0x50]  }
0x9a: {  	[tilespmem:s10+$0xFFFFFFF0] =	vst v5;
	v5 =	vmul.f32 $8.000000000e+00, v4;
	v3 =	vld [tilespmem:s10+$0x60]  }
0x9b: {  	s10 =	sadd.s32 $0x100, s10;
	v4 =	vld [tilespmem:s1+$0xFFFFFF80];
	[tilespmem:s1+$0x0] =	vst v6;
	v6 =	vmul.f32 $8.000000000e+00, v7  }
0x9c: {  	[tilespmem:s1+$0x10] =	vst v5;
	v0 =	vmul.f32 $8.000000000e+00, v0  }
0x9d: {  	[tilespmem:s1+$0x20] =	vst v6;
	v1 =	vmul.f32 $8.000000000e+00, v1  }
0x9e: {  	[tilespmem:s1+$0x30] =	vst v0;
	v0 =	vmul.f32 $8.000000000e+00, v2  }
0x9f: {  	[tilespmem:s1+$0x40] =	vst v1;
	v1 =	vmul.f32 $8.000000000e+00, v3  }
0xa0: {  	v2 =	vmul.f32 $8.000000000e+00, v4;
	[tilespmem:s1+$0x50] =	vst v0  }
0xa1: {  	[tilespmem:s1+$0x60] =	vst v1  }
0xa2: {  	[tilespmem:s1+$0xFFFFFF80] =	vst v2  }
0xa3: {  	v0 =	vld [tilespmem:s30+$0x0]  }
0xa4: {  	v1 =	vld [tilespmem:s30+$0xFFFFFF20]  }
0xa5: {  	v2 =	vld [tilespmem:s30+$0xFFFFFF30]  }
0xa6: {  	v3 =	vld [tilespmem:s30+$0xFFFFFF40]  }
0xa7: {  	v4 =	vld [tilespmem:s30+$0xFFFFFF50]  }
0xa8: {  	v5 =	vld [tilespmem:s30+$0xFFFFFF60];
	v0 =	vmul.f32 $8.000000000e+00, v0  }
0xa9: {  	v6 =	vld [tilespmem:s30+$0xFFFFFF70];
	v1 =	vmul.f32 $8.000000000e+00, v1  }
0xaa: {  	v7 =	vld [tilespmem:s30+$0xFFFFFF80];
	v2 =	vmul.f32 $8.000000000e+00, v2;
	[tilespmem:s30+$0x0] =	vst v0  }
0xab: {  	[tilespmem:s30+$0xFFFFFF20] =	vst v1;
	v0 =	vmul.f32 $8.000000000e+00, v3;
	v3 =	vld [tilespmem:s30+$0xFFFFFF90]  }
0xac: {  	[tilespmem:s30+$0xFFFFFF30] =	vst v2;
	v1 =	vmul.f32 $8.000000000e+00, v4;
	v4 =	vld [tilespmem:s30+$0xFFFFFFA0]  }
0xad: {  	v8 =	vld [tilespmem:s30+$0xFFFFFFB0];
	v2 =	vmul.f32 $8.000000000e+00, v5;
	[tilespmem:s30+$0xFFFFFF40] =	vst v0  }
0xae: {  	v5 =	vmul.f32 $8.000000000e+00, v6;
	[tilespmem:s30+$0xFFFFFF50] =	vst v1;
	v0 =	vld [tilespmem:s30+$0xFFFFFFC0]  }
0xaf: {  	v6 =	vmul.f32 $8.000000000e+00, v7;
	[tilespmem:s30+$0xFFFFFF60] =	vst v2;
	v1 =	vld [tilespmem:s30+$0xFFFFFFD0]  }
0xb0: {  	[tilespmem:s30+$0xFFFFFF70] =	vst v5;
	v2 =	vld [tilespmem:s30+$0xFFFFFFE0];
	v7 =	vmul.f32 $8.000000000e+00, v3  }
0xb1: {  	[tilespmem:s30+$0xFFFFFF80] =	vst v6;
	v3 =	vld [tilespmem:s30+$0xFFFFFFF0];
	v5 =	vmul.f32 $8.000000000e+00, v4  }
0xb2: {  	s6 =	simm.s32 $0x0;
	s10 =	simm.s32 $0x3710;
	v6 =	vmul.f32 $8.000000000e+00, v8;
	v4 =	vld [tilespmem:s30+$0xFFFFFF10];
	[tilespmem:s30+$0xFFFFFF90] =	vst v7  }
.LBB2_5:
0xb3: {  	v7 =	vld [tilespmem:s10+$0x0];
	s6 =	sadd.s32 $0x4, s6;
	[tilespmem:s30+$0xFFFFFFA0] =	vst v5;
	v0 =	vmul.f32 $8.000000000e+00, v0  }
0xb4: {  	v5 =	vld [tilespmem:s10+$0xFFFFFF20];
	p1 =	slt.u32 s6, $0xC4;
	[tilespmem:s30+$0xFFFFFFB0] =	vst v6;
	v1 =	vmul.f32 $8.000000000e+00, v1  }
0xb5: {  	v6 =	vld [tilespmem:s10+$0xFFFFFF30];
	[tilespmem:s30+$0xFFFFFFC0] =	vst v0;
	v0 =	vmul.f32 $8.000000000e+00, v2  }
0xb6: {  	v2 =	vld [tilespmem:s10+$0xFFFFFF40];
	[tilespmem:s30+$0xFFFFFFD0] =	vst v1;
	v1 =	vmul.f32 $8.000000000e+00, v3  }
0xb7: {  	v3 =	vld [tilespmem:s10+$0xFFFFFF50];
	v4 =	vmul.f32 $8.000000000e+00, v4;
	[tilespmem:s30+$0xFFFFFFE0] =	vst v0  }
0xb8: {  	v0 =	vld [tilespmem:s10+$0xFFFFFF60];
	v7 =	vmul.f32 $8.000000000e+00, v7;
	[tilespmem:s30+$0xFFFFFFF0] =	vst v1  }
0xb9: {  	v1 =	vmul.f32 $8.000000000e+00, v5;
	v5 =	vld [tilespmem:s10+$0xFFFFFF70];
	[tilespmem:s30+$0xFFFFFF10] =	vst v4;
	s30 =	smov.u32 s10  }
0xba: {  	s1 =	simm.s32 $0x6720;
	v4 =	vmul.f32 $8.000000000e+00, v6;
	v6 =	vld [tilespmem:s10+$0xFFFFFF80];
	[tilespmem:s10+$0x0] =	vst v7  }
0xbb: {  	[tilespmem:s10+$0xFFFFFF20] =	vst v1;
	v1 =	vmul.f32 $8.000000000e+00, v2;
	v2 =	vld [tilespmem:s10+$0xFFFFFF90]  }
0xbc: {  	[tilespmem:s10+$0xFFFFFF30] =	vst v4;
	v3 =	vmul.f32 $8.000000000e+00, v3;
	v4 =	vld [tilespmem:s10+$0xFFFFFFA0]  }
0xbd: {  	[tilespmem:s10+$0xFFFFFF40] =	vst v1;
	v1 =	vmul.f32 $8.000000000e+00, v0;
	v7 =	vld [tilespmem:s10+$0xFFFFFFB0]  }
.Ltmp1:
0xbe: {  	[tilespmem:s10+$0xFFFFFF50] =	vst v3;
	v3 =	vmul.f32 $8.000000000e+00, v5;
	v0 =	vld [tilespmem:s10+$0xFFFFFFC0];
	(pc) =	sbr.rel @p1 .LBB2_5-.Ltmp1, $4  }
0xbf: {  	[tilespmem:s10+$0xFFFFFF60] =	vst v1;
	v5 =	vmul.f32 $8.000000000e+00, v6;
	v1 =	vld [tilespmem:s10+$0xFFFFFFD0]  }
0xc0: {  	[tilespmem:s10+$0xFFFFFF70] =	vst v3;
	v6 =	vmul.f32 $8.000000000e+00, v2;
	v2 =	vld [tilespmem:s10+$0xFFFFFFE0]  }
0xc1: {  	[tilespmem:s10+$0xFFFFFF80] =	vst v5;
	v5 =	vmul.f32 $8.000000000e+00, v4;
	v3 =	vld [tilespmem:s10+$0xFFFFFFF0]  }
0xc2: {  	s10 =	sadd.s32 $0x100, s10;
	v4 =	vld [tilespmem:s30+$0xFFFFFF10];
	[tilespmem:s30+$0xFFFFFF90] =	vst v6;
	v6 =	vmul.f32 $8.000000000e+00, v7  }
0xc3: {  	[tilespmem:s30+$0xFFFFFFA0] =	vst v5;
	v0 =	vmul.f32 $8.000000000e+00, v0  }
0xc4: {  	[tilespmem:s30+$0xFFFFFFB0] =	vst v6;
	v1 =	vmul.f32 $8.000000000e+00, v1  }
0xc5: {  	[tilespmem:s30+$0xFFFFFFC0] =	vst v0;
	v0 =	vmul.f32 $8.000000000e+00, v2  }
0xc6: {  	[tilespmem:s30+$0xFFFFFFD0] =	vst v1;
	v1 =	vmul.f32 $8.000000000e+00, v3  }
0xc7: {  	v2 =	vmul.f32 $8.000000000e+00, v4;
	[tilespmem:s30+$0xFFFFFFE0] =	vst v0  }
0xc8: {  	[tilespmem:s30+$0xFFFFFFF0] =	vst v1  }
0xc9: {  	[tilespmem:s30+$0xFFFFFF10] =	vst v2  }
0xca: {  	v0 =	vld [tilespmem:s1+$0xF0]  }
0xcb: {  	v1 =	vld [tilespmem:s1+$0x10]  }
0xcc: {  	v2 =	vld [tilespmem:s1+$0x20]  }
0xcd: {  	v3 =	vld [tilespmem:s1+$0x30]  }
0xce: {  	v4 =	vld [tilespmem:s1+$0x40]  }
0xcf: {  	v5 =	vld [tilespmem:s1+$0x50];
	v0 =	vmul.f32 $8.000000000e+00, v0  }
0xd0: {  	v6 =	vld [tilespmem:s1+$0x60];
	v1 =	vmul.f32 $8.000000000e+00, v1  }
0xd1: {  	v7 =	vld [tilespmem:s1+$0x70];
	v2 =	vmul.f32 $8.000000000e+00, v2;
	[tilespmem:s1+$0xF0] =	vst v0  }
0xd2: {  	[tilespmem:s1+$0x10] =	vst v1;
	v0 =	vmul.f32 $8.000000000e+00, v3;
	v3 =	vld [tilespmem:s1+$0x80]  }
0xd3: {  	[tilespmem:s1+$0x20] =	vst v2;
	v1 =	vmul.f32 $8.000000000e+00, v4;
	v4 =	vld [tilespmem:s1+$0x90]  }
0xd4: {  	v8 =	vld [tilespmem:s1+$0xA0];
	v2 =	vmul.f32 $8.000000000e+00, v5;
	[tilespmem:s1+$0x30] =	vst v0  }
0xd5: {  	v5 =	vmul.f32 $8.000000000e+00, v6;
	[tilespmem:s1+$0x40] =	vst v1;
	v0 =	vld [tilespmem:s1+$0xB0]  }
0xd6: {  	v6 =	vmul.f32 $8.000000000e+00, v7;
	[tilespmem:s1+$0x50] =	vst v2;
	v1 =	vld [tilespmem:s1+$0xC0]  }
0xd7: {  	[tilespmem:s1+$0x60] =	vst v5;
	v2 =	vld [tilespmem:s1+$0xD0];
	v7 =	vmul.f32 $8.000000000e+00, v3  }
0xd8: {  	[tilespmem:s1+$0x70] =	vst v6;
	v3 =	vld [tilespmem:s1+$0xE0];
	v5 =	vmul.f32 $8.000000000e+00, v4  }
0xd9: {  	s6 =	simm.s32 $0x0;
	s10 =	simm.s32 $0x6820;
	v6 =	vmul.f32 $8.000000000e+00, v8;
	v4 =	vld [tilespmem:s1+$0x0];
	[tilespmem:s1+$0x80] =	vst v7  }
.LBB2_7:
0xda: {  	v7 =	vld [tilespmem:s10+$0xF0];
	s6 =	sadd.s32 $0x4, s6;
	[tilespmem:s1+$0x90] =	vst v5;
	v0 =	vmul.f32 $8.000000000e+00, v0  }
0xdb: {  	v5 =	vld [tilespmem:s10+$0x10];
	p1 =	slt.u32 s6, $0xC4;
	[tilespmem:s1+$0xA0] =	vst v6;
	v1 =	vmul.f32 $8.000000000e+00, v1  }
0xdc: {  	v6 =	vld [tilespmem:s10+$0x20];
	[tilespmem:s1+$0xB0] =	vst v0;
	v0 =	vmul.f32 $8.000000000e+00, v2  }
0xdd: {  	v2 =	vld [tilespmem:s10+$0x30];
	[tilespmem:s1+$0xC0] =	vst v1;
	v1 =	vmul.f32 $8.000000000e+00, v3  }
0xde: {  	v3 =	vld [tilespmem:s10+$0x40];
	v4 =	vmul.f32 $8.000000000e+00, v4;
	[tilespmem:s1+$0xD0] =	vst v0  }
0xdf: {  	v0 =	vld [tilespmem:s10+$0x50];
	v7 =	vmul.f32 $8.000000000e+00, v7;
	[tilespmem:s1+$0xE0] =	vst v1  }
0xe0: {  	v1 =	vmul.f32 $8.000000000e+00, v5;
	v5 =	vld [tilespmem:s10+$0x60];
	[tilespmem:s1+$0x0] =	vst v4;
	s1 =	smov.u32 s10  }
0xe1: {  	s30 =	simm.s32 $0x9920;
	v4 =	vmul.f32 $8.000000000e+00, v6;
	v6 =	vld [tilespmem:s10+$0x70];
	[tilespmem:s10+$0xF0] =	vst v7  }
0xe2: {  	[tilespmem:s10+$0x10] =	vst v1;
	v1 =	vmul.f32 $8.000000000e+00, v2;
	v2 =	vld [tilespmem:s10+$0x80]  }
0xe3: {  	[tilespmem:s10+$0x20] =	vst v4;
	v3 =	vmul.f32 $8.000000000e+00, v3;
	v4 =	vld [tilespmem:s10+$0x90]  }
0xe4: {  	[tilespmem:s10+$0x30] =	vst v1;
	v1 =	vmul.f32 $8.000000000e+00, v0;
	v7 =	vld [tilespmem:s10+$0xA0]  }
.Ltmp2:
0xe5: {  	[tilespmem:s10+$0x40] =	vst v3;
	v3 =	vmul.f32 $8.000000000e+00, v5;
	v0 =	vld [tilespmem:s10+$0xB0];
	(pc) =	sbr.rel @p1 .LBB2_7-.Ltmp2, $4  }
0xe6: {  	[tilespmem:s10+$0x50] =	vst v1;
	v5 =	vmul.f32 $8.000000000e+00, v6;
	v1 =	vld [tilespmem:s10+$0xC0]  }
0xe7: {  	[tilespmem:s10+$0x60] =	vst v3;
	v6 =	vmul.f32 $8.000000000e+00, v2;
	v2 =	vld [tilespmem:s10+$0xD0]  }
0xe8: {  	[tilespmem:s10+$0x70] =	vst v5;
	v5 =	vmul.f32 $8.000000000e+00, v4;
	v3 =	vld [tilespmem:s10+$0xE0]  }
0xe9: {  	s10 =	sadd.s32 $0x100, s10;
	v4 =	vld [tilespmem:s1+$0x0];
	[tilespmem:s1+$0x80] =	vst v6;
	v6 =	vmul.f32 $8.000000000e+00, v7  }
0xea: {  	[tilespmem:s1+$0x90] =	vst v5;
	v0 =	vmul.f32 $8.000000000e+00, v0  }
0xeb: {  	[tilespmem:s1+$0xA0] =	vst v6;
	v1 =	vmul.f32 $8.000000000e+00, v1  }
0xec: {  	[tilespmem:s1+$0xB0] =	vst v0;
	v0 =	vmul.f32 $8.000000000e+00, v2  }
0xed: {  	[tilespmem:s1+$0xC0] =	vst v1;
	v1 =	vmul.f32 $8.000000000e+00, v3  }
0xee: {  	v2 =	vmul.f32 $8.000000000e+00, v4;
	[tilespmem:s1+$0xD0] =	vst v0  }
0xef: {  	[tilespmem:s1+$0xE0] =	vst v1  }
0xf0: {  	[tilespmem:s1+$0x0] =	vst v2  }
0xf1: {  	v0 =	vld [tilespmem:s30+$0xF0]  }
0xf2: {  	v1 =	vld [tilespmem:s30+$0x10]  }
0xf3: {  	v2 =	vld [tilespmem:s30+$0x20]  }
0xf4: {  	v3 =	vld [tilespmem:s30+$0x30]  }
0xf5: {  	v4 =	vld [tilespmem:s30+$0x40]  }
0xf6: {  	v5 =	vld [tilespmem:s30+$0x50];
	v0 =	vmul.f32 $8.000000000e+00, v0  }
0xf7: {  	v6 =	vld [tilespmem:s30+$0x60];
	v1 =	vmul.f32 $8.000000000e+00, v1  }
0xf8: {  	v7 =	vld [tilespmem:s30+$0x70];
	v2 =	vmul.f32 $8.000000000e+00, v2;
	[tilespmem:s30+$0xF0] =	vst v0  }
0xf9: {  	[tilespmem:s30+$0x10] =	vst v1;
	v0 =	vmul.f32 $8.000000000e+00, v3;
	v3 =	vld [tilespmem:s30+$0x80]  }
0xfa: {  	[tilespmem:s30+$0x20] =	vst v2;
	v1 =	vmul.f32 $8.000000000e+00, v4;
	v4 =	vld [tilespmem:s30+$0x90]  }
0xfb: {  	v8 =	vld [tilespmem:s30+$0xA0];
	v2 =	vmul.f32 $8.000000000e+00, v5;
	[tilespmem:s30+$0x30] =	vst v0  }
0xfc: {  	v5 =	vmul.f32 $8.000000000e+00, v6;
	[tilespmem:s30+$0x40] =	vst v1;
	v0 =	vld [tilespmem:s30+$0xB0]  }
0xfd: {  	v6 =	vmul.f32 $8.000000000e+00, v7;
	[tilespmem:s30+$0x50] =	vst v2;
	v1 =	vld [tilespmem:s30+$0xC0]  }
0xfe: {  	[tilespmem:s30+$0x60] =	vst v5;
	v2 =	vld [tilespmem:s30+$0xD0];
	v7 =	vmul.f32 $8.000000000e+00, v3  }
0xff: {  	[tilespmem:s30+$0x70] =	vst v6;
	v3 =	vld [tilespmem:s30+$0xE0];
	v5 =	vmul.f32 $8.000000000e+00, v4  }
0x100: {  	s6 =	simm.s32 $0x9A20;
	s1 =	simm.s32 $0x0;
	v6 =	vmul.f32 $8.000000000e+00, v8;
	v4 =	vld [tilespmem:s30+$0x0];
	[tilespmem:s30+$0x80] =	vst v7  }
.LBB2_9:
0x101: {  	v7 =	vld [tilespmem:s6+$0xF0];
	s1 =	sadd.s32 $0x4, s1;
	[tilespmem:s30+$0x90] =	vst v5;
	v0 =	vmul.f32 $8.000000000e+00, v0  }
0x102: {  	v5 =	vld [tilespmem:s6+$0x10];
	p1 =	slt.u32 s1, $0xC4;
	[tilespmem:s30+$0xA0] =	vst v6;
	v1 =	vmul.f32 $8.000000000e+00, v1  }
0x103: {  	v6 =	vld [tilespmem:s6+$0x20];
	[tilespmem:s30+$0xB0] =	vst v0;
	v0 =	vmul.f32 $8.000000000e+00, v2  }
0x104: {  	v2 =	vld [tilespmem:s6+$0x30];
	[tilespmem:s30+$0xC0] =	vst v1;
	v1 =	vmul.f32 $8.000000000e+00, v3  }
0x105: {  	v3 =	vld [tilespmem:s6+$0x40];
	v4 =	vmul.f32 $8.000000000e+00, v4;
	[tilespmem:s30+$0xD0] =	vst v0  }
0x106: {  	v0 =	vld [tilespmem:s6+$0x50];
	v7 =	vmul.f32 $8.000000000e+00, v7;
	[tilespmem:s30+$0xE0] =	vst v1  }
0x107: {  	v1 =	vmul.f32 $8.000000000e+00, v5;
	v5 =	vld [tilespmem:s6+$0x60];
	[tilespmem:s30+$0x0] =	vst v4;
	s30 =	smov.u32 s6  }
0x108: {  	v4 =	vmul.f32 $8.000000000e+00, v6;
	v6 =	vld [tilespmem:s6+$0x70];
	[tilespmem:s6+$0xF0] =	vst v7  }
0x109: {  	[tilespmem:s6+$0x10] =	vst v1;
	v1 =	vmul.f32 $8.000000000e+00, v2;
	v2 =	vld [tilespmem:s6+$0x80]  }
0x10a: {  	[tilespmem:s6+$0x20] =	vst v4;
	v3 =	vmul.f32 $8.000000000e+00, v3;
	v4 =	vld [tilespmem:s6+$0x90]  }
0x10b: {  	[tilespmem:s6+$0x30] =	vst v1;
	v1 =	vmul.f32 $8.000000000e+00, v0;
	v7 =	vld [tilespmem:s6+$0xA0]  }
.Ltmp3:
0x10c: {  	[tilespmem:s6+$0x40] =	vst v3;
	v3 =	vmul.f32 $8.000000000e+00, v5;
	v0 =	vld [tilespmem:s6+$0xB0];
	(pc) =	sbr.rel @p1 .LBB2_9-.Ltmp3, $4  }
0x10d: {  	[tilespmem:s6+$0x50] =	vst v1;
	v5 =	vmul.f32 $8.000000000e+00, v6;
	v1 =	vld [tilespmem:s6+$0xC0]  }
0x10e: {  	[tilespmem:s6+$0x60] =	vst v3;
	v6 =	vmul.f32 $8.000000000e+00, v2;
	v2 =	vld [tilespmem:s6+$0xD0]  }
0x10f: {  	[tilespmem:s6+$0x70] =	vst v5;
	v5 =	vmul.f32 $8.000000000e+00, v4;
	v3 =	vld [tilespmem:s6+$0xE0]  }
0x110: {  	s6 =	sadd.s32 $0x100, s6;
	v4 =	vld [tilespmem:s30+$0x0];
	[tilespmem:s30+$0x80] =	vst v6;
	v6 =	vmul.f32 $8.000000000e+00, v7  }
0x111: {  	[tilespmem:s30+$0x90] =	vst v5;
	v0 =	vmul.f32 $8.000000000e+00, v0  }
0x112: {  	[tilespmem:s30+$0xA0] =	vst v6;
	v1 =	vmul.f32 $8.000000000e+00, v1  }
0x113: {  	[tilespmem:s30+$0xB0] =	vst v0;
	v0 =	vmul.f32 $8.000000000e+00, v2  }
0x114: {  	[tilespmem:s30+$0xC0] =	vst v1;
	v1 =	vmul.f32 $8.000000000e+00, v3  }
0x115: {  	s1 =	smul.u32 $0x640, s17;
	v2 =	vmul.f32 $8.000000000e+00, v4;
	[tilespmem:s30+$0xD0] =	vst v0  }
0x116: {  	s6 =	rddreg [dreg:$0x1];
	[tilespmem:s30+$0xE0] =	vst v1  }
0x117: {  	s10 =	simm.s32 $0x320;
	s1 =	sadd.s32 s6, s1;
	[tilespmem:s30+$0x0] =	vst v2  }
0x118: {  	[hbm4b:s1+s2] =	stream.linear.scatter [tilespmem:s10], [sflag:$0x2], $0xC800, $0x38;
	[tilespmem:$0x19320] =	vst v63  }
0x119: {  	s17 =	sor.u32 $0x4, s17;
	s1 =	simm.s32 @!p0 $0x3  }
0x11a: {  	s10 =	smul.u32 $0x19, s17;
	_ =	swait.ge @!p0 [sflag:s1], $0xC800  }
0x11b: {  	[sflag:s1] =	ssyncset.done @!p0 $0x0  }
0x11c: {  	s6 =	sadd.s32 s4, s10;
	[sflag:s1] =	ssyncadd.s32 @!p0 $0xFFFF3800  }
0x11d: {  	[tilespmem:s2], [sflag:$0x4] =	stream.linear.gather [hbm4b:s6+s2], $0x320, $0x38;
	[tilespmem:$0x19320] =	vst v63  }
0x11e: {  	_ =	swait.ge [sflag:s8], $0x320  }
0x11f: {  	[sflag:s8] =	ssyncset.done $0x0  }
0x120: {  	[sflag:s8] =	ssyncadd.s32 $0xFFFFFCE0  }
0x121: {  	[tilespmem:s25], [sflag:$0x1] =	stream.indirect.gather [hbm4b:s5+s9], $0x40, s2, s9, $0xb8;
	[tilespmem:$0x19320] =	vst v63  }
0x122: {  	s10 =	simm.s32 $0xD520  }
0x123: {  	[tilespmem:s10], [sflag:$0x1] =	stream.indirect.gather [hbm4b:s5+s9], $0x40, s9, s9, $0xb8;
	[tilespmem:$0x19320] =	vst v63  }
0x124: {  	s6 =	simm.s32 $0xDF20  }
0x125: {  	[tilespmem:s6], [sflag:$0x1] =	stream.indirect.gather [hbm4b:s5+s9], $0x40, s12, s9, $0xb8;
	[tilespmem:$0x19320] =	vst v63  }
0x126: {  	s10 =	simm.s32 $0xE920  }
0x127: {  	[tilespmem:s10], [sflag:$0x1] =	stream.indirect.gather [hbm4b:s5+s9], $0x40, s14, s9, $0xb8;
	[tilespmem:$0x19320] =	vst v63  }
0x128: {  	s6 =	simm.s32 $0xF320  }
0x129: {  	[tilespmem:s6], [sflag:$0x1] =	stream.indirect.gather [hbm4b:s5+s9], $0x40, s16, s9, $0xb8;
	[tilespmem:$0x19320] =	vst v63  }
0x12a: {  	s10 =	simm.s32 $0xFD20  }
0x12b: {  	[tilespmem:s10], [sflag:$0x1] =	stream.indirect.gather [hbm4b:s5+s9], $0x40, s18, s9, $0xb8;
	[tilespmem:$0x19320] =	vst v63  }
0x12c: {  	s6 =	simm.s32 $0x10720  }
0x12d: {  	[tilespmem:s6], [sflag:$0x1] =	stream.indirect.gather [hbm4b:s5+s9], $0x40, s20, s9, $0xb8;
	[tilespmem:$0x19320] =	vst v63  }
0x12e: {  	s10 =	simm.s32 $0x11120  }
0x12f: {  	[tilespmem:s10], [sflag:$0x1] =	stream.indirect.gather [hbm4b:s5+s9], $0x40, s22, s9, $0xb8;
	[tilespmem:$0x19320] =	vst v63  }
0x130: {  	s6 =	simm.s32 $0x11B20  }
0x131: {  	[tilespmem:s6], [sflag:$0x1] =	stream.indirect.gather [hbm4b:s5+s9], $0x40, s24, s9, $0xb8;
	[tilespmem:$0x19320] =	vst v63  }
0x132: {  	s10 =	simm.s32 $0x12520  }
0x133: {  	[tilespmem:s10], [sflag:$0x1] =	stream.indirect.gather [hbm4b:s5+s9], $0x40, s26, s9, $0xb8;
	[tilespmem:$0x19320] =	vst v63  }
0x134: {  	s6 =	simm.s32 $0x12F20  }
0x135: {  	[tilespmem:s6], [sflag:$0x1] =	stream.indirect.gather [hbm4b:s5+s9], $0x40, s29, s9, $0xb8;
	[tilespmem:$0x19320] =	vst v63  }
0x136: {  	s10 =	simm.s32 $0x13920  }
0x137: {  	[tilespmem:s10], [sflag:$0x1] =	stream.indirect.gather [hbm4b:s5+s9], $0x40, s31, s9, $0xb8;
	[tilespmem:$0x19320] =	vst v63  }
0x138: {  	s6 =	simm.s32 $0x14320  }
0x139: {  	[tilespmem:s6], [sflag:$0x1] =	stream.indirect.gather [hbm4b:s5+s9], $0x40, s3, s9, $0xb8;
	[tilespmem:$0x19320] =	vst v63  }
0x13a: {  	s10 =	simm.s32 $0x14D20  }
0x13b: {  	[tilespmem:s10], [sflag:$0x1] =	stream.indirect.gather [hbm4b:s5+s9], $0x40, s11, s9, $0xb8;
	[tilespmem:$0x19320] =	vst v63  }
0x13c: {  	s6 =	simm.s32 $0x15720  }
0x13d: {  	[tilespmem:s6], [sflag:$0x1] =	stream.indirect.gather [hbm4b:s5+s9], $0x40, s15, s9, $0xb8;
	[tilespmem:$0x19320] =	vst v63  }
0x13e: {  	s10 =	simm.s32 $0x16120  }
0x13f: {  	[tilespmem:s10], [sflag:$0x1] =	stream.indirect.gather [hbm4b:s5+s9], $0x40, s19, s9, $0xb8;
	[tilespmem:$0x19320] =	vst v63  }
0x140: {  	s6 =	simm.s32 $0x16B20  }
0x141: {  	[tilespmem:s6], [sflag:$0x1] =	stream.indirect.gather [hbm4b:s5+s9], $0x40, s23, s9, $0xb8;
	[tilespmem:$0x19320] =	vst v63  }
0x142: {  	s10 =	simm.s32 $0x17520  }
0x143: {  	[tilespmem:s10], [sflag:$0x1] =	stream.indirect.gather [hbm4b:s5+s9], $0x40, s28, s9, $0xb8;
	[tilespmem:$0x19320] =	vst v63  }
0x144: {  	s6 =	simm.s32 $0x17F20  }
0x145: {  	[tilespmem:s6], [sflag:$0x1] =	stream.indirect.gather [hbm4b:s5+s9], $0x40, s0, s9, $0xb8;
	[tilespmem:$0x19320] =	vst v63  }
0x146: {  	s10 =	simm.s32 $0x18920  }
0x147: {  	[tilespmem:s10], [sflag:$0x1] =	stream.indirect.gather [hbm4b:s5+s9], $0x40, s13, s9, $0xb8;
	[tilespmem:$0x19320] =	vst v63  }
0x148: {  	_ =	swait.ge [sflag:s21], $0xA00  }
0x149: {  	[sflag:s21] =	ssyncset.done $0x0  }
0x14a: {  	[sflag:s21] =	ssyncadd.s32 $0xFFFFF600  }
0x14b: {  	_ =	swait.ge [sflag:s21], $0xA00  }
0x14c: {  	[sflag:s21] =	ssyncset.done $0x0  }
0x14d: {  	[sflag:s21] =	ssyncadd.s32 $0xFFFFF600  }
0x14e: {  	_ =	swait.ge [sflag:s21], $0xA00  }
0x14f: {  	[sflag:s21] =	ssyncset.done $0x0  }
0x150: {  	[sflag:s21] =	ssyncadd.s32 $0xFFFFF600  }
0x151: {  	_ =	swait.ge [sflag:s21], $0xA00  }
0x152: {  	[sflag:s21] =	ssyncset.done $0x0  }
0x153: {  	[sflag:s21] =	ssyncadd.s32 $0xFFFFF600  }
0x154: {  	_ =	swait.ge [sflag:s21], $0xA00  }
0x155: {  	[sflag:s21] =	ssyncset.done $0x0  }
0x156: {  	[sflag:s21] =	ssyncadd.s32 $0xFFFFF600  }
0x157: {  	_ =	swait.ge [sflag:s21], $0xA00  }
0x158: {  	[sflag:s21] =	ssyncset.done $0x0  }
0x159: {  	[sflag:s21] =	ssyncadd.s32 $0xFFFFF600  }
0x15a: {  	_ =	swait.ge [sflag:s21], $0xA00  }
0x15b: {  	[sflag:s21] =	ssyncset.done $0x0  }
0x15c: {  	[sflag:s21] =	ssyncadd.s32 $0xFFFFF600  }
0x15d: {  	_ =	swait.ge [sflag:s21], $0xA00  }
0x15e: {  	[sflag:s21] =	ssyncset.done $0x0  }
0x15f: {  	[sflag:s21] =	ssyncadd.s32 $0xFFFFF600  }
0x160: {  	_ =	swait.ge [sflag:s21], $0xA00  }
0x161: {  	[sflag:s21] =	ssyncset.done $0x0  }
0x162: {  	[sflag:s21] =	ssyncadd.s32 $0xFFFFF600  }
0x163: {  	_ =	swait.ge [sflag:s21], $0xA00  }
0x164: {  	[sflag:s21] =	ssyncset.done $0x0  }
0x165: {  	[sflag:s21] =	ssyncadd.s32 $0xFFFFF600  }
0x166: {  	_ =	swait.ge [sflag:s21], $0xA00  }
0x167: {  	[sflag:s21] =	ssyncset.done $0x0  }
0x168: {  	[sflag:s21] =	ssyncadd.s32 $0xFFFFF600  }
0x169: {  	_ =	swait.ge [sflag:s21], $0xA00  }
0x16a: {  	[sflag:s21] =	ssyncset.done $0x0  }
0x16b: {  	[sflag:s21] =	ssyncadd.s32 $0xFFFFF600  }
0x16c: {  	_ =	swait.ge [sflag:s21], $0xA00  }
0x16d: {  	[sflag:s21] =	ssyncset.done $0x0  }
0x16e: {  	[sflag:s21] =	ssyncadd.s32 $0xFFFFF600  }
0x16f: {  	_ =	swait.ge [sflag:s21], $0xA00  }
0x170: {  	[sflag:s21] =	ssyncset.done $0x0  }
0x171: {  	[sflag:s21] =	ssyncadd.s32 $0xFFFFF600  }
0x172: {  	_ =	swait.ge [sflag:s21], $0xA00  }
0x173: {  	[sflag:s21] =	ssyncset.done $0x0  }
0x174: {  	[sflag:s21] =	ssyncadd.s32 $0xFFFFF600  }
0x175: {  	_ =	swait.ge [sflag:s21], $0xA00  }
0x176: {  	[sflag:s21] =	ssyncset.done $0x0  }
0x177: {  	[sflag:s21] =	ssyncadd.s32 $0xFFFFF600  }
0x178: {  	_ =	swait.ge [sflag:s21], $0xA00  }
0x179: {  	[sflag:s21] =	ssyncset.done $0x0  }
0x17a: {  	[sflag:s21] =	ssyncadd.s32 $0xFFFFF600  }
0x17b: {  	_ =	swait.ge [sflag:s21], $0xA00  }
0x17c: {  	[sflag:s21] =	ssyncset.done $0x0  }
0x17d: {  	[sflag:s21] =	ssyncadd.s32 $0xFFFFF600  }
0x17e: {  	_ =	swait.ge [sflag:s21], $0xA00  }
0x17f: {  	[sflag:s21] =	ssyncset.done $0x0  }
0x180: {  	[sflag:s21] =	ssyncadd.s32 $0xFFFFF600  }
0x181: {  	_ =	swait.ge [sflag:s21], $0xA00  }
0x182: {  	[sflag:s21] =	ssyncset.done $0x0  }
0x183: {  	s1 =	simm.s32 $0xCBA0;
	[sflag:s21] =	ssyncadd.s32 $0xFFFFF600  }
0x184: {  	v0 =	vld [tilespmem:s1+$0x70]  }
0x185: {  	v1 =	vld [tilespmem:s1+$0xFFFFFF90]  }
0x186: {  	v2 =	vld [tilespmem:s1+$0xFFFFFFA0]  }
0x187: {  	v3 =	vld [tilespmem:s1+$0xFFFFFFB0]  }
0x188: {  	v4 =	vld [tilespmem:s1+$0xFFFFFFC0]  }
0x189: {  	v5 =	vld [tilespmem:s1+$0xFFFFFFD0];
	v0 =	vmul.f32 $8.000000000e+00, v0  }
0x18a: {  	v6 =	vld [tilespmem:s1+$0xFFFFFFE0];
	v1 =	vmul.f32 $8.000000000e+00, v1  }
0x18b: {  	v7 =	vld [tilespmem:s1+$0xFFFFFFF0];
	v2 =	vmul.f32 $8.000000000e+00, v2;
	[tilespmem:s1+$0x70] =	vst v0  }
0x18c: {  	[tilespmem:s1+$0xFFFFFF90] =	vst v1;
	v0 =	vmul.f32 $8.000000000e+00, v3;
	v3 =	vld [tilespmem:s1+$0x0]  }
0x18d: {  	[tilespmem:s1+$0xFFFFFFA0] =	vst v2;
	v1 =	vmul.f32 $8.000000000e+00, v4;
	v4 =	vld [tilespmem:s1+$0x10]  }
0x18e: {  	v8 =	vld [tilespmem:s1+$0x20];
	v2 =	vmul.f32 $8.000000000e+00, v5;
	[tilespmem:s1+$0xFFFFFFB0] =	vst v0  }
0x18f: {  	v5 =	vmul.f32 $8.000000000e+00, v6;
	[tilespmem:s1+$0xFFFFFFC0] =	vst v1;
	v0 =	vld [tilespmem:s1+$0x30]  }
0x190: {  	v6 =	vmul.f32 $8.000000000e+00, v7;
	[tilespmem:s1+$0xFFFFFFD0] =	vst v2;
	v1 =	vld [tilespmem:s1+$0x40]  }
0x191: {  	[tilespmem:s1+$0xFFFFFFE0] =	vst v5;
	v2 =	vld [tilespmem:s1+$0x50];
	v7 =	vmul.f32 $8.000000000e+00, v3  }
0x192: {  	[tilespmem:s1+$0xFFFFFFF0] =	vst v6;
	v3 =	vld [tilespmem:s1+$0x60];
	v5 =	vmul.f32 $8.000000000e+00, v4  }
0x193: {  	s30 =	simm.s32 $0xFE10;
	s6 =	simm.s32 $0x0;
	s10 =	simm.s32 $0xCCA0;
	v6 =	vmul.f32 $8.000000000e+00, v8;
	v4 =	vld [tilespmem:s1+$0xFFFFFF80];
	[tilespmem:s1+$0x0] =	vst v7  }
.LBB2_11:
0x194: {  	v7 =	vld [tilespmem:s10+$0x70];
	s6 =	sadd.s32 $0x4, s6;
	[tilespmem:s1+$0x10] =	vst v5;
	v0 =	vmul.f32 $8.000000000e+00, v0  }
0x195: {  	v5 =	vld [tilespmem:s10+$0xFFFFFF90];
	p0 =	slt.u32 s6, $0xC4;
	[tilespmem:s1+$0x20] =	vst v6;
	v1 =	vmul.f32 $8.000000000e+00, v1  }
0x196: {  	v6 =	vld [tilespmem:s10+$0xFFFFFFA0];
	[tilespmem:s1+$0x30] =	vst v0;
	v0 =	vmul.f32 $8.000000000e+00, v2  }
0x197: {  	v2 =	vld [tilespmem:s10+$0xFFFFFFB0];
	[tilespmem:s1+$0x40] =	vst v1;
	v1 =	vmul.f32 $8.000000000e+00, v3  }
0x198: {  	v3 =	vld [tilespmem:s10+$0xFFFFFFC0];
	v4 =	vmul.f32 $8.000000000e+00, v4;
	[tilespmem:s1+$0x50] =	vst v0  }
0x199: {  	v0 =	vld [tilespmem:s10+$0xFFFFFFD0];
	v7 =	vmul.f32 $8.000000000e+00, v7;
	[tilespmem:s1+$0x60] =	vst v1  }
0x19a: {  	v1 =	vmul.f32 $8.000000000e+00, v5;
	v5 =	vld [tilespmem:s10+$0xFFFFFFE0];
	[tilespmem:s1+$0xFFFFFF80] =	vst v4;
	s1 =	smov.u32 s10  }
0x19b: {  	v4 =	vmul.f32 $8.000000000e+00, v6;
	v6 =	vld [tilespmem:s10+$0xFFFFFFF0];
	[tilespmem:s10+$0x70] =	vst v7  }
0x19c: {  	[tilespmem:s10+$0xFFFFFF90] =	vst v1;
	v1 =	vmul.f32 $8.000000000e+00, v2;
	v2 =	vld [tilespmem:s10+$0x0]  }
0x19d: {  	[tilespmem:s10+$0xFFFFFFA0] =	vst v4;
	v3 =	vmul.f32 $8.000000000e+00, v3;
	v4 =	vld [tilespmem:s10+$0x10]  }
0x19e: {  	[tilespmem:s10+$0xFFFFFFB0] =	vst v1;
	v1 =	vmul.f32 $8.000000000e+00, v0;
	v7 =	vld [tilespmem:s10+$0x20]  }
.Ltmp4:
0x19f: {  	[tilespmem:s10+$0xFFFFFFC0] =	vst v3;
	v3 =	vmul.f32 $8.000000000e+00, v5;
	v0 =	vld [tilespmem:s10+$0x30];
	(pc) =	sbr.rel @p0 .LBB2_11-.Ltmp4, $4  }
0x1a0: {  	[tilespmem:s10+$0xFFFFFFD0] =	vst v1;
	v5 =	vmul.f32 $8.000000000e+00, v6;
	v1 =	vld [tilespmem:s10+$0x40]  }
0x1a1: {  	[tilespmem:s10+$0xFFFFFFE0] =	vst v3;
	v6 =	vmul.f32 $8.000000000e+00, v2;
	v2 =	vld [tilespmem:s10+$0x50]  }
0x1a2: {  	[tilespmem:s10+$0xFFFFFFF0] =	vst v5;
	v5 =	vmul.f32 $8.000000000e+00, v4;
	v3 =	vld [tilespmem:s10+$0x60]  }
0x1a3: {  	s10 =	sadd.s32 $0x100, s10;
	v4 =	vld [tilespmem:s1+$0xFFFFFF80];
	[tilespmem:s1+$0x0] =	vst v6;
	v6 =	vmul.f32 $8.000000000e+00, v7  }
0x1a4: {  	[tilespmem:s1+$0x10] =	vst v5;
	v0 =	vmul.f32 $8.000000000e+00, v0  }
0x1a5: {  	[tilespmem:s1+$0x20] =	vst v6;
	v1 =	vmul.f32 $8.000000000e+00, v1  }
0x1a6: {  	[tilespmem:s1+$0x30] =	vst v0;
	v0 =	vmul.f32 $8.000000000e+00, v2  }
0x1a7: {  	[tilespmem:s1+$0x40] =	vst v1;
	v1 =	vmul.f32 $8.000000000e+00, v3  }
0x1a8: {  	v2 =	vmul.f32 $8.000000000e+00, v4;
	[tilespmem:s1+$0x50] =	vst v0  }
0x1a9: {  	[tilespmem:s1+$0x60] =	vst v1  }
0x1aa: {  	[tilespmem:s1+$0xFFFFFF80] =	vst v2  }
0x1ab: {  	v0 =	vld [tilespmem:s30+$0x0]  }
0x1ac: {  	v1 =	vld [tilespmem:s30+$0xFFFFFF20]  }
0x1ad: {  	v2 =	vld [tilespmem:s30+$0xFFFFFF30]  }
0x1ae: {  	v3 =	vld [tilespmem:s30+$0xFFFFFF40]  }
0x1af: {  	v4 =	vld [tilespmem:s30+$0xFFFFFF50]  }
0x1b0: {  	v5 =	vld [tilespmem:s30+$0xFFFFFF60];
	v0 =	vmul.f32 $8.000000000e+00, v0  }
0x1b1: {  	v6 =	vld [tilespmem:s30+$0xFFFFFF70];
	v1 =	vmul.f32 $8.000000000e+00, v1  }
0x1b2: {  	v7 =	vld [tilespmem:s30+$0xFFFFFF80];
	v2 =	vmul.f32 $8.000000000e+00, v2;
	[tilespmem:s30+$0x0] =	vst v0  }
0x1b3: {  	[tilespmem:s30+$0xFFFFFF20] =	vst v1;
	v0 =	vmul.f32 $8.000000000e+00, v3;
	v3 =	vld [tilespmem:s30+$0xFFFFFF90]  }
0x1b4: {  	[tilespmem:s30+$0xFFFFFF30] =	vst v2;
	v1 =	vmul.f32 $8.000000000e+00, v4;
	v4 =	vld [tilespmem:s30+$0xFFFFFFA0]  }
0x1b5: {  	v8 =	vld [tilespmem:s30+$0xFFFFFFB0];
	v2 =	vmul.f32 $8.000000000e+00, v5;
	[tilespmem:s30+$0xFFFFFF40] =	vst v0  }
0x1b6: {  	v5 =	vmul.f32 $8.000000000e+00, v6;
	[tilespmem:s30+$0xFFFFFF50] =	vst v1;
	v0 =	vld [tilespmem:s30+$0xFFFFFFC0]  }
0x1b7: {  	v6 =	vmul.f32 $8.000000000e+00, v7;
	[tilespmem:s30+$0xFFFFFF60] =	vst v2;
	v1 =	vld [tilespmem:s30+$0xFFFFFFD0]  }
0x1b8: {  	[tilespmem:s30+$0xFFFFFF70] =	vst v5;
	v2 =	vld [tilespmem:s30+$0xFFFFFFE0];
	v7 =	vmul.f32 $8.000000000e+00, v3  }
0x1b9: {  	[tilespmem:s30+$0xFFFFFF80] =	vst v6;
	v3 =	vld [tilespmem:s30+$0xFFFFFFF0];
	v5 =	vmul.f32 $8.000000000e+00, v4  }
0x1ba: {  	s6 =	simm.s32 $0x0;
	s10 =	simm.s32 $0xFF10;
	v6 =	vmul.f32 $8.000000000e+00, v8;
	v4 =	vld [tilespmem:s30+$0xFFFFFF10];
	[tilespmem:s30+$0xFFFFFF90] =	vst v7  }
.LBB2_13:
0x1bb: {  	v7 =	vld [tilespmem:s10+$0x0];
	s6 =	sadd.s32 $0x4, s6;
	[tilespmem:s30+$0xFFFFFFA0] =	vst v5;
	v0 =	vmul.f32 $8.000000000e+00, v0  }
0x1bc: {  	v5 =	vld [tilespmem:s10+$0xFFFFFF20];
	p0 =	slt.u32 s6, $0xC4;
	[tilespmem:s30+$0xFFFFFFB0] =	vst v6;
	v1 =	vmul.f32 $8.000000000e+00, v1  }
0x1bd: {  	v6 =	vld [tilespmem:s10+$0xFFFFFF30];
	[tilespmem:s30+$0xFFFFFFC0] =	vst v0;
	v0 =	vmul.f32 $8.000000000e+00, v2  }
0x1be: {  	v2 =	vld [tilespmem:s10+$0xFFFFFF40];
	[tilespmem:s30+$0xFFFFFFD0] =	vst v1;
	v1 =	vmul.f32 $8.000000000e+00, v3  }
0x1bf: {  	v3 =	vld [tilespmem:s10+$0xFFFFFF50];
	v4 =	vmul.f32 $8.000000000e+00, v4;
	[tilespmem:s30+$0xFFFFFFE0] =	vst v0  }
0x1c0: {  	v0 =	vld [tilespmem:s10+$0xFFFFFF60];
	v7 =	vmul.f32 $8.000000000e+00, v7;
	[tilespmem:s30+$0xFFFFFFF0] =	vst v1  }
0x1c1: {  	v1 =	vmul.f32 $8.000000000e+00, v5;
	v5 =	vld [tilespmem:s10+$0xFFFFFF70];
	[tilespmem:s30+$0xFFFFFF10] =	vst v4;
	s30 =	smov.u32 s10  }
0x1c2: {  	s1 =	simm.s32 $0x12F20;
	v4 =	vmul.f32 $8.000000000e+00, v6;
	v6 =	vld [tilespmem:s10+$0xFFFFFF80];
	[tilespmem:s10+$0x0] =	vst v7  }
0x1c3: {  	[tilespmem:s10+$0xFFFFFF20] =	vst v1;
	v1 =	vmul.f32 $8.000000000e+00, v2;
	v2 =	vld [tilespmem:s10+$0xFFFFFF90]  }
0x1c4: {  	[tilespmem:s10+$0xFFFFFF30] =	vst v4;
	v3 =	vmul.f32 $8.000000000e+00, v3;
	v4 =	vld [tilespmem:s10+$0xFFFFFFA0]  }
0x1c5: {  	[tilespmem:s10+$0xFFFFFF40] =	vst v1;
	v1 =	vmul.f32 $8.000000000e+00, v0;
	v7 =	vld [tilespmem:s10+$0xFFFFFFB0]  }
.Ltmp5:
0x1c6: {  	[tilespmem:s10+$0xFFFFFF50] =	vst v3;
	v3 =	vmul.f32 $8.000000000e+00, v5;
	v0 =	vld [tilespmem:s10+$0xFFFFFFC0];
	(pc) =	sbr.rel @p0 .LBB2_13-.Ltmp5, $4  }
0x1c7: {  	[tilespmem:s10+$0xFFFFFF60] =	vst v1;
	v5 =	vmul.f32 $8.000000000e+00, v6;
	v1 =	vld [tilespmem:s10+$0xFFFFFFD0]  }
0x1c8: {  	[tilespmem:s10+$0xFFFFFF70] =	vst v3;
	v6 =	vmul.f32 $8.000000000e+00, v2;
	v2 =	vld [tilespmem:s10+$0xFFFFFFE0]  }
0x1c9: {  	[tilespmem:s10+$0xFFFFFF80] =	vst v5;
	v5 =	vmul.f32 $8.000000000e+00, v4;
	v3 =	vld [tilespmem:s10+$0xFFFFFFF0]  }
0x1ca: {  	s10 =	sadd.s32 $0x100, s10;
	v4 =	vld [tilespmem:s30+$0xFFFFFF10];
	[tilespmem:s30+$0xFFFFFF90] =	vst v6;
	v6 =	vmul.f32 $8.000000000e+00, v7  }
0x1cb: {  	[tilespmem:s30+$0xFFFFFFA0] =	vst v5;
	v0 =	vmul.f32 $8.000000000e+00, v0  }
0x1cc: {  	[tilespmem:s30+$0xFFFFFFB0] =	vst v6;
	v1 =	vmul.f32 $8.000000000e+00, v1  }
0x1cd: {  	[tilespmem:s30+$0xFFFFFFC0] =	vst v0;
	v0 =	vmul.f32 $8.000000000e+00, v2  }
0x1ce: {  	[tilespmem:s30+$0xFFFFFFD0] =	vst v1;
	v1 =	vmul.f32 $8.000000000e+00, v3  }
0x1cf: {  	v2 =	vmul.f32 $8.000000000e+00, v4;
	[tilespmem:s30+$0xFFFFFFE0] =	vst v0  }
0x1d0: {  	[tilespmem:s30+$0xFFFFFFF0] =	vst v1  }
0x1d1: {  	[tilespmem:s30+$0xFFFFFF10] =	vst v2  }
0x1d2: {  	v0 =	vld [tilespmem:s1+$0xF0]  }
0x1d3: {  	v1 =	vld [tilespmem:s1+$0x10]  }
0x1d4: {  	v2 =	vld [tilespmem:s1+$0x20]  }
0x1d5: {  	v3 =	vld [tilespmem:s1+$0x30]  }
0x1d6: {  	v4 =	vld [tilespmem:s1+$0x40]  }
0x1d7: {  	v5 =	vld [tilespmem:s1+$0x50];
	v0 =	vmul.f32 $8.000000000e+00, v0  }
0x1d8: {  	v6 =	vld [tilespmem:s1+$0x60];
	v1 =	vmul.f32 $8.000000000e+00, v1  }
0x1d9: {  	v7 =	vld [tilespmem:s1+$0x70];
	v2 =	vmul.f32 $8.000000000e+00, v2;
	[tilespmem:s1+$0xF0] =	vst v0  }
0x1da: {  	[tilespmem:s1+$0x10] =	vst v1;
	v0 =	vmul.f32 $8.000000000e+00, v3;
	v3 =	vld [tilespmem:s1+$0x80]  }
0x1db: {  	[tilespmem:s1+$0x20] =	vst v2;
	v1 =	vmul.f32 $8.000000000e+00, v4;
	v4 =	vld [tilespmem:s1+$0x90]  }
0x1dc: {  	v8 =	vld [tilespmem:s1+$0xA0];
	v2 =	vmul.f32 $8.000000000e+00, v5;
	[tilespmem:s1+$0x30] =	vst v0  }
0x1dd: {  	v5 =	vmul.f32 $8.000000000e+00, v6;
	[tilespmem:s1+$0x40] =	vst v1;
	v0 =	vld [tilespmem:s1+$0xB0]  }
0x1de: {  	v6 =	vmul.f32 $8.000000000e+00, v7;
	[tilespmem:s1+$0x50] =	vst v2;
	v1 =	vld [tilespmem:s1+$0xC0]  }
0x1df: {  	[tilespmem:s1+$0x60] =	vst v5;
	v2 =	vld [tilespmem:s1+$0xD0];
	v7 =	vmul.f32 $8.000000000e+00, v3  }
0x1e0: {  	[tilespmem:s1+$0x70] =	vst v6;
	v3 =	vld [tilespmem:s1+$0xE0];
	v5 =	vmul.f32 $8.000000000e+00, v4  }
0x1e1: {  	s6 =	simm.s32 $0x0;
	s10 =	simm.s32 $0x13020;
	v6 =	vmul.f32 $8.000000000e+00, v8;
	v4 =	vld [tilespmem:s1+$0x0];
	[tilespmem:s1+$0x80] =	vst v7  }
.LBB2_15:
0x1e2: {  	v7 =	vld [tilespmem:s10+$0xF0];
	s6 =	sadd.s32 $0x4, s6;
	[tilespmem:s1+$0x90] =	vst v5;
	v0 =	vmul.f32 $8.000000000e+00, v0  }
0x1e3: {  	v5 =	vld [tilespmem:s10+$0x10];
	p0 =	slt.u32 s6, $0xC4;
	[tilespmem:s1+$0xA0] =	vst v6;
	v1 =	vmul.f32 $8.000000000e+00, v1  }
0x1e4: {  	v6 =	vld [tilespmem:s10+$0x20];
	[tilespmem:s1+$0xB0] =	vst v0;
	v0 =	vmul.f32 $8.000000000e+00, v2  }
0x1e5: {  	v2 =	vld [tilespmem:s10+$0x30];
	[tilespmem:s1+$0xC0] =	vst v1;
	v1 =	vmul.f32 $8.000000000e+00, v3  }
0x1e6: {  	v3 =	vld [tilespmem:s10+$0x40];
	v4 =	vmul.f32 $8.000000000e+00, v4;
	[tilespmem:s1+$0xD0] =	vst v0  }
0x1e7: {  	v0 =	vld [tilespmem:s10+$0x50];
	v7 =	vmul.f32 $8.000000000e+00, v7;
	[tilespmem:s1+$0xE0] =	vst v1  }
0x1e8: {  	v1 =	vmul.f32 $8.000000000e+00, v5;
	v5 =	vld [tilespmem:s10+$0x60];
	[tilespmem:s1+$0x0] =	vst v4;
	s1 =	smov.u32 s10  }
0x1e9: {  	s30 =	simm.s32 $0x16120;
	v4 =	vmul.f32 $8.000000000e+00, v6;
	v6 =	vld [tilespmem:s10+$0x70];
	[tilespmem:s10+$0xF0] =	vst v7  }
0x1ea: {  	[tilespmem:s10+$0x10] =	vst v1;
	v1 =	vmul.f32 $8.000000000e+00, v2;
	v2 =	vld [tilespmem:s10+$0x80]  }
0x1eb: {  	[tilespmem:s10+$0x20] =	vst v4;
	v3 =	vmul.f32 $8.000000000e+00, v3;
	v4 =	vld [tilespmem:s10+$0x90]  }
0x1ec: {  	[tilespmem:s10+$0x30] =	vst v1;
	v1 =	vmul.f32 $8.000000000e+00, v0;
	v7 =	vld [tilespmem:s10+$0xA0]  }
.Ltmp6:
0x1ed: {  	[tilespmem:s10+$0x40] =	vst v3;
	v3 =	vmul.f32 $8.000000000e+00, v5;
	v0 =	vld [tilespmem:s10+$0xB0];
	(pc) =	sbr.rel @p0 .LBB2_15-.Ltmp6, $4  }
0x1ee: {  	[tilespmem:s10+$0x50] =	vst v1;
	v5 =	vmul.f32 $8.000000000e+00, v6;
	v1 =	vld [tilespmem:s10+$0xC0]  }
0x1ef: {  	[tilespmem:s10+$0x60] =	vst v3;
	v6 =	vmul.f32 $8.000000000e+00, v2;
	v2 =	vld [tilespmem:s10+$0xD0]  }
0x1f0: {  	[tilespmem:s10+$0x70] =	vst v5;
	v5 =	vmul.f32 $8.000000000e+00, v4;
	v3 =	vld [tilespmem:s10+$0xE0]  }
0x1f1: {  	s10 =	sadd.s32 $0x100, s10;
	v4 =	vld [tilespmem:s1+$0x0];
	[tilespmem:s1+$0x80] =	vst v6;
	v6 =	vmul.f32 $8.000000000e+00, v7  }
0x1f2: {  	[tilespmem:s1+$0x90] =	vst v5;
	v0 =	vmul.f32 $8.000000000e+00, v0  }
0x1f3: {  	[tilespmem:s1+$0xA0] =	vst v6;
	v1 =	vmul.f32 $8.000000000e+00, v1  }
0x1f4: {  	[tilespmem:s1+$0xB0] =	vst v0;
	v0 =	vmul.f32 $8.000000000e+00, v2  }
0x1f5: {  	[tilespmem:s1+$0xC0] =	vst v1;
	v1 =	vmul.f32 $8.000000000e+00, v3  }
0x1f6: {  	v2 =	vmul.f32 $8.000000000e+00, v4;
	[tilespmem:s1+$0xD0] =	vst v0  }
0x1f7: {  	[tilespmem:s1+$0xE0] =	vst v1  }
0x1f8: {  	[tilespmem:s1+$0x0] =	vst v2  }
0x1f9: {  	v0 =	vld [tilespmem:s30+$0xF0]  }
0x1fa: {  	v1 =	vld [tilespmem:s30+$0x10]  }
0x1fb: {  	v2 =	vld [tilespmem:s30+$0x20]  }
0x1fc: {  	v3 =	vld [tilespmem:s30+$0x30]  }
0x1fd: {  	v4 =	vld [tilespmem:s30+$0x40]  }
0x1fe: {  	v5 =	vld [tilespmem:s30+$0x50];
	v0 =	vmul.f32 $8.000000000e+00, v0  }
0x1ff: {  	v6 =	vld [tilespmem:s30+$0x60];
	v1 =	vmul.f32 $8.000000000e+00, v1  }
0x200: {  	v7 =	vld [tilespmem:s30+$0x70];
	v2 =	vmul.f32 $8.000000000e+00, v2;
	[tilespmem:s30+$0xF0] =	vst v0  }
0x201: {  	[tilespmem:s30+$0x10] =	vst v1;
	v0 =	vmul.f32 $8.000000000e+00, v3;
	v3 =	vld [tilespmem:s30+$0x80]  }
0x202: {  	[tilespmem:s30+$0x20] =	vst v2;
	v1 =	vmul.f32 $8.000000000e+00, v4;
	v4 =	vld [tilespmem:s30+$0x90]  }
0x203: {  	v8 =	vld [tilespmem:s30+$0xA0];
	v2 =	vmul.f32 $8.000000000e+00, v5;
	[tilespmem:s30+$0x30] =	vst v0  }
0x204: {  	v5 =	vmul.f32 $8.000000000e+00, v6;
	[tilespmem:s30+$0x40] =	vst v1;
	v0 =	vld [tilespmem:s30+$0xB0]  }
0x205: {  	v6 =	vmul.f32 $8.000000000e+00, v7;
	[tilespmem:s30+$0x50] =	vst v2;
	v1 =	vld [tilespmem:s30+$0xC0]  }
0x206: {  	[tilespmem:s30+$0x60] =	vst v5;
	v2 =	vld [tilespmem:s30+$0xD0];
	v7 =	vmul.f32 $8.000000000e+00, v3  }
0x207: {  	[tilespmem:s30+$0x70] =	vst v6;
	v3 =	vld [tilespmem:s30+$0xE0];
	v5 =	vmul.f32 $8.000000000e+00, v4  }
0x208: {  	s6 =	simm.s32 $0x16220;
	s1 =	simm.s32 $0x0;
	v6 =	vmul.f32 $8.000000000e+00, v8;
	v4 =	vld [tilespmem:s30+$0x0];
	[tilespmem:s30+$0x80] =	vst v7  }
.LBB2_17:
0x209: {  	v7 =	vld [tilespmem:s6+$0xF0];
	s1 =	sadd.s32 $0x4, s1;
	[tilespmem:s30+$0x90] =	vst v5;
	v0 =	vmul.f32 $8.000000000e+00, v0  }
0x20a: {  	v5 =	vld [tilespmem:s6+$0x10];
	p0 =	slt.u32 s1, $0xC4;
	[tilespmem:s30+$0xA0] =	vst v6;
	v1 =	vmul.f32 $8.000000000e+00, v1  }
0x20b: {  	v6 =	vld [tilespmem:s6+$0x20];
	[tilespmem:s30+$0xB0] =	vst v0;
	v0 =	vmul.f32 $8.000000000e+00, v2  }
0x20c: {  	v2 =	vld [tilespmem:s6+$0x30];
	[tilespmem:s30+$0xC0] =	vst v1;
	v1 =	vmul.f32 $8.000000000e+00, v3  }
0x20d: {  	v3 =	vld [tilespmem:s6+$0x40];
	v4 =	vmul.f32 $8.000000000e+00, v4;
	[tilespmem:s30+$0xD0] =	vst v0  }
0x20e: {  	v0 =	vld [tilespmem:s6+$0x50];
	v7 =	vmul.f32 $8.000000000e+00, v7;
	[tilespmem:s30+$0xE0] =	vst v1  }
0x20f: {  	v1 =	vmul.f32 $8.000000000e+00, v5;
	v5 =	vld [tilespmem:s6+$0x60];
	[tilespmem:s30+$0x0] =	vst v4;
	s30 =	smov.u32 s6  }
0x210: {  	v4 =	vmul.f32 $8.000000000e+00, v6;
	v6 =	vld [tilespmem:s6+$0x70];
	[tilespmem:s6+$0xF0] =	vst v7  }
0x211: {  	[tilespmem:s6+$0x10] =	vst v1;
	v1 =	vmul.f32 $8.000000000e+00, v2;
	v2 =	vld [tilespmem:s6+$0x80]  }
0x212: {  	[tilespmem:s6+$0x20] =	vst v4;
	v3 =	vmul.f32 $8.000000000e+00, v3;
	v4 =	vld [tilespmem:s6+$0x90]  }
0x213: {  	[tilespmem:s6+$0x30] =	vst v1;
	v1 =	vmul.f32 $8.000000000e+00, v0;
	v7 =	vld [tilespmem:s6+$0xA0]  }
.Ltmp7:
0x214: {  	[tilespmem:s6+$0x40] =	vst v3;
	v3 =	vmul.f32 $8.000000000e+00, v5;
	v0 =	vld [tilespmem:s6+$0xB0];
	(pc) =	sbr.rel @p0 .LBB2_17-.Ltmp7, $4  }
0x215: {  	[tilespmem:s6+$0x50] =	vst v1;
	v5 =	vmul.f32 $8.000000000e+00, v6;
	v1 =	vld [tilespmem:s6+$0xC0]  }
0x216: {  	[tilespmem:s6+$0x60] =	vst v3;
	v6 =	vmul.f32 $8.000000000e+00, v2;
	v2 =	vld [tilespmem:s6+$0xD0]  }
0x217: {  	[tilespmem:s6+$0x70] =	vst v5;
	v5 =	vmul.f32 $8.000000000e+00, v4;
	v3 =	vld [tilespmem:s6+$0xE0]  }
0x218: {  	s6 =	sadd.s32 $0x100, s6;
	v4 =	vld [tilespmem:s30+$0x0];
	[tilespmem:s30+$0x80] =	vst v6;
	v6 =	vmul.f32 $8.000000000e+00, v7  }
0x219: {  	[tilespmem:s30+$0x90] =	vst v5;
	v0 =	vmul.f32 $8.000000000e+00, v0  }
0x21a: {  	s7 =	sadd.s32 $0x1, s7;
	[tilespmem:s30+$0xA0] =	vst v6;
	v1 =	vmul.f32 $8.000000000e+00, v1  }
0x21b: {  	p0 =	sne.s32 s7, $0x10;
	[tilespmem:s30+$0xB0] =	vst v0;
	v61 =	vmul.f32 $8.000000000e+00, v2  }
.Ltmp8:
0x21c: {  	[tilespmem:s30+$0xC0] =	vst v1;
	v62 =	vmul.f32 $8.000000000e+00, v3;
	(pc) =	sbr.rel @p0 .LBB2_2-.Ltmp8, $4  }
0x21d: {  	s1 =	smul.u32 $0x640, s17;
	v63 =	vmul.f32 $8.000000000e+00, v4;
	[tilespmem:s30+$0xD0] =	vst v61  }
0x21e: {  	s6 =	rddreg [dreg:$0x1];
	[tilespmem:s30+$0xE0] =	vst v62  }
0x21f: {  	s1 =	sadd.s32 s6, s1;
	[tilespmem:s30+$0x0] =	vst v63  }
0x220: {  	[hbm4b:s1+s2] =	stream.linear.scatter [tilespmem:s25], [sflag:$0x3], $0xC800, $0x38;
	[tilespmem:$0x19320] =	vst v63  }
0x221: {  	s1 =	simm.s32 $0x2  }
0x222: {  	_ =	swait.ge [sflag:s1], $0xC800  }
0x223: {  	[sflag:s1] =	ssyncset.done $0x0  }
0x224: {  	s6 =	simm.s32 $0x3;
	[sflag:s1] =	ssyncadd.s32 $0xFFFF3800  }
0x225: {  	_ =	swait.ge [sflag:s6], $0xC800  }
0x226: {  	s7 =	rddreg [dreg:$0x5]  }
0x227: {  	s30 =	rddreg [dreg:$0x4];
	s7 =	sadd.s32 $0x1, s7  }
0x228: {  	p0 =	sne.s32 s7, s30  }
.Ltmp9:
0x229: {  	_ = 	snop;
	(pc) =	sbr.rel @p0 .LBB2_1-.Ltmp9, $3  }
0x22a: {  	_ =	sdelay $0x1  }
0x22b: {  	[sflag:s6] =	ssyncset.done $0x0  }
0x22c: {  	[sflag:s6] =	ssyncadd.s32 $0xFFFF3800  }
0x22d: {  	_ =	sfence.sel $0x180000  }
0x22e: {  	[bflag:$0x0] =	sbarrier.arrive $0xFFFF  }
0x22f: {  	_ =	strace $0x90000047  }
0x230: {  	s0 =	stileid.u32;
	[bflag:$0x2] =	sbarrier.arrive $0xFFFF  }
0x231: {  	p0 =	sne.s32 s0, $0x0;
	s0 =	rddreg [dreg:$0x2]  }
0x232: {  	s0 =	sadd.s32 @!p0 $0x100000, s0  }
0x233: {  	[sflag:s0] =	ssyncadd.tile.s32 @!p0 $0x1;
	_ =	shalt  }
.Lfunc_end2:
_tile_overlayer_lowered:
.L_overlay_start_2:
0x234: {  	(tag) =	ssettag $0x2  }
0x235: {  	s0 =	rddreg [dreg:$0x0];
	s2 =	stileid.u32  }
0x236: {  	s1 =	rddreg [dreg:$0x1];
	p0 =	sne.s32 s2, $0x0  }
0x237: {  	s3 =	rddreg [dreg:$0x2];
	[bflag:$0x3] =	sbarrier.arrive $0xFFFF;
	s2 =	simm.s32 @!p0 $0x1C04  }
0x238: {  	[timem:s3], [sflag:s2] =	dma.local @!p0 [hbm:s0], s1  }
0x239: {  	s0 =	simm.s32 @!p0 $0x4  }
0x23a: {  	_ =	swait.ge @!p0 [sflag:s0], s1  }
0x23b: {  	s1 =	ssub.s32 @!p0 $0x0, s1;
	[sflag:s0] =	ssyncset.done @!p0 $0x0  }
0x23c: {  	[sflag:s0] =	ssyncadd.s32 @!p0 s1  }
0x23d: {  	[bflag:$0x3] =	sbarrier.arrive $0xFFFF  }
0x23e: {  	_ =	shalt  }

// kernel: sparse-core-data-format-call.cloned.1.call-start
scs
called_computation_lowered:
.L_overlay_start_0:
0x0: {  	s2 =	sld [smem:$0x3FD9]  }
0x1: {  	s3 =	sld [smem:$0x3FFE];
	_ =	sdelay $0x1  }
0x2: {  	s1 =	srdreg.scid  }
0x3: {  	s0 =	sand.u32 $0x1, s1  }
0x4: {  	s18 =	sshll.u32 s0, $0xA;
	s2 =	sadd.s32 s3, s2  }
0x5: {  	s2 =	sadd.s32 s2, s18  }
0x6: {  	[smem:$0x3FC6] =	sst s2  }
0x7: {  	_ = 	snop  }
0x8: {  	s2 =	sld [smem:$0x3FD0];
	(tm) =	ssettm $0x1  }
0x9: {  	s19 =	sld [smem:$0x3FFB];
	_ =	sdelay $0x3  }
0xa: {  	_ =	strace s19  }
0xb: {  	s3 =	sld [smem:$0x3FFC];
	_ =	sdelay $0x3  }
0xc: {  	_ =	strace s3  }
0xd: {  	s3 =	sld [smem:$0x3FFD];
	_ =	sdelay $0x3  }
0xe: {  	_ =	strace s3  }
0xf: {  	_ =	strace $0x8FFFFFFF  }
0x10: {  	s20 =	sld [smem:$0x3FDB];
	_ =	sdelay $0x1  }
0x11: {  	s4 =	simm.s32 $_scs_section_size  }
0x12: {  	s5 =	simm.s32 $_size__tile_overlayer_lowered;
	s6 =	simm.s32 $_tile_overlayer_lowered  }
0x13: {  	s23 =	simm.s32 $0x1BFF;
	s22 =	sshll.u32 s6, $0x1;
	s3 =	sadd.s32 s4, s20  }
0x14: {  	s7 =	simm.s32 $0x0;
	s21 =	sshll.u32 s5, $0x1;
	s5 =	sadd.s32 s22, s3  }
0x15: {  	[timem:s7], [sflag:s23] =	dma.local [hbm:s5], s21  }
0x16: {  	_ =	swait.ge [sflag:s23], s21  }
0x17: {  	s4 =	ssub.s32 $0x0, s21;
	[sflag:s23] =	ssyncset.done $0x0  }
0x18: {  	[sflag:s23] =	ssyncadd.s32 s4;
	_ =	sdelay $0x1  }
0x19: {  	s24 =	simm.s32 $0x1B8B  }
0x1a: {  	_ =	swait.ge [sflag:s24], $0x1  }
0x1b: {  	[sflag:s24] =	ssyncset.done $0x0  }
0x1c: {  	s26 =	simm.s32 $0x1B8E;
	s25 =	sld [smem:$0x3FFE];
	[sflag:s24] =	ssyncadd.s32 $0xFFFFFFFF  }
0x1d: {  	s27 =	simm.s32 $execute0_lowered;
	[smem:$0x3FD2] =	sst s26  }
0x1e: {  	s5 =	sshll.u32 s27, $0x1;
	_ =	strace $0x80000049;
	[dreg:$0x1] =	wrdreg $0xFFFFFFFF  }
0x1f: {  	s28 =	simm.s32 $_size_execute0_lowered;
	s3 =	sadd.s32 s3, s5;
	[dreg:$0x0] =	wrdreg $0x0  }
0x20: {  	s5 =	sshll.u32 s28, $0x1;
	[dreg:$0x2] =	wrdreg s3  }
0x21: {  	[dreg:$0x3] =	wrdreg s5  }
0x22: {  	[dreg:$0x4] =	wrdreg $0xC0  }
0x23: {  	_ =	task [dreg:s7], $0x5FFFF  }
0x24: {  	[dreg:$0x1] =	wrdreg $0xFFFFFFFF  }
0x25: {  	[dreg:$0x0] =	wrdreg $0x60  }
0x26: {  	[dreg:$0x2] =	wrdreg s25  }
0x27: {  	[dreg:$0x3] =	wrdreg s2  }
0x28: {  	[dreg:$0x4] =	wrdreg $0x9  }
0x29: {  	_ =	task.clear_ibuf [dreg:s7], $0x5FFFF;
	_ =	strace $0x90000049  }
0x2a: {  	s29 =	simm.s32 $0x9;
	_ =	strace $0x8000004B  }
0x2b: {  	_ =	swait.ge [sflag:s29], $0x1  }
0x2c: {  	[sflag:s29] =	ssyncadd.s32 $0xFFFFFFFF  }
0x2d: {  	_ =	strace $0x9000004B  }
0x2e: {  	_ =	sfence  }
0x2f: {  	s30 =	sld [smem:$0x0];
	_ =	sdelay $0x2  }
0x30: {  	s31 =	sshll.u32 s1, $0xD;
	s1 =	sshrl.u32 s1, $0x2  }
0x31: {  	s3 =	sand.u32 $0x4000, s31;
	s1 =	sadd.s32 s1, s30  }
0x32: {  	s0 =	sor.u32 s3, s0;
	s1 =	sshll.u32 s1, $0x11  }
0x33: {  	s0 =	sor.u32 s1, s0  }
0x34: {  	s0 =	sadd.s32 $0x8F2B, s0  }
0x35: {  	[sflag:s0] =	ssyncadd.remote.s32 $0x1  }
0x36: {  	_ =	sfence.sel $0xFFFF  }
0x37: {  	[dreg:$0x0] =	wrdreg $0xFFFFFFFF;
	(pc) =	sbr.abs _section_cstart, $3  }
0x38: {  	[dreg:$0x1] =	wrdreg $0xFFFFFFFF  }
0x39: {  	_ =	task.clear_ibuf [dreg:s7], $0x2FFFF;
	_ =	strace $0x9FFFFFFF  }
0x3a: {  	(tm) =	ssettm $0x7FFFFFFF  }
0x3b: {  	_ =	shalt  }
tec
execute0_lowered:
.L_overlay_start_1:
0x0: {  	(tag) =	ssettag $0x1  }
0x1: {  	s0 =	srdreg.scid  }
0x2: {  	s1 =	sshll.u32 s0, $0x4  }
0x3: {  	s0 =	stileid.u32;
	s1 =	sand.u32 $0x10, s1  }
0x4: {  	s1 =	sor.u32 s0, s1  }
0x5: {  	s6 =	rddreg [dreg:$0x0];
	s4 =	simm.s32 $0x1;
	s2 =	sshll.u32 s1, $0x7  }
0x6: {  	s7 =	simm.s32 $0x2;
	s12 =	simm.s32 $0x0;
	s1 =	ssub.s32 $0x1000, s2  }
0x7: {  	s8 =	simm.s32 $0x8000;
	s13 =	simm.s32 $0x0;
	s3 =	sand.u32 $0xF80, s1  }
0x8: {  	s9 =	simm.s32 $0x0;
	s5 =	sshrl.u32 s1, $0xC;
	p0 =	sne.s32 s3, $0x0  }
.Ltmp0:
0x9: {  	s1 =	rddreg [dreg:$0x2];
	s4 =	simm.s32 @!p0 $0x0;
	(pc) =	sbr.rel .LBB1_1-.Ltmp0, $4  }
0xa: {  	s11 =	simm.s32 $0x0;
	s3 =	rddreg [dreg:$0x1];
	s5 =	sadd.s32 s4, s5  }
0xb: {  	_ =	strace $0x8000004A;
	s4 =	simm.s32 $0x1;
	s5 =	smul.u32 $0xC8, s5  }
0xc: {  	s6 =	sadd.s32 $0xA00, s6;
	s10 =	smov.u32 s2;
	[sflag:s4] =	ssyncpa.u1 $0x0  }
0xd: {  	p0 =	por $0x0, $0x0;
	[sflag:s7] =	ssyncpa.u1 $0x0;
	s7 =	sor.u32 $0x1, s5  }
.LBB1_4:
0xe: {  	s16 =	sshll.u32 s13, $0x3;
	s17 =	sand.u32 $0x78, s13  }
0xf: {  	s30 =	sand.u32 $0x7E00, s13;
	s12 =	sshll.u32 s12, $0xF;
	s16 =	sand.u32 $0xC00, s16  }
0x10: {  	[tilespmem:s15+$0x810 ss:$0x81] =	vst.msk $0xffff, v2;
	s31 =	sand.u32 $0x7, s13;
	s16 =	sor.u32 s17, s16;
	s17 =	sadd.s32 s3, s30  }
0x11: {  	[tilespmem:s15+$0x1020 ss:$0x81] =	vst.msk $0xffff, v0;
	s13 =	sshll.u32 s31, $0x12;
	s12 =	sadd.s32 s12, s17;
	s16 =	sshrl.u32 s16, $0x3  }
0x12: {  	[tilespmem:s15+$0x0 ss:$0x81] =	vst.msk $0xffff, v1;
	s13 =	sor.u32 $0x400, s13;
	s12 =	sadd.s32 s16, s12  }
0x13: {  	[hbm4b:s12+s13] =	stream.strided.scatter [tilespmem:s14], [sflag:$0x2], $0x2000, s8, s13, $0x20;
	[tilespmem:$0x8080] =	vst v63  }
.LBB1_5:
0x14: {  	s14 =	sadd.s32 $0x1, s9  }
0x15: {  	s12 =	sadd.s32 $0x1000, s10;
	s16 =	smov.u32 s10;
	p2 =	sgt.s32 s14, $0xC7  }
0x16: {  	s16 =	smov.u32 @p2 s12  }
0x17: {  	s14 =	simm.s32 @p2 $0x0;
	p2 =	sgt.s32 s16, $0xFFF  }
0x18: {  	s16 =	smov.u32 @p2 s2;
	p2 =	sne.s32 s11, s7  }
.Ltmp1:
0x19: {  	p1 =	slt.u32 s11, $0x2;
	(pc) =	sbr.rel @!p2 .LBB1_6-.Ltmp1, $4  }
0x1a: {  	s15 =	simm.s32 @!p1 $0x2  }
0x1b: {  	s13 =	smov.u32 s10;
	p0 =	por !p0, !p0;
	_ =	swait.ge @!p1 [sflag:s15], $0x2000  }
0x1c: {  	s12 =	smov.u32 s9;
	[sflag:s15] =	ssyncset.done @!p1 $0x0;
	s9 =	smov.u32 s14  }
0x1d: {  	s11 =	sadd.s32 $0x1, s11;
	[sflag:s15] =	ssyncadd.s32 @!p1 $0xFFFFE000;
	s10 =	smov.u32 s16  }
.LBB1_1:
0x1e: {  	p1 =	sge.u32 s11, s5  }
0x1f: {  	s14 =	sand.u32 @!p1 $0x1FFFFFF, s9  }
0x20: {  	s15 =	smulhi.u32 @!p1 $0x147AE15, s14;
	_ =	sdelay $0x1  }
0x21: {  	s15 =	smul.u32 @!p1 $0xC8, s15  }
0x22: {  	s16 =	sxor.u32 @!p1 $0xFFFFFFFF, s11;
	s17 =	smul.u32 @!p1 $0xC80, s10  }
0x23: {  	s31 =	sadd.s32 $0xFFFFFFFF, s11;
	s16 =	sshll.u32 @!p1 s16, $0xD;
	s14 =	ssub.s32 @!p1 s14, s15  }
0x24: {  	s15 =	sand.u32 @!p1 $0x2000, s16;
	s16 =	sadd.s32 @!p1 s6, s17;
	s14 =	sshll.u32 @!p1 s14, $0x4  }
0x25: {  	s17 =	simm.s32 @!p1 $0x6400;
	s14 =	sadd.s32 @!p1 s14, s16;
	s16 =	simm.s32 @!p1 $0x40  }
0x26: {  	[tilespmem:s15], [sflag:$0x1] =	stream.strided.gather @!p1 [hbm4b:s14+s16], $0x2000, s17, s16, $0x38;
	[tilespmem:$0x8080] =	vst v63  }
0x27: {  	p1 =	sge.u32 s31, s5  }
.Ltmp2:
0x28: {  	_ = 	snop;
	(pc) =	sbr.rel @p1 .LBB1_5-.Ltmp2, $1  }
0x29: {  	_ =	sdelay $0x3  }
0x2a: {  	s14 =	simm.s32 $0x1  }
0x2b: {  	_ =	swait.ge [sflag:s4], $0x2000;
	s14 =	simm.s32 @!p0 $0x0  }
0x2c: {  	[sflag:s4] =	ssyncset.done $0x0;
	s15 =	sshll.u32 s14, $0xD  }
0x2d: {  	[sflag:s4] =	ssyncadd.s32 $0xFFFFE000;
	s18 =	sor.u32 $0x20, s15  }
0x2e: {  	s14 =	smul.u32 $0x8100, s14;
	v3 =	vld [tilespmem:s18+$0x10]  }
0x2f: {  	s30 =	sand.u32 $0x1, s11;
	v2 =	vld [tilespmem:s18+$0xFFFFFFF0]  }
0x30: {  	s15 =	smul.u32 $0x8100, s30;
	s14 =	sshrl.u32 s14, $0x2;
	v0 =	vld [tilespmem:s18+$0x0]  }
0x31: {  	v1 =	vld [tilespmem:s18+$0xFFFFFFE0];
	s16 =	sor.u32 $0x4000, s14  }
0x32: {  	s31 =	sshrl.u32 s15, $0x2;
	s15 =	sadd.s32 $0x0, s16  }
0x33: {  	s17 =	simm.s32 $0x4;
	s18 =	sadd.s32 $0x40, s18;
	s14 =	sor.u32 $0x4000, s31;
	[tilespmem:s15+$0x1830 ss:$0x81] =	vst.msk $0xffff, v3  }
.LBB1_3:
0x34: {  	v3 =	vld [tilespmem:s18+$0x10];
	p1 =	sne.s32 s17, $0x1FC;
	[tilespmem:s15+$0x810 ss:$0x81] =	vst.msk $0xffff, v2;
	s19 =	smov.u32 s17;
	s17 =	sadd.s32 $0x4, s17  }
.Ltmp3:
0x35: {  	v2 =	vld [tilespmem:s18+$0xFFFFFFF0];
	[tilespmem:s15+$0x1020 ss:$0x81] =	vst.msk $0xffff, v0;
	(pc) =	sbr.rel @p1 .LBB1_3-.Ltmp3, $4  }
0x36: {  	v0 =	vld [tilespmem:s18+$0x0];
	[tilespmem:s15+$0x0 ss:$0x81] =	vst.msk $0xffff, v1  }
0x37: {  	s15 =	sshra.s32 s19, $0x2;
	v1 =	vld [tilespmem:s18+$0xFFFFFFE0]  }
0x38: {  	s15 =	sadd.s32 s15, s16  }
0x39: {  	s18 =	sadd.s32 $0x40, s18;
	[tilespmem:s15+$0x1830 ss:$0x81] =	vst.msk $0xffff, v3  }
.Ltmp4:
0x3a: {  	_ = 	snop;
	(pc) =	sbr.rel .LBB1_4-.Ltmp4, $1  }
0x3b: {  	_ =	sdelay $0x3  }
.LBB1_6:
0x3c: {  	_ =	sfence.sel $0x180000  }
0x3d: {  	s2 =	simm.s32 $0x1;
	[bflag:$0x0] =	sbarrier.arrive $0xFFFF  }
0x3e: {  	s31 =	simm.s32 $0x2;
	[sflag:s2] =	ssyncpa.u1 $0x1  }
0x3f: {  	[sflag:s31] =	ssyncpa.u1 $0x1  }
0x40: {  	p0 =	sne.s32 s0, $0x0;
	_ =	strace $0x9000004A  }
0x41: {  	s0 =	sadd.s32 @!p0 $0x100000, s1;
	[bflag:$0x2] =	sbarrier.arrive $0xFFFF  }
0x42: {  	[sflag:s0] =	ssyncadd.tile.s32 @!p0 $0x1;
	_ =	shalt  }
.Lfunc_end1:
_tile_overlayer_lowered:
.L_overlay_start_2:
0x43: {  	(tag) =	ssettag $0x2  }
0x44: {  	s0 =	rddreg [dreg:$0x0];
	s2 =	stileid.u32  }
0x45: {  	s1 =	rddreg [dreg:$0x1];
	p0 =	sne.s32 s2, $0x0  }
0x46: {  	s3 =	rddreg [dreg:$0x2];
	[bflag:$0x3] =	sbarrier.arrive $0xFFFF;
	s2 =	simm.s32 @!p0 $0x1C01  }
0x47: {  	[timem:s3], [sflag:s2] =	dma.local @!p0 [hbm:s0], s1  }
0x48: {  	s0 =	simm.s32 @!p0 $0x1  }
0x49: {  	_ =	swait.ge @!p0 [sflag:s0], s1  }
0x4a: {  	s1 =	ssub.s32 @!p0 $0x0, s1;
	[sflag:s0] =	ssyncset.done @!p0 $0x0  }
0x4b: {  	[sflag:s0] =	ssyncadd.s32 @!p0 s1  }
0x4c: {  	[bflag:$0x3] =	sbarrier.arrive $0xFFFF  }
0x4d: {  	_ =	shalt  }

</sc_bundles>
